<compile_context>
chip_gen: v7x
topology: tpu7x:2x2x1
jax: 0.10.2.dev20260603
libtpu: 0.0.44.dev20260713+nightly
codegen_flags: <defaults>
</compile_context>

<pallas_src>
import functools

import jax
import jax.numpy as jnp
from jax import lax
from jax.experimental import pallas as pl
from jax.experimental.pallas import tpu as pltpu
from jax.experimental.pallas import tpu_sc as plsc

B, L = 4096, 50
V = 100000
D0, D1, D2 = 32, 16, 16
DP, D3 = 128, 32
DOUT = D0 + D1 + D2 + D3
N = B * L

NC, NS = 2, 16
NW = NC * NS
PER_W = N // NW
CHUNK = 256
NCHUNK = PER_W // CHUNK

NBUF = 2
NSTEP = NCHUNK // NBUF
TAIL = NCHUNK - NSTEP * NBUF

_OFFS = (0, D0, D0 + D1, D0 + D1 + D2)
_DIMS = (D0, D1, D2, D3)



_FROWS = 4000


def _fold_body(wd_ref, wr_ref, br_ref, out_ref):
    x = wd_ref[...].reshape(_FROWS // 4, 4, DP)
    wr = wr_ref[...]
    br = br_ref[...]
    for f in range(4):
        out_ref[:, pl.ds(f * D3, D3)] = (
            jnp.dot(x[:, f, :], wr, preferred_element_type=jnp.float32) + br)


def _fold_table(W_objectData, W_red, b_red):
    grid = (V // _FROWS,)
    folded = pl.pallas_call(
        _fold_body,
        grid=grid,
        in_specs=[
            pl.BlockSpec((_FROWS, DP), lambda i: (i, 0)),
            pl.BlockSpec((DP, D3), lambda i: (0, 0)),
            pl.BlockSpec((1, D3), lambda i: (0, 0)),
        ],
        out_specs=pl.BlockSpec((_FROWS * D3 // 128, 128), lambda i: (i, 0)),
        out_shape=jax.ShapeDtypeStruct((V * D3 // 128, 128), jnp.float32),
    )(W_objectData, W_red, b_red.reshape(1, D3))
    return folded.reshape(V, D3)



_H = CHUNK // 128


_ROWS_W = NCHUNK * 4 * _H


def _sc_body(idx_hbm, t0, t1, t2, t3, out_hbm,
             idx_v, bufs, gsems, wsems):
    wid = lax.axis_index("s") * NC + lax.axis_index("c")
    base = wid * PER_W
    tabs = (t0, t1, t2, t3)
    pltpu.sync_copy(idx_hbm.at[pl.ds(wid * _ROWS_W, _ROWS_W)], idx_v)

    def _gather_descs(b, c):
        ds = []
        for f in range(4):
            for h in range(_H):
                ds.append(pltpu.make_async_copy(
                    tabs[f].at[idx_v.at[(c * 4 + f) * _H + h]],
                    bufs[b][f].at[pl.ds(h * 128, 128)], gsems[b]))
        return ds

    def fire_gathers(b, c):
        for d in _gather_descs(b, c):
            d.start()

    def wait_gathers(b, c):
        for d in _gather_descs(b, c):
            d.wait()

    class _W:
        def __init__(self, b, c):
            rb = base + c * CHUNK
            self.ds = [
                pltpu.make_async_copy(
                    bufs[b][f],
                    out_hbm.at[pl.ds(rb, CHUNK), pl.ds(_OFFS[f], _DIMS[f])],
                    wsems[b])
                for f in range(4)
            ]

        def start(self):
            for d in self.ds:
                d.start()

        def wait(self):
            for d in self.ds:
                d.wait()

    write = _W

    for b in range(NBUF):
        fire_gathers(b, b)

    def body(s, _):
        c0 = s * NBUF
        for b in range(NBUF):
            wait_gathers(b, c0 + b)
            write(b, c0 + b).start()
        for b in range(NBUF):
            write(b, c0 + b).wait()
            fire_gathers(b, c0 + NBUF + b)
        return ()

    lax.fori_loop(0, NSTEP - 1, body, ())

    c0 = (NSTEP - 1) * NBUF
    for b in range(NBUF):
        wait_gathers(b, c0 + b)
        write(b, c0 + b).start()
    for b in range(NBUF):
        write(b, c0 + b).wait()
    for t in range(TAIL):
        c = NSTEP * NBUF + t
        b = t % NBUF
        fire_gathers(b, c)
        wait_gathers(b, c)
        write(b, c).start()
        write(b, c).wait()


_sc_gather = functools.partial(
    pl.kernel,
    out_type=jax.ShapeDtypeStruct((N, DOUT), jnp.float32),
    mesh=plsc.VectorSubcoreMesh(core_axis_name="c", subcore_axis_name="s"),
    compiler_params=pltpu.CompilerParams(use_tc_tiling_on_sc=False),
    scratch_types=[
        pltpu.VMEM((_ROWS_W, 128), jnp.int32),
        [[pltpu.VMEM((CHUNK, d), jnp.float32) for d in _DIMS]
         for _ in range(NBUF)],
        [pltpu.SemaphoreType.DMA for _ in range(NBUF)],
        [pltpu.SemaphoreType.DMA for _ in range(NBUF)],
    ],
)(_sc_body)


def kernel(input, W_subject, W_event, W_objectType, W_objectData, W_red, b_red):
    folded = _fold_table(W_objectData, W_red, b_red)
    idx = (input.reshape(NW, NCHUNK, _H, 128, 4)
           .transpose(0, 1, 4, 2, 3)
           .reshape(NW * NCHUNK * 4 * _H, 128))
    out = _sc_gather(idx, W_subject, W_event, W_objectType, folded)
    return out.reshape(B, L, DOUT)

# --- scband reference (transcript-rebuilt; emitter-appended) ---
"""Pipeline reference for scband-embed-data-58652073394393 (READ-ONLY COPY).

The authoritative reference and input builder live on the scoring server;
editing this copy changes nothing except your own understanding.
"""

import jax, jax.numpy as jnp
import numpy as np

B, L = 4096, 50
V = 100000
D_SUBJ, D_EVT, D_OBJT, D_OBJD = 32, 16, 16, 32
D_PRETRAINED = 128


def setup_inputs(seed: int = 0) -> dict:
    key = jax.random.key(seed)
    ks = jax.random.split(key, 8)
    inp = jax.random.randint(ks[0], (B, L, 4), 0, V, dtype=jnp.int32)
    W_subject = jax.random.normal(ks[1], (V, D_SUBJ), dtype=jnp.float32) * 0.02
    W_event = jax.random.normal(ks[2], (V, D_EVT), dtype=jnp.float32) * 0.02
    W_objectType = jax.random.normal(ks[3], (V, D_OBJT), dtype=jnp.float32) * 0.02
    W_objectData = jax.random.normal(ks[4], (V, D_PRETRAINED), dtype=jnp.float32) * 0.02
    W_red = jax.random.normal(ks[5], (D_PRETRAINED, D_OBJD), dtype=jnp.float32) * 0.02
    b_red = jnp.zeros((D_OBJD,), dtype=jnp.float32)
    return {
        'input': inp,
        'W_subject': W_subject,
        'W_event': W_event,
        'W_objectType': W_objectType,
        'W_objectData': W_objectData,
        'W_red': W_red,
        'b_red': b_red,
    }


def reference(input, W_subject, W_event, W_objectType, W_objectData, W_red, b_red):
    subject_embedded = jnp.take(W_subject, input[:, :, 0], axis=0)
    event_embedded = jnp.take(W_event, input[:, :, 1], axis=0)
    objectType_embedded = jnp.take(W_objectType, input[:, :, 2], axis=0)
    objectData_raw = jnp.take(W_objectData, input[:, :, 3], axis=0)
    objectData_embedded = objectData_raw @ W_red + b_red
    return jnp.concatenate([subject_embedded, event_embedded, objectType_embedded, objectData_embedded], axis=-1)

if __name__ == "__main__":
    import jax
    _d = setup_inputs()
    print(jax.jit(kernel)(*tuple(_d.values())))

</pallas_src>

<mosaic_0001>
#map = affine_map<(d0, d1) -> (0, 0)>
module attributes {stable_mosaic.version = 14 : i64} {
  func.func @_sc_body(%arg0: i32, %arg1: i32, %arg2: memref<6400x128xi32, #tpu.memory_space<hbm>>, %arg3: memref<100000x32xf32, #tpu.memory_space<hbm>>, %arg4: memref<100000x16xf32, #tpu.memory_space<hbm>>, %arg5: memref<100000x16xf32, #tpu.memory_space<hbm>>, %arg6: memref<100000x32xf32, #tpu.memory_space<hbm>>, %arg7: memref<204800x96xf32, #tpu.memory_space<hbm>>, %arg8: memref<200x128xi32, #tpu.memory_space<vmem>>, %arg9: memref<256x32xf32, #tpu.memory_space<vmem>>, %arg10: memref<256x16xf32, #tpu.memory_space<vmem>>, %arg11: memref<256x16xf32, #tpu.memory_space<vmem>>, %arg12: memref<256x32xf32, #tpu.memory_space<vmem>>, %arg13: memref<256x32xf32, #tpu.memory_space<vmem>>, %arg14: memref<256x16xf32, #tpu.memory_space<vmem>>, %arg15: memref<256x16xf32, #tpu.memory_space<vmem>>, %arg16: memref<256x32xf32, #tpu.memory_space<vmem>>, %arg17: memref<!tpu.dma_semaphore, #tpu.memory_space<semaphore_mem>>, %arg18: memref<!tpu.dma_semaphore, #tpu.memory_space<semaphore_mem>>, %arg19: memref<!tpu.dma_semaphore, #tpu.memory_space<semaphore_mem>>, %arg20: memref<!tpu.dma_semaphore, #tpu.memory_space<semaphore_mem>>) attributes {dimension_semantics = [#tpu.dimension_semantics<core_parallel>, #tpu.dimension_semantics<subcore_parallel>], iteration_bounds = array<i64: 2, 16>, scalar_prefetch = 0 : i64, scratch_operands = 13 : i64, tpu.core_type = #tpu.core_type<sc_vector_subcore>, window_params = [{transform_indices = #map}, {transform_indices = #map}, {transform_indices = #map}, {transform_indices = #map}, {transform_indices = #map}, {transform_indices = #map}]} {
    %mul3A = arith.constant 2 : i32
    %mul3A_0 = arith.muli %arg1, %mul3A : i32
    %add3A = arith.addi %mul3A_0, %arg0 : i32
    %mul3A_1 = arith.constant 6400 : i32
    %mul3A_2 = arith.muli %add3A, %mul3A_1 : i32
    %mul3A_3 = arith.constant 200 : i32
    %mul3A_4 = arith.muli %add3A, %mul3A_3 : i32
    "tpu.region"() ({
      %run_scoped3A = tpu.sem_alloc : memref<!tpu.dma_semaphore, #tpu.memory_space<semaphore_mem>>
      %dma_start3A_595 = arith.constant 0 : i32
      %dma_start3A_596 = tpu.memref_slice %arg2[%mul3A_4, %dma_start3A_595] : memref<6400x128xi32, #tpu.memory_space<hbm>> -> memref<200x128xi32, #tpu.memory_space<hbm>>
      %dma_start3A_597 = arith.constant 0 : i32
      %dma_start3A_598 = tpu.memref_slice %arg2[%mul3A_4, %dma_start3A_597] : memref<6400x128xi32, #tpu.memory_space<hbm>> -> memref<200x128xi32, #tpu.memory_space<hbm>>
      tpu.enqueue_dma source(%dma_start3A_598 : memref<200x128xi32, #tpu.memory_space<hbm>>) target(%arg8 : memref<200x128xi32, #tpu.memory_space<vmem>>) target_semaphore(%run_scoped3A : memref<!tpu.dma_semaphore, #tpu.memory_space<semaphore_mem>>)
      %dma_wait3A_599 = arith.constant 0 : i32
      %dma_wait3A_600 = tpu.memref_slice %arg2[%mul3A_4, %dma_wait3A_599] : memref<6400x128xi32, #tpu.memory_space<hbm>> -> memref<200x128xi32, #tpu.memory_space<hbm>>
      %dma_wait3A_601 = arith.constant 0 : i32
      %dma_wait3A_602 = tpu.memref_slice %arg2[%mul3A_4, %dma_wait3A_601] : memref<6400x128xi32, #tpu.memory_space<hbm>> -> memref<200x128xi32, #tpu.memory_space<hbm>>
      tpu.wait_dma2 semaphore(%run_scoped3A : memref<!tpu.dma_semaphore, #tpu.memory_space<semaphore_mem>>) src(%dma_wait3A_602 : memref<200x128xi32, #tpu.memory_space<hbm>>) dst(%arg8 : memref<200x128xi32, #tpu.memory_space<vmem>>)
      tpu.yield
    }) : () -> ()
    %dma_start3A = arith.constant 0 : i32
    %dma_start3A_5 = arith.constant 0 : i32
    %dma_start3A_6 = arith.constant 0 : i32
    %dma_start3A_7 = tpu.memref_slice %arg9[%dma_start3A_5, %dma_start3A_6] : memref<256x32xf32, #tpu.memory_space<vmem>> -> memref<128x32xf32, #tpu.memory_space<vmem>>
    %dma_start3A_8 = arith.constant 0 : i32
    %dma_start3A_9 = tpu.memref_slice %arg8[%dma_start3A, %dma_start3A_8] : memref<200x128xi32, #tpu.memory_space<vmem>> -> memref<1x128xi32, #tpu.memory_space<vmem>>
    %dma_start3A_10 = tpu.memref_squeeze %dma_start3A_9 : memref<1x128xi32, #tpu.memory_space<vmem>> -> memref<128xi32, #tpu.memory_space<vmem>>
    %dma_start3A_11 = arith.constant 0 : i32
    %dma_start3A_12 = arith.constant 0 : i32
    %dma_start3A_13 = tpu.memref_slice %arg3[%dma_start3A_11, %dma_start3A_12] : memref<100000x32xf32, #tpu.memory_space<hbm>> -> memref<100000x32xf32, #tpu.memory_space<hbm>>
    tpu.enqueue_indirect_dma source(%dma_start3A_13 : memref<100000x32xf32, #tpu.memory_space<hbm>>) target(%dma_start3A_7 : memref<128x32xf32, #tpu.memory_space<vmem>>) offsets(%dma_start3A_10 : memref<128xi32, #tpu.memory_space<vmem>>) semaphore(%arg17 : memref<!tpu.dma_semaphore, #tpu.memory_space<semaphore_mem>>)
    %dma_start3A_14 = arith.constant 1 : i32
    %dma_start3A_15 = arith.constant 128 : i32
    %dma_start3A_16 = arith.constant 0 : i32
    %dma_start3A_17 = tpu.memref_slice %arg9[%dma_start3A_15, %dma_start3A_16] : memref<256x32xf32, #tpu.memory_space<vmem>> -> memref<128x32xf32, #tpu.memory_space<vmem>>
    %dma_start3A_18 = arith.constant 0 : i32
    %dma_start3A_19 = tpu.memref_slice %arg8[%dma_start3A_14, %dma_start3A_18] : memref<200x128xi32, #tpu.memory_space<vmem>> -> memref<1x128xi32, #tpu.memory_space<vmem>>
    %dma_start3A_20 = tpu.memref_squeeze %dma_start3A_19 : memref<1x128xi32, #tpu.memory_space<vmem>> -> memref<128xi32, #tpu.memory_space<vmem>>
    %dma_start3A_21 = arith.constant 0 : i32
    %dma_start3A_22 = arith.constant 0 : i32
    %dma_start3A_23 = tpu.memref_slice %arg3[%dma_start3A_21, %dma_start3A_22] : memref<100000x32xf32, #tpu.memory_space<hbm>> -> memref<100000x32xf32, #tpu.memory_space<hbm>>
    tpu.enqueue_indirect_dma source(%dma_start3A_23 : memref<100000x32xf32, #tpu.memory_space<hbm>>) target(%dma_start3A_17 : memref<128x32xf32, #tpu.memory_space<vmem>>) offsets(%dma_start3A_20 : memref<128xi32, #tpu.memory_space<vmem>>) semaphore(%arg17 : memref<!tpu.dma_semaphore, #tpu.memory_space<semaphore_mem>>)
    %dma_start3A_24 = arith.constant 2 : i32
    %dma_start3A_25 = arith.constant 0 : i32
    %dma_start3A_26 = arith.constant 0 : i32
    %dma_start3A_27 = tpu.memref_slice %arg10[%dma_start3A_25, %dma_start3A_26] : memref<256x16xf32, #tpu.memory_space<vmem>> -> memref<128x16xf32, #tpu.memory_space<vmem>>
    %dma_start3A_28 = arith.constant 0 : i32
    %dma_start3A_29 = tpu.memref_slice %arg8[%dma_start3A_24, %dma_start3A_28] : memref<200x128xi32, #tpu.memory_space<vmem>> -> memref<1x128xi32, #tpu.memory_space<vmem>>
    %dma_start3A_30 = tpu.memref_squeeze %dma_start3A_29 : memref<1x128xi32, #tpu.memory_space<vmem>> -> memref<128xi32, #tpu.memory_space<vmem>>
    %dma_start3A_31 = arith.constant 0 : i32
    %dma_start3A_32 = arith.constant 0 : i32
    %dma_start3A_33 = tpu.memref_slice %arg4[%dma_start3A_31, %dma_start3A_32] : memref<100000x16xf32, #tpu.memory_space<hbm>> -> memref<100000x16xf32, #tpu.memory_space<hbm>>
    tpu.enqueue_indirect_dma source(%dma_start3A_33 : memref<100000x16xf32, #tpu.memory_space<hbm>>) target(%dma_start3A_27 : memref<128x16xf32, #tpu.memory_space<vmem>>) offsets(%dma_start3A_30 : memref<128xi32, #tpu.memory_space<vmem>>) semaphore(%arg17 : memref<!tpu.dma_semaphore, #tpu.memory_space<semaphore_mem>>)
    %dma_start3A_34 = arith.constant 3 : i32
    %dma_start3A_35 = arith.constant 128 : i32
    %dma_start3A_36 = arith.constant 0 : i32
    %dma_start3A_37 = tpu.memref_slice %arg10[%dma_start3A_35, %dma_start3A_36] : memref<256x16xf32, #tpu.memory_space<vmem>> -> memref<128x16xf32, #tpu.memory_space<vmem>>
    %dma_start3A_38 = arith.constant 0 : i32
    %dma_start3A_39 = tpu.memref_slice %arg8[%dma_start3A_34, %dma_start3A_38] : memref<200x128xi32, #tpu.memory_space<vmem>> -> memref<1x128xi32, #tpu.memory_space<vmem>>
    %dma_start3A_40 = tpu.memref_squeeze %dma_start3A_39 : memref<1x128xi32, #tpu.memory_space<vmem>> -> memref<128xi32, #tpu.memory_space<vmem>>
    %dma_start3A_41 = arith.constant 0 : i32
    %dma_start3A_42 = arith.constant 0 : i32
    %dma_start3A_43 = tpu.memref_slice %arg4[%dma_start3A_41, %dma_start3A_42] : memref<100000x16xf32, #tpu.memory_space<hbm>> -> memref<100000x16xf32, #tpu.memory_space<hbm>>
    tpu.enqueue_indirect_dma source(%dma_start3A_43 : memref<100000x16xf32, #tpu.memory_space<hbm>>) target(%dma_start3A_37 : memref<128x16xf32, #tpu.memory_space<vmem>>) offsets(%dma_start3A_40 : memref<128xi32, #tpu.memory_space<vmem>>) semaphore(%arg17 : memref<!tpu.dma_semaphore, #tpu.memory_space<semaphore_mem>>)
    %dma_start3A_44 = arith.constant 4 : i32
    %dma_start3A_45 = arith.constant 0 : i32
    %dma_start3A_46 = arith.constant 0 : i32
    %dma_start3A_47 = tpu.memref_slice %arg11[%dma_start3A_45, %dma_start3A_46] : memref<256x16xf32, #tpu.memory_space<vmem>> -> memref<128x16xf32, #tpu.memory_space<vmem>>
    %dma_start3A_48 = arith.constant 0 : i32
    %dma_start3A_49 = tpu.memref_slice %arg8[%dma_start3A_44, %dma_start3A_48] : memref<200x128xi32, #tpu.memory_space<vmem>> -> memref<1x128xi32, #tpu.memory_space<vmem>>
    %dma_start3A_50 = tpu.memref_squeeze %dma_start3A_49 : memref<1x128xi32, #tpu.memory_space<vmem>> -> memref<128xi32, #tpu.memory_space<vmem>>
    %dma_start3A_51 = arith.constant 0 : i32
    %dma_start3A_52 = arith.constant 0 : i32
    %dma_start3A_53 = tpu.memref_slice %arg5[%dma_start3A_51, %dma_start3A_52] : memref<100000x16xf32, #tpu.memory_space<hbm>> -> memref<100000x16xf32, #tpu.memory_space<hbm>>
    tpu.enqueue_indirect_dma source(%dma_start3A_53 : memref<100000x16xf32, #tpu.memory_space<hbm>>) target(%dma_start3A_47 : memref<128x16xf32, #tpu.memory_space<vmem>>) offsets(%dma_start3A_50 : memref<128xi32, #tpu.memory_space<vmem>>) semaphore(%arg17 : memref<!tpu.dma_semaphore, #tpu.memory_space<semaphore_mem>>)
    %dma_start3A_54 = arith.constant 5 : i32
    %dma_start3A_55 = arith.constant 128 : i32
    %dma_start3A_56 = arith.constant 0 : i32
    %dma_start3A_57 = tpu.memref_slice %arg11[%dma_start3A_55, %dma_start3A_56] : memref<256x16xf32, #tpu.memory_space<vmem>> -> memref<128x16xf32, #tpu.memory_space<vmem>>
    %dma_start3A_58 = arith.constant 0 : i32
    %dma_start3A_59 = tpu.memref_slice %arg8[%dma_start3A_54, %dma_start3A_58] : memref<200x128xi32, #tpu.memory_space<vmem>> -> memref<1x128xi32, #tpu.memory_space<vmem>>
    %dma_start3A_60 = tpu.memref_squeeze %dma_start3A_59 : memref<1x128xi32, #tpu.memory_space<vmem>> -> memref<128xi32, #tpu.memory_space<vmem>>
    %dma_start3A_61 = arith.constant 0 : i32
    %dma_start3A_62 = arith.constant 0 : i32
    %dma_start3A_63 = tpu.memref_slice %arg5[%dma_start3A_61, %dma_start3A_62] : memref<100000x16xf32, #tpu.memory_space<hbm>> -> memref<100000x16xf32, #tpu.memory_space<hbm>>
    tpu.enqueue_indirect_dma source(%dma_start3A_63 : memref<100000x16xf32, #tpu.memory_space<hbm>>) target(%dma_start3A_57 : memref<128x16xf32, #tpu.memory_space<vmem>>) offsets(%dma_start3A_60 : memref<128xi32, #tpu.memory_space<vmem>>) semaphore(%arg17 : memref<!tpu.dma_semaphore, #tpu.memory_space<semaphore_mem>>)
    %dma_start3A_64 = arith.constant 6 : i32
    %dma_start3A_65 = arith.constant 0 : i32
    %dma_start3A_66 = arith.constant 0 : i32
    %dma_start3A_67 = tpu.memref_slice %arg12[%dma_start3A_65, %dma_start3A_66] : memref<256x32xf32, #tpu.memory_space<vmem>> -> memref<128x32xf32, #tpu.memory_space<vmem>>
    %dma_start3A_68 = arith.constant 0 : i32
    %dma_start3A_69 = tpu.memref_slice %arg8[%dma_start3A_64, %dma_start3A_68] : memref<200x128xi32, #tpu.memory_space<vmem>> -> memref<1x128xi32, #tpu.memory_space<vmem>>
    %dma_start3A_70 = tpu.memref_squeeze %dma_start3A_69 : memref<1x128xi32, #tpu.memory_space<vmem>> -> memref<128xi32, #tpu.memory_space<vmem>>
    %dma_start3A_71 = arith.constant 0 : i32
    %dma_start3A_72 = arith.constant 0 : i32
    %dma_start3A_73 = tpu.memref_slice %arg6[%dma_start3A_71, %dma_start3A_72] : memref<100000x32xf32, #tpu.memory_space<hbm>> -> memref<100000x32xf32, #tpu.memory_space<hbm>>
    tpu.enqueue_indirect_dma source(%dma_start3A_73 : memref<100000x32xf32, #tpu.memory_space<hbm>>) target(%dma_start3A_67 : memref<128x32xf32, #tpu.memory_space<vmem>>) offsets(%dma_start3A_70 : memref<128xi32, #tpu.memory_space<vmem>>) semaphore(%arg17 : memref<!tpu.dma_semaphore, #tpu.memory_space<semaphore_mem>>)
    %dma_start3A_74 = arith.constant 7 : i32
    %dma_start3A_75 = arith.constant 128 : i32
    %dma_start3A_76 = arith.constant 0 : i32
    %dma_start3A_77 = tpu.memref_slice %arg12[%dma_start3A_75, %dma_start3A_76] : memref<256x32xf32, #tpu.memory_space<vmem>> -> memref<128x32xf32, #tpu.memory_space<vmem>>
    %dma_start3A_78 = arith.constant 0 : i32
    %dma_start3A_79 = tpu.memref_slice %arg8[%dma_start3A_74, %dma_start3A_78] : memref<200x128xi32, #tpu.memory_space<vmem>> -> memref<1x128xi32, #tpu.memory_space<vmem>>
    %dma_start3A_80 = tpu.memref_squeeze %dma_start3A_79 : memref<1x128xi32, #tpu.memory_space<vmem>> -> memref<128xi32, #tpu.memory_space<vmem>>
    %dma_start3A_81 = arith.constant 0 : i32
    %dma_start3A_82 = arith.constant 0 : i32
    %dma_start3A_83 = tpu.memref_slice %arg6[%dma_start3A_81, %dma_start3A_82] : memref<100000x32xf32, #tpu.memory_space<hbm>> -> memref<100000x32xf32, #tpu.memory_space<hbm>>
    tpu.enqueue_indirect_dma source(%dma_start3A_83 : memref<100000x32xf32, #tpu.memory_space<hbm>>) target(%dma_start3A_77 : memref<128x32xf32, #tpu.memory_space<vmem>>) offsets(%dma_start3A_80 : memref<128xi32, #tpu.memory_space<vmem>>) semaphore(%arg17 : memref<!tpu.dma_semaphore, #tpu.memory_space<semaphore_mem>>)
    %dma_start3A_84 = arith.constant 8 : i32
    %dma_start3A_85 = arith.constant 0 : i32
    %dma_start3A_86 = arith.constant 0 : i32
    %dma_start3A_87 = tpu.memref_slice %arg13[%dma_start3A_85, %dma_start3A_86] : memref<256x32xf32, #tpu.memory_space<vmem>> -> memref<128x32xf32, #tpu.memory_space<vmem>>
    %dma_start3A_88 = arith.constant 0 : i32
    %dma_start3A_89 = tpu.memref_slice %arg8[%dma_start3A_84, %dma_start3A_88] : memref<200x128xi32, #tpu.memory_space<vmem>> -> memref<1x128xi32, #tpu.memory_space<vmem>>
    %dma_start3A_90 = tpu.memref_squeeze %dma_start3A_89 : memref<1x128xi32, #tpu.memory_space<vmem>> -> memref<128xi32, #tpu.memory_space<vmem>>
    %dma_start3A_91 = arith.constant 0 : i32
    %dma_start3A_92 = arith.constant 0 : i32
    %dma_start3A_93 = tpu.memref_slice %arg3[%dma_start3A_91, %dma_start3A_92] : memref<100000x32xf32, #tpu.memory_space<hbm>> -> memref<100000x32xf32, #tpu.memory_space<hbm>>
    tpu.enqueue_indirect_dma source(%dma_start3A_93 : memref<100000x32xf32, #tpu.memory_space<hbm>>) target(%dma_start3A_87 : memref<128x32xf32, #tpu.memory_space<vmem>>) offsets(%dma_start3A_90 : memref<128xi32, #tpu.memory_space<vmem>>) semaphore(%arg18 : memref<!tpu.dma_semaphore, #tpu.memory_space<semaphore_mem>>)
    %dma_start3A_94 = arith.constant 9 : i32
    %dma_start3A_95 = arith.constant 128 : i32
    %dma_start3A_96 = arith.constant 0 : i32
    %dma_start3A_97 = tpu.memref_slice %arg13[%dma_start3A_95, %dma_start3A_96] : memref<256x32xf32, #tpu.memory_space<vmem>> -> memref<128x32xf32, #tpu.memory_space<vmem>>
    %dma_start3A_98 = arith.constant 0 : i32
    %dma_start3A_99 = tpu.memref_slice %arg8[%dma_start3A_94, %dma_start3A_98] : memref<200x128xi32, #tpu.memory_space<vmem>> -> memref<1x128xi32, #tpu.memory_space<vmem>>
    %dma_start3A_100 = tpu.memref_squeeze %dma_start3A_99 : memref<1x128xi32, #tpu.memory_space<vmem>> -> memref<128xi32, #tpu.memory_space<vmem>>
    %dma_start3A_101 = arith.constant 0 : i32
    %dma_start3A_102 = arith.constant 0 : i32
    %dma_start3A_103 = tpu.memref_slice %arg3[%dma_start3A_101, %dma_start3A_102] : memref<100000x32xf32, #tpu.memory_space<hbm>> -> memref<100000x32xf32, #tpu.memory_space<hbm>>
    tpu.enqueue_indirect_dma source(%dma_start3A_103 : memref<100000x32xf32, #tpu.memory_space<hbm>>) target(%dma_start3A_97 : memref<128x32xf32, #tpu.memory_space<vmem>>) offsets(%dma_start3A_100 : memref<128xi32, #tpu.memory_space<vmem>>) semaphore(%arg18 : memref<!tpu.dma_semaphore, #tpu.memory_space<semaphore_mem>>)
    %dma_start3A_104 = arith.constant 10 : i32
    %dma_start3A_105 = arith.constant 0 : i32
    %dma_start3A_106 = arith.constant 0 : i32
    %dma_start3A_107 = tpu.memref_slice %arg14[%dma_start3A_105, %dma_start3A_106] : memref<256x16xf32, #tpu.memory_space<vmem>> -> memref<128x16xf32, #tpu.memory_space<vmem>>
    %dma_start3A_108 = arith.constant 0 : i32
    %dma_start3A_109 = tpu.memref_slice %arg8[%dma_start3A_104, %dma_start3A_108] : memref<200x128xi32, #tpu.memory_space<vmem>> -> memref<1x128xi32, #tpu.memory_space<vmem>>
    %dma_start3A_110 = tpu.memref_squeeze %dma_start3A_109 : memref<1x128xi32, #tpu.memory_space<vmem>> -> memref<128xi32, #tpu.memory_space<vmem>>
    %dma_start3A_111 = arith.constant 0 : i32
    %dma_start3A_112 = arith.constant 0 : i32
    %dma_start3A_113 = tpu.memref_slice %arg4[%dma_start3A_111, %dma_start3A_112] : memref<100000x16xf32, #tpu.memory_space<hbm>> -> memref<100000x16xf32, #tpu.memory_space<hbm>>
    tpu.enqueue_indirect_dma source(%dma_start3A_113 : memref<100000x16xf32, #tpu.memory_space<hbm>>) target(%dma_start3A_107 : memref<128x16xf32, #tpu.memory_space<vmem>>) offsets(%dma_start3A_110 : memref<128xi32, #tpu.memory_space<vmem>>) semaphore(%arg18 : memref<!tpu.dma_semaphore, #tpu.memory_space<semaphore_mem>>)
    %dma_start3A_114 = arith.constant 11 : i32
    %dma_start3A_115 = arith.constant 128 : i32
    %dma_start3A_116 = arith.constant 0 : i32
    %dma_start3A_117 = tpu.memref_slice %arg14[%dma_start3A_115, %dma_start3A_116] : memref<256x16xf32, #tpu.memory_space<vmem>> -> memref<128x16xf32, #tpu.memory_space<vmem>>
    %dma_start3A_118 = arith.constant 0 : i32
    %dma_start3A_119 = tpu.memref_slice %arg8[%dma_start3A_114, %dma_start3A_118] : memref<200x128xi32, #tpu.memory_space<vmem>> -> memref<1x128xi32, #tpu.memory_space<vmem>>
    %dma_start3A_120 = tpu.memref_squeeze %dma_start3A_119 : memref<1x128xi32, #tpu.memory_space<vmem>> -> memref<128xi32, #tpu.memory_space<vmem>>
    %dma_start3A_121 = arith.constant 0 : i32
    %dma_start3A_122 = arith.constant 0 : i32
    %dma_start3A_123 = tpu.memref_slice %arg4[%dma_start3A_121, %dma_start3A_122] : memref<100000x16xf32, #tpu.memory_space<hbm>> -> memref<100000x16xf32, #tpu.memory_space<hbm>>
    tpu.enqueue_indirect_dma source(%dma_start3A_123 : memref<100000x16xf32, #tpu.memory_space<hbm>>) target(%dma_start3A_117 : memref<128x16xf32, #tpu.memory_space<vmem>>) offsets(%dma_start3A_120 : memref<128xi32, #tpu.memory_space<vmem>>) semaphore(%arg18 : memref<!tpu.dma_semaphore, #tpu.memory_space<semaphore_mem>>)
    %dma_start3A_124 = arith.constant 12 : i32
    %dma_start3A_125 = arith.constant 0 : i32
    %dma_start3A_126 = arith.constant 0 : i32
    %dma_start3A_127 = tpu.memref_slice %arg15[%dma_start3A_125, %dma_start3A_126] : memref<256x16xf32, #tpu.memory_space<vmem>> -> memref<128x16xf32, #tpu.memory_space<vmem>>
    %dma_start3A_128 = arith.constant 0 : i32
    %dma_start3A_129 = tpu.memref_slice %arg8[%dma_start3A_124, %dma_start3A_128] : memref<200x128xi32, #tpu.memory_space<vmem>> -> memref<1x128xi32, #tpu.memory_space<vmem>>
    %dma_start3A_130 = tpu.memref_squeeze %dma_start3A_129 : memref<1x128xi32, #tpu.memory_space<vmem>> -> memref<128xi32, #tpu.memory_space<vmem>>
    %dma_start3A_131 = arith.constant 0 : i32
    %dma_start3A_132 = arith.constant 0 : i32
    %dma_start3A_133 = tpu.memref_slice %arg5[%dma_start3A_131, %dma_start3A_132] : memref<100000x16xf32, #tpu.memory_space<hbm>> -> memref<100000x16xf32, #tpu.memory_space<hbm>>
    tpu.enqueue_indirect_dma source(%dma_start3A_133 : memref<100000x16xf32, #tpu.memory_space<hbm>>) target(%dma_start3A_127 : memref<128x16xf32, #tpu.memory_space<vmem>>) offsets(%dma_start3A_130 : memref<128xi32, #tpu.memory_space<vmem>>) semaphore(%arg18 : memref<!tpu.dma_semaphore, #tpu.memory_space<semaphore_mem>>)
    %dma_start3A_134 = arith.constant 13 : i32
    %dma_start3A_135 = arith.constant 128 : i32
    %dma_start3A_136 = arith.constant 0 : i32
    %dma_start3A_137 = tpu.memref_slice %arg15[%dma_start3A_135, %dma_start3A_136] : memref<256x16xf32, #tpu.memory_space<vmem>> -> memref<128x16xf32, #tpu.memory_space<vmem>>
    %dma_start3A_138 = arith.constant 0 : i32
    %dma_start3A_139 = tpu.memref_slice %arg8[%dma_start3A_134, %dma_start3A_138] : memref<200x128xi32, #tpu.memory_space<vmem>> -> memref<1x128xi32, #tpu.memory_space<vmem>>
    %dma_start3A_140 = tpu.memref_squeeze %dma_start3A_139 : memref<1x128xi32, #tpu.memory_space<vmem>> -> memref<128xi32, #tpu.memory_space<vmem>>
    %dma_start3A_141 = arith.constant 0 : i32
    %dma_start3A_142 = arith.constant 0 : i32
    %dma_start3A_143 = tpu.memref_slice %arg5[%dma_start3A_141, %dma_start3A_142] : memref<100000x16xf32, #tpu.memory_space<hbm>> -> memref<100000x16xf32, #tpu.memory_space<hbm>>
    tpu.enqueue_indirect_dma source(%dma_start3A_143 : memref<100000x16xf32, #tpu.memory_space<hbm>>) target(%dma_start3A_137 : memref<128x16xf32, #tpu.memory_space<vmem>>) offsets(%dma_start3A_140 : memref<128xi32, #tpu.memory_space<vmem>>) semaphore(%arg18 : memref<!tpu.dma_semaphore, #tpu.memory_space<semaphore_mem>>)
    %dma_start3A_144 = arith.constant 14 : i32
    %dma_start3A_145 = arith.constant 0 : i32
    %dma_start3A_146 = arith.constant 0 : i32
    %dma_start3A_147 = tpu.memref_slice %arg16[%dma_start3A_145, %dma_start3A_146] : memref<256x32xf32, #tpu.memory_space<vmem>> -> memref<128x32xf32, #tpu.memory_space<vmem>>
    %dma_start3A_148 = arith.constant 0 : i32
    %dma_start3A_149 = tpu.memref_slice %arg8[%dma_start3A_144, %dma_start3A_148] : memref<200x128xi32, #tpu.memory_space<vmem>> -> memref<1x128xi32, #tpu.memory_space<vmem>>
    %dma_start3A_150 = tpu.memref_squeeze %dma_start3A_149 : memref<1x128xi32, #tpu.memory_space<vmem>> -> memref<128xi32, #tpu.memory_space<vmem>>
    %dma_start3A_151 = arith.constant 0 : i32
    %dma_start3A_152 = arith.constant 0 : i32
    %dma_start3A_153 = tpu.memref_slice %arg6[%dma_start3A_151, %dma_start3A_152] : memref<100000x32xf32, #tpu.memory_space<hbm>> -> memref<100000x32xf32, #tpu.memory_space<hbm>>
    tpu.enqueue_indirect_dma source(%dma_start3A_153 : memref<100000x32xf32, #tpu.memory_space<hbm>>) target(%dma_start3A_147 : memref<128x32xf32, #tpu.memory_space<vmem>>) offsets(%dma_start3A_150 : memref<128xi32, #tpu.memory_space<vmem>>) semaphore(%arg18 : memref<!tpu.dma_semaphore, #tpu.memory_space<semaphore_mem>>)
    %dma_start3A_154 = arith.constant 15 : i32
    %dma_start3A_155 = arith.constant 128 : i32
    %dma_start3A_156 = arith.constant 0 : i32
    %dma_start3A_157 = tpu.memref_slice %arg16[%dma_start3A_155, %dma_start3A_156] : memref<256x32xf32, #tpu.memory_space<vmem>> -> memref<128x32xf32, #tpu.memory_space<vmem>>
    %dma_start3A_158 = arith.constant 0 : i32
    %dma_start3A_159 = tpu.memref_slice %arg8[%dma_start3A_154, %dma_start3A_158] : memref<200x128xi32, #tpu.memory_space<vmem>> -> memref<1x128xi32, #tpu.memory_space<vmem>>
    %dma_start3A_160 = tpu.memref_squeeze %dma_start3A_159 : memref<1x128xi32, #tpu.memory_space<vmem>> -> memref<128xi32, #tpu.memory_space<vmem>>
    %dma_start3A_161 = arith.constant 0 : i32
    %dma_start3A_162 = arith.constant 0 : i32
    %dma_start3A_163 = tpu.memref_slice %arg6[%dma_start3A_161, %dma_start3A_162] : memref<100000x32xf32, #tpu.memory_space<hbm>> -> memref<100000x32xf32, #tpu.memory_space<hbm>>
    tpu.enqueue_indirect_dma source(%dma_start3A_163 : memref<100000x32xf32, #tpu.memory_space<hbm>>) target(%dma_start3A_157 : memref<128x32xf32, #tpu.memory_space<vmem>>) offsets(%dma_start3A_160 : memref<128xi32, #tpu.memory_space<vmem>>) semaphore(%arg18 : memref<!tpu.dma_semaphore, #tpu.memory_space<semaphore_mem>>)
    %scan3A = arith.constant 0 : i32
    %scan3A_164 = arith.constant 11 : i32
    %scan3A_165 = arith.addi %scan3A, %scan3A_164 : i32
    %scan3A_166 = arith.constant 1 : i32
    scf.for %scan3A_595 = %scan3A to %scan3A_165 step %scan3A_166  : i32 {
      %mul3A_596 = arith.constant 2 : i32
      %mul3A_597 = arith.muli %scan3A_595, %mul3A_596 : i32
      %add3A_598 = arith.constant 0 : i32
      %add3A_599 = arith.addi %mul3A_597, %add3A_598 : i32
      %mul3A_600 = arith.constant 4 : i32
      %mul3A_601 = arith.muli %add3A_599, %mul3A_600 : i32
      %add3A_602 = arith.constant 0 : i32
      %add3A_603 = arith.addi %mul3A_601, %add3A_602 : i32
      %mul3A_604 = arith.constant 2 : i32
      %mul3A_605 = arith.muli %add3A_603, %mul3A_604 : i32
      %add3A_606 = arith.constant 0 : i32
      %add3A_607 = arith.addi %mul3A_605, %add3A_606 : i32
      %mul3A_608 = arith.constant 4 : i32
      %mul3A_609 = arith.muli %add3A_599, %mul3A_608 : i32
      %add3A_610 = arith.constant 0 : i32
      %add3A_611 = arith.addi %mul3A_609, %add3A_610 : i32
      %mul3A_612 = arith.constant 2 : i32
      %mul3A_613 = arith.muli %add3A_611, %mul3A_612 : i32
      %add3A_614 = arith.constant 1 : i32
      %add3A_615 = arith.addi %mul3A_613, %add3A_614 : i32
      %mul3A_616 = arith.constant 4 : i32
      %mul3A_617 = arith.muli %add3A_599, %mul3A_616 : i32
      %add3A_618 = arith.constant 1 : i32
      %add3A_619 = arith.addi %mul3A_617, %add3A_618 : i32
      %mul3A_620 = arith.constant 2 : i32
      %mul3A_621 = arith.muli %add3A_619, %mul3A_620 : i32
      %add3A_622 = arith.constant 0 : i32
      %add3A_623 = arith.addi %mul3A_621, %add3A_622 : i32
      %mul3A_624 = arith.constant 4 : i32
      %mul3A_625 = arith.muli %add3A_599, %mul3A_624 : i32
      %add3A_626 = arith.constant 1 : i32
      %add3A_627 = arith.addi %mul3A_625, %add3A_626 : i32
      %mul3A_628 = arith.constant 2 : i32
      %mul3A_629 = arith.muli %add3A_627, %mul3A_628 : i32
      %add3A_630 = arith.constant 1 : i32
      %add3A_631 = arith.addi %mul3A_629, %add3A_630 : i32
      %mul3A_632 = arith.constant 4 : i32
      %mul3A_633 = arith.muli %add3A_599, %mul3A_632 : i32
      %add3A_634 = arith.constant 2 : i32
      %add3A_635 = arith.addi %mul3A_633, %add3A_634 : i32
      %mul3A_636 = arith.constant 2 : i32
      %mul3A_637 = arith.muli %add3A_635, %mul3A_636 : i32
      %add3A_638 = arith.constant 0 : i32
      %add3A_639 = arith.addi %mul3A_637, %add3A_638 : i32
      %mul3A_640 = arith.constant 4 : i32
      %mul3A_641 = arith.muli %add3A_599, %mul3A_640 : i32
      %add3A_642 = arith.constant 2 : i32
      %add3A_643 = arith.addi %mul3A_641, %add3A_642 : i32
      %mul3A_644 = arith.constant 2 : i32
      %mul3A_645 = arith.muli %add3A_643, %mul3A_644 : i32
      %add3A_646 = arith.constant 1 : i32
      %add3A_647 = arith.addi %mul3A_645, %add3A_646 : i32
      %mul3A_648 = arith.constant 4 : i32
      %mul3A_649 = arith.muli %add3A_599, %mul3A_648 : i32
      %add3A_650 = arith.constant 3 : i32
      %add3A_651 = arith.addi %mul3A_649, %add3A_650 : i32
      %mul3A_652 = arith.constant 2 : i32
      %mul3A_653 = arith.muli %add3A_651, %mul3A_652 : i32
      %add3A_654 = arith.constant 0 : i32
      %add3A_655 = arith.addi %mul3A_653, %add3A_654 : i32
      %mul3A_656 = arith.constant 4 : i32
      %mul3A_657 = arith.muli %add3A_599, %mul3A_656 : i32
      %add3A_658 = arith.constant 3 : i32
      %add3A_659 = arith.addi %mul3A_657, %add3A_658 : i32
      %mul3A_660 = arith.constant 2 : i32
      %mul3A_661 = arith.muli %add3A_659, %mul3A_660 : i32
      %add3A_662 = arith.constant 1 : i32
      %add3A_663 = arith.addi %mul3A_661, %add3A_662 : i32
      %dma_wait3A_664 = arith.constant 0 : i32
      %dma_wait3A_665 = arith.constant 0 : i32
      %dma_wait3A_666 = tpu.memref_slice %arg9[%dma_wait3A_664, %dma_wait3A_665] : memref<256x32xf32, #tpu.memory_space<vmem>> -> memref<128x32xf32, #tpu.memory_space<vmem>>
      %dma_wait3A_667 = arith.constant 0 : i32
      %dma_wait3A_668 = tpu.memref_slice %arg8[%add3A_607, %dma_wait3A_667] : memref<200x128xi32, #tpu.memory_space<vmem>> -> memref<1x128xi32, #tpu.memory_space<vmem>>
      %dma_wait3A_669 = tpu.memref_squeeze %dma_wait3A_668 : memref<1x128xi32, #tpu.memory_space<vmem>> -> memref<128xi32, #tpu.memory_space<vmem>>
      %dma_wait3A_670 = arith.constant 0 : i32
      %dma_wait3A_671 = arith.constant 0 : i32
      %dma_wait3A_672 = tpu.memref_slice %arg3[%dma_wait3A_670, %dma_wait3A_671] : memref<100000x32xf32, #tpu.memory_space<hbm>> -> memref<100000x32xf32, #tpu.memory_space<hbm>>
      tpu.wait_indirect_dma semaphore(%arg17 : memref<!tpu.dma_semaphore, #tpu.memory_space<semaphore_mem>>) src(%dma_wait3A_672 : memref<100000x32xf32, #tpu.memory_space<hbm>>) dst(%dma_wait3A_666 : memref<128x32xf32, #tpu.memory_space<vmem>>)
      %dma_wait3A_673 = arith.constant 128 : i32
      %dma_wait3A_674 = arith.constant 0 : i32
      %dma_wait3A_675 = tpu.memref_slice %arg9[%dma_wait3A_673, %dma_wait3A_674] : memref<256x32xf32, #tpu.memory_space<vmem>> -> memref<128x32xf32, #tpu.memory_space<vmem>>
      %dma_wait3A_676 = arith.constant 0 : i32
      %dma_wait3A_677 = tpu.memref_slice %arg8[%add3A_615, %dma_wait3A_676] : memref<200x128xi32, #tpu.memory_space<vmem>> -> memref<1x128xi32, #tpu.memory_space<vmem>>
      %dma_wait3A_678 = tpu.memref_squeeze %dma_wait3A_677 : memref<1x128xi32, #tpu.memory_space<vmem>> -> memref<128xi32, #tpu.memory_space<vmem>>
      %dma_wait3A_679 = arith.constant 0 : i32
      %dma_wait3A_680 = arith.constant 0 : i32
      %dma_wait3A_681 = tpu.memref_slice %arg3[%dma_wait3A_679, %dma_wait3A_680] : memref<100000x32xf32, #tpu.memory_space<hbm>> -> memref<100000x32xf32, #tpu.memory_space<hbm>>
      tpu.wait_indirect_dma semaphore(%arg17 : memref<!tpu.dma_semaphore, #tpu.memory_space<semaphore_mem>>) src(%dma_wait3A_681 : memref<100000x32xf32, #tpu.memory_space<hbm>>) dst(%dma_wait3A_675 : memref<128x32xf32, #tpu.memory_space<vmem>>)
      %dma_wait3A_682 = arith.constant 0 : i32
      %dma_wait3A_683 = arith.constant 0 : i32
      %dma_wait3A_684 = tpu.memref_slice %arg10[%dma_wait3A_682, %dma_wait3A_683] : memref<256x16xf32, #tpu.memory_space<vmem>> -> memref<128x16xf32, #tpu.memory_space<vmem>>
      %dma_wait3A_685 = arith.constant 0 : i32
      %dma_wait3A_686 = tpu.memref_slice %arg8[%add3A_623, %dma_wait3A_685] : memref<200x128xi32, #tpu.memory_space<vmem>> -> memref<1x128xi32, #tpu.memory_space<vmem>>
      %dma_wait3A_687 = tpu.memref_squeeze %dma_wait3A_686 : memref<1x128xi32, #tpu.memory_space<vmem>> -> memref<128xi32, #tpu.memory_space<vmem>>
      %dma_wait3A_688 = arith.constant 0 : i32
      %dma_wait3A_689 = arith.constant 0 : i32
      %dma_wait3A_690 = tpu.memref_slice %arg4[%dma_wait3A_688, %dma_wait3A_689] : memref<100000x16xf32, #tpu.memory_space<hbm>> -> memref<100000x16xf32, #tpu.memory_space<hbm>>
      tpu.wait_indirect_dma semaphore(%arg17 : memref<!tpu.dma_semaphore, #tpu.memory_space<semaphore_mem>>) src(%dma_wait3A_690 : memref<100000x16xf32, #tpu.memory_space<hbm>>) dst(%dma_wait3A_684 : memref<128x16xf32, #tpu.memory_space<vmem>>)
      %dma_wait3A_691 = arith.constant 128 : i32
      %dma_wait3A_692 = arith.constant 0 : i32
      %dma_wait3A_693 = tpu.memref_slice %arg10[%dma_wait3A_691, %dma_wait3A_692] : memref<256x16xf32, #tpu.memory_space<vmem>> -> memref<128x16xf32, #tpu.memory_space<vmem>>
      %dma_wait3A_694 = arith.constant 0 : i32
      %dma_wait3A_695 = tpu.memref_slice %arg8[%add3A_631, %dma_wait3A_694] : memref<200x128xi32, #tpu.memory_space<vmem>> -> memref<1x128xi32, #tpu.memory_space<vmem>>
      %dma_wait3A_696 = tpu.memref_squeeze %dma_wait3A_695 : memref<1x128xi32, #tpu.memory_space<vmem>> -> memref<128xi32, #tpu.memory_space<vmem>>
      %dma_wait3A_697 = arith.constant 0 : i32
      %dma_wait3A_698 = arith.constant 0 : i32
      %dma_wait3A_699 = tpu.memref_slice %arg4[%dma_wait3A_697, %dma_wait3A_698] : memref<100000x16xf32, #tpu.memory_space<hbm>> -> memref<100000x16xf32, #tpu.memory_space<hbm>>
      tpu.wait_indirect_dma semaphore(%arg17 : memref<!tpu.dma_semaphore, #tpu.memory_space<semaphore_mem>>) src(%dma_wait3A_699 : memref<100000x16xf32, #tpu.memory_space<hbm>>) dst(%dma_wait3A_693 : memref<128x16xf32, #tpu.memory_space<vmem>>)
      %dma_wait3A_700 = arith.constant 0 : i32
      %dma_wait3A_701 = arith.constant 0 : i32
      %dma_wait3A_702 = tpu.memref_slice %arg11[%dma_wait3A_700, %dma_wait3A_701] : memref<256x16xf32, #tpu.memory_space<vmem>> -> memref<128x16xf32, #tpu.memory_space<vmem>>
      %dma_wait3A_703 = arith.constant 0 : i32
      %dma_wait3A_704 = tpu.memref_slice %arg8[%add3A_639, %dma_wait3A_703] : memref<200x128xi32, #tpu.memory_space<vmem>> -> memref<1x128xi32, #tpu.memory_space<vmem>>
      %dma_wait3A_705 = tpu.memref_squeeze %dma_wait3A_704 : memref<1x128xi32, #tpu.memory_space<vmem>> -> memref<128xi32, #tpu.memory_space<vmem>>
      %dma_wait3A_706 = arith.constant 0 : i32
      %dma_wait3A_707 = arith.constant 0 : i32
      %dma_wait3A_708 = tpu.memref_slice %arg5[%dma_wait3A_706, %dma_wait3A_707] : memref<100000x16xf32, #tpu.memory_space<hbm>> -> memref<100000x16xf32, #tpu.memory_space<hbm>>
      tpu.wait_indirect_dma semaphore(%arg17 : memref<!tpu.dma_semaphore, #tpu.memory_space<semaphore_mem>>) src(%dma_wait3A_708 : memref<100000x16xf32, #tpu.memory_space<hbm>>) dst(%dma_wait3A_702 : memref<128x16xf32, #tpu.memory_space<vmem>>)
      %dma_wait3A_709 = arith.constant 128 : i32
      %dma_wait3A_710 = arith.constant 0 : i32
      %dma_wait3A_711 = tpu.memref_slice %arg11[%dma_wait3A_709, %dma_wait3A_710] : memref<256x16xf32, #tpu.memory_space<vmem>> -> memref<128x16xf32, #tpu.memory_space<vmem>>
      %dma_wait3A_712 = arith.constant 0 : i32
      %dma_wait3A_713 = tpu.memref_slice %arg8[%add3A_647, %dma_wait3A_712] : memref<200x128xi32, #tpu.memory_space<vmem>> -> memref<1x128xi32, #tpu.memory_space<vmem>>
      %dma_wait3A_714 = tpu.memref_squeeze %dma_wait3A_713 : memref<1x128xi32, #tpu.memory_space<vmem>> -> memref<128xi32, #tpu.memory_space<vmem>>
      %dma_wait3A_715 = arith.constant 0 : i32
      %dma_wait3A_716 = arith.constant 0 : i32
      %dma_wait3A_717 = tpu.memref_slice %arg5[%dma_wait3A_715, %dma_wait3A_716] : memref<100000x16xf32, #tpu.memory_space<hbm>> -> memref<100000x16xf32, #tpu.memory_space<hbm>>
      tpu.wait_indirect_dma semaphore(%arg17 : memref<!tpu.dma_semaphore, #tpu.memory_space<semaphore_mem>>) src(%dma_wait3A_717 : memref<100000x16xf32, #tpu.memory_space<hbm>>) dst(%dma_wait3A_711 : memref<128x16xf32, #tpu.memory_space<vmem>>)
      %dma_wait3A_718 = arith.constant 0 : i32
      %dma_wait3A_719 = arith.constant 0 : i32
      %dma_wait3A_720 = tpu.memref_slice %arg12[%dma_wait3A_718, %dma_wait3A_719] : memref<256x32xf32, #tpu.memory_space<vmem>> -> memref<128x32xf32, #tpu.memory_space<vmem>>
      %dma_wait3A_721 = arith.constant 0 : i32
      %dma_wait3A_722 = tpu.memref_slice %arg8[%add3A_655, %dma_wait3A_721] : memref<200x128xi32, #tpu.memory_space<vmem>> -> memref<1x128xi32, #tpu.memory_space<vmem>>
      %dma_wait3A_723 = tpu.memref_squeeze %dma_wait3A_722 : memref<1x128xi32, #tpu.memory_space<vmem>> -> memref<128xi32, #tpu.memory_space<vmem>>
      %dma_wait3A_724 = arith.constant 0 : i32
      %dma_wait3A_725 = arith.constant 0 : i32
      %dma_wait3A_726 = tpu.memref_slice %arg6[%dma_wait3A_724, %dma_wait3A_725] : memref<100000x32xf32, #tpu.memory_space<hbm>> -> memref<100000x32xf32, #tpu.memory_space<hbm>>
      tpu.wait_indirect_dma semaphore(%arg17 : memref<!tpu.dma_semaphore, #tpu.memory_space<semaphore_mem>>) src(%dma_wait3A_726 : memref<100000x32xf32, #tpu.memory_space<hbm>>) dst(%dma_wait3A_720 : memref<128x32xf32, #tpu.memory_space<vmem>>)
      %dma_wait3A_727 = arith.constant 128 : i32
      %dma_wait3A_728 = arith.constant 0 : i32
      %dma_wait3A_729 = tpu.memref_slice %arg12[%dma_wait3A_727, %dma_wait3A_728] : memref<256x32xf32, #tpu.memory_space<vmem>> -> memref<128x32xf32, #tpu.memory_space<vmem>>
      %dma_wait3A_730 = arith.constant 0 : i32
      %dma_wait3A_731 = tpu.memref_slice %arg8[%add3A_663, %dma_wait3A_730] : memref<200x128xi32, #tpu.memory_space<vmem>> -> memref<1x128xi32, #tpu.memory_space<vmem>>
      %dma_wait3A_732 = tpu.memref_squeeze %dma_wait3A_731 : memref<1x128xi32, #tpu.memory_space<vmem>> -> memref<128xi32, #tpu.memory_space<vmem>>
      %dma_wait3A_733 = arith.constant 0 : i32
      %dma_wait3A_734 = arith.constant 0 : i32
      %dma_wait3A_735 = tpu.memref_slice %arg6[%dma_wait3A_733, %dma_wait3A_734] : memref<100000x32xf32, #tpu.memory_space<hbm>> -> memref<100000x32xf32, #tpu.memory_space<hbm>>
      tpu.wait_indirect_dma semaphore(%arg17 : memref<!tpu.dma_semaphore, #tpu.memory_space<semaphore_mem>>) src(%dma_wait3A_735 : memref<100000x32xf32, #tpu.memory_space<hbm>>) dst(%dma_wait3A_729 : memref<128x32xf32, #tpu.memory_space<vmem>>)
      %add3A_736 = arith.constant 0 : i32
      %add3A_737 = arith.addi %mul3A_597, %add3A_736 : i32
      %mul3A_738 = arith.constant 256 : i32
      %mul3A_739 = arith.muli %add3A_737, %mul3A_738 : i32
      %add3A_740 = arith.addi %mul3A_2, %mul3A_739 : i32
      %dma_start3A_741 = arith.constant 0 : i32
      %dma_start3A_742 = tpu.memref_slice %arg7[%add3A_740, %dma_start3A_741] : memref<204800x96xf32, #tpu.memory_space<hbm>> -> memref<256x32xf32, #tpu.memory_space<hbm>>
      %dma_start3A_743 = arith.constant 0 : i32
      %dma_start3A_744 = tpu.memref_slice %arg7[%add3A_740, %dma_start3A_743] : memref<204800x96xf32, #tpu.memory_space<hbm>> -> memref<256x32xf32, #tpu.memory_space<hbm>>
      tpu.enqueue_dma source(%arg9 : memref<256x32xf32, #tpu.memory_space<vmem>>) target(%dma_start3A_744 : memref<256x32xf32, #tpu.memory_space<hbm>>) target_semaphore(%arg19 : memref<!tpu.dma_semaphore, #tpu.memory_space<semaphore_mem>>)
      %dma_start3A_745 = arith.constant 32 : i32
      %dma_start3A_746 = tpu.memref_slice %arg7[%add3A_740, %dma_start3A_745] : memref<204800x96xf32, #tpu.memory_space<hbm>> -> memref<256x16xf32, #tpu.memory_space<hbm>>
      %dma_start3A_747 = arith.constant 32 : i32
      %dma_start3A_748 = tpu.memref_slice %arg7[%add3A_740, %dma_start3A_747] : memref<204800x96xf32, #tpu.memory_space<hbm>> -> memref<256x16xf32, #tpu.memory_space<hbm>>
      tpu.enqueue_dma source(%arg10 : memref<256x16xf32, #tpu.memory_space<vmem>>) target(%dma_start3A_748 : memref<256x16xf32, #tpu.memory_space<hbm>>) target_semaphore(%arg19 : memref<!tpu.dma_semaphore, #tpu.memory_space<semaphore_mem>>)
      %dma_start3A_749 = arith.constant 48 : i32
      %dma_start3A_750 = tpu.memref_slice %arg7[%add3A_740, %dma_start3A_749] : memref<204800x96xf32, #tpu.memory_space<hbm>> -> memref<256x16xf32, #tpu.memory_space<hbm>>
      %dma_start3A_751 = arith.constant 48 : i32
      %dma_start3A_752 = tpu.memref_slice %arg7[%add3A_740, %dma_start3A_751] : memref<204800x96xf32, #tpu.memory_space<hbm>> -> memref<256x16xf32, #tpu.memory_space<hbm>>
      tpu.enqueue_dma source(%arg11 : memref<256x16xf32, #tpu.memory_space<vmem>>) target(%dma_start3A_752 : memref<256x16xf32, #tpu.memory_space<hbm>>) target_semaphore(%arg19 : memref<!tpu.dma_semaphore, #tpu.memory_space<semaphore_mem>>)
      %dma_start3A_753 = arith.constant 64 : i32
      %dma_start3A_754 = tpu.memref_slice %arg7[%add3A_740, %dma_start3A_753] : memref<204800x96xf32, #tpu.memory_space<hbm>> -> memref<256x32xf32, #tpu.memory_space<hbm>>
      %dma_start3A_755 = arith.constant 64 : i32
      %dma_start3A_756 = tpu.memref_slice %arg7[%add3A_740, %dma_start3A_755] : memref<204800x96xf32, #tpu.memory_space<hbm>> -> memref<256x32xf32, #tpu.memory_space<hbm>>
      tpu.enqueue_dma source(%arg12 : memref<256x32xf32, #tpu.memory_space<vmem>>) target(%dma_start3A_756 : memref<256x32xf32, #tpu.memory_space<hbm>>) target_semaphore(%arg19 : memref<!tpu.dma_semaphore, #tpu.memory_space<semaphore_mem>>)
      %add3A_757 = arith.constant 1 : i32
      %add3A_758 = arith.addi %mul3A_597, %add3A_757 : i32
      %mul3A_759 = arith.constant 4 : i32
      %mul3A_760 = arith.muli %add3A_758, %mul3A_759 : i32
      %add3A_761 = arith.constant 0 : i32
      %add3A_762 = arith.addi %mul3A_760, %add3A_761 : i32
      %mul3A_763 = arith.constant 2 : i32
      %mul3A_764 = arith.muli %add3A_762, %mul3A_763 : i32
      %add3A_765 = arith.constant 0 : i32
      %add3A_766 = arith.addi %mul3A_764, %add3A_765 : i32
      %mul3A_767 = arith.constant 4 : i32
      %mul3A_768 = arith.muli %add3A_758, %mul3A_767 : i32
      %add3A_769 = arith.constant 0 : i32
      %add3A_770 = arith.addi %mul3A_768, %add3A_769 : i32
      %mul3A_771 = arith.constant 2 : i32
      %mul3A_772 = arith.muli %add3A_770, %mul3A_771 : i32
      %add3A_773 = arith.constant 1 : i32
      %add3A_774 = arith.addi %mul3A_772, %add3A_773 : i32
      %mul3A_775 = arith.constant 4 : i32
      %mul3A_776 = arith.muli %add3A_758, %mul3A_775 : i32
      %add3A_777 = arith.constant 1 : i32
      %add3A_778 = arith.addi %mul3A_776, %add3A_777 : i32
      %mul3A_779 = arith.constant 2 : i32
      %mul3A_780 = arith.muli %add3A_778, %mul3A_779 : i32
      %add3A_781 = arith.constant 0 : i32
      %add3A_782 = arith.addi %mul3A_780, %add3A_781 : i32
      %mul3A_783 = arith.constant 4 : i32
      %mul3A_784 = arith.muli %add3A_758, %mul3A_783 : i32
      %add3A_785 = arith.constant 1 : i32
      %add3A_786 = arith.addi %mul3A_784, %add3A_785 : i32
      %mul3A_787 = arith.constant 2 : i32
      %mul3A_788 = arith.muli %add3A_786, %mul3A_787 : i32
      %add3A_789 = arith.constant 1 : i32
      %add3A_790 = arith.addi %mul3A_788, %add3A_789 : i32
      %mul3A_791 = arith.constant 4 : i32
      %mul3A_792 = arith.muli %add3A_758, %mul3A_791 : i32
      %add3A_793 = arith.constant 2 : i32
      %add3A_794 = arith.addi %mul3A_792, %add3A_793 : i32
      %mul3A_795 = arith.constant 2 : i32
      %mul3A_796 = arith.muli %add3A_794, %mul3A_795 : i32
      %add3A_797 = arith.constant 0 : i32
      %add3A_798 = arith.addi %mul3A_796, %add3A_797 : i32
      %mul3A_799 = arith.constant 4 : i32
      %mul3A_800 = arith.muli %add3A_758, %mul3A_799 : i32
      %add3A_801 = arith.constant 2 : i32
      %add3A_802 = arith.addi %mul3A_800, %add3A_801 : i32
      %mul3A_803 = arith.constant 2 : i32
      %mul3A_804 = arith.muli %add3A_802, %mul3A_803 : i32
      %add3A_805 = arith.constant 1 : i32
      %add3A_806 = arith.addi %mul3A_804, %add3A_805 : i32
      %mul3A_807 = arith.constant 4 : i32
      %mul3A_808 = arith.muli %add3A_758, %mul3A_807 : i32
      %add3A_809 = arith.constant 3 : i32
      %add3A_810 = arith.addi %mul3A_808, %add3A_809 : i32
      %mul3A_811 = arith.constant 2 : i32
      %mul3A_812 = arith.muli %add3A_810, %mul3A_811 : i32
      %add3A_813 = arith.constant 0 : i32
      %add3A_814 = arith.addi %mul3A_812, %add3A_813 : i32
      %mul3A_815 = arith.constant 4 : i32
      %mul3A_816 = arith.muli %add3A_758, %mul3A_815 : i32
      %add3A_817 = arith.constant 3 : i32
      %add3A_818 = arith.addi %mul3A_816, %add3A_817 : i32
      %mul3A_819 = arith.constant 2 : i32
      %mul3A_820 = arith.muli %add3A_818, %mul3A_819 : i32
      %add3A_821 = arith.constant 1 : i32
      %add3A_822 = arith.addi %mul3A_820, %add3A_821 : i32
      %dma_wait3A_823 = arith.constant 0 : i32
      %dma_wait3A_824 = arith.constant 0 : i32
      %dma_wait3A_825 = tpu.memref_slice %arg13[%dma_wait3A_823, %dma_wait3A_824] : memref<256x32xf32, #tpu.memory_space<vmem>> -> memref<128x32xf32, #tpu.memory_space<vmem>>
      %dma_wait3A_826 = arith.constant 0 : i32
      %dma_wait3A_827 = tpu.memref_slice %arg8[%add3A_766, %dma_wait3A_826] : memref<200x128xi32, #tpu.memory_space<vmem>> -> memref<1x128xi32, #tpu.memory_space<vmem>>
      %dma_wait3A_828 = tpu.memref_squeeze %dma_wait3A_827 : memref<1x128xi32, #tpu.memory_space<vmem>> -> memref<128xi32, #tpu.memory_space<vmem>>
      %dma_wait3A_829 = arith.constant 0 : i32
      %dma_wait3A_830 = arith.constant 0 : i32
      %dma_wait3A_831 = tpu.memref_slice %arg3[%dma_wait3A_829, %dma_wait3A_830] : memref<100000x32xf32, #tpu.memory_space<hbm>> -> memref<100000x32xf32, #tpu.memory_space<hbm>>
      tpu.wait_indirect_dma semaphore(%arg18 : memref<!tpu.dma_semaphore, #tpu.memory_space<semaphore_mem>>) src(%dma_wait3A_831 : memref<100000x32xf32, #tpu.memory_space<hbm>>) dst(%dma_wait3A_825 : memref<128x32xf32, #tpu.memory_space<vmem>>)
      %dma_wait3A_832 = arith.constant 128 : i32
      %dma_wait3A_833 = arith.constant 0 : i32
      %dma_wait3A_834 = tpu.memref_slice %arg13[%dma_wait3A_832, %dma_wait3A_833] : memref<256x32xf32, #tpu.memory_space<vmem>> -> memref<128x32xf32, #tpu.memory_space<vmem>>
      %dma_wait3A_835 = arith.constant 0 : i32
      %dma_wait3A_836 = tpu.memref_slice %arg8[%add3A_774, %dma_wait3A_835] : memref<200x128xi32, #tpu.memory_space<vmem>> -> memref<1x128xi32, #tpu.memory_space<vmem>>
      %dma_wait3A_837 = tpu.memref_squeeze %dma_wait3A_836 : memref<1x128xi32, #tpu.memory_space<vmem>> -> memref<128xi32, #tpu.memory_space<vmem>>
      %dma_wait3A_838 = arith.constant 0 : i32
      %dma_wait3A_839 = arith.constant 0 : i32
      %dma_wait3A_840 = tpu.memref_slice %arg3[%dma_wait3A_838, %dma_wait3A_839] : memref<100000x32xf32, #tpu.memory_space<hbm>> -> memref<100000x32xf32, #tpu.memory_space<hbm>>
      tpu.wait_indirect_dma semaphore(%arg18 : memref<!tpu.dma_semaphore, #tpu.memory_space<semaphore_mem>>) src(%dma_wait3A_840 : memref<100000x32xf32, #tpu.memory_space<hbm>>) dst(%dma_wait3A_834 : memref<128x32xf32, #tpu.memory_space<vmem>>)
      %dma_wait3A_841 = arith.constant 0 : i32
      %dma_wait3A_842 = arith.constant 0 : i32
      %dma_wait3A_843 = tpu.memref_slice %arg14[%dma_wait3A_841, %dma_wait3A_842] : memref<256x16xf32, #tpu.memory_space<vmem>> -> memref<128x16xf32, #tpu.memory_space<vmem>>
      %dma_wait3A_844 = arith.constant 0 : i32
      %dma_wait3A_845 = tpu.memref_slice %arg8[%add3A_782, %dma_wait3A_844] : memref<200x128xi32, #tpu.memory_space<vmem>> -> memref<1x128xi32, #tpu.memory_space<vmem>>
      %dma_wait3A_846 = tpu.memref_squeeze %dma_wait3A_845 : memref<1x128xi32, #tpu.memory_space<vmem>> -> memref<128xi32, #tpu.memory_space<vmem>>
      %dma_wait3A_847 = arith.constant 0 : i32
      %dma_wait3A_848 = arith.constant 0 : i32
      %dma_wait3A_849 = tpu.memref_slice %arg4[%dma_wait3A_847, %dma_wait3A_848] : memref<100000x16xf32, #tpu.memory_space<hbm>> -> memref<100000x16xf32, #tpu.memory_space<hbm>>
      tpu.wait_indirect_dma semaphore(%arg18 : memref<!tpu.dma_semaphore, #tpu.memory_space<semaphore_mem>>) src(%dma_wait3A_849 : memref<100000x16xf32, #tpu.memory_space<hbm>>) dst(%dma_wait3A_843 : memref<128x16xf32, #tpu.memory_space<vmem>>)
      %dma_wait3A_850 = arith.constant 128 : i32
      %dma_wait3A_851 = arith.constant 0 : i32
      %dma_wait3A_852 = tpu.memref_slice %arg14[%dma_wait3A_850, %dma_wait3A_851] : memref<256x16xf32, #tpu.memory_space<vmem>> -> memref<128x16xf32, #tpu.memory_space<vmem>>
      %dma_wait3A_853 = arith.constant 0 : i32
      %dma_wait3A_854 = tpu.memref_slice %arg8[%add3A_790, %dma_wait3A_853] : memref<200x128xi32, #tpu.memory_space<vmem>> -> memref<1x128xi32, #tpu.memory_space<vmem>>
      %dma_wait3A_855 = tpu.memref_squeeze %dma_wait3A_854 : memref<1x128xi32, #tpu.memory_space<vmem>> -> memref<128xi32, #tpu.memory_space<vmem>>
      %dma_wait3A_856 = arith.constant 0 : i32
      %dma_wait3A_857 = arith.constant 0 : i32
      %dma_wait3A_858 = tpu.memref_slice %arg4[%dma_wait3A_856, %dma_wait3A_857] : memref<100000x16xf32, #tpu.memory_space<hbm>> -> memref<100000x16xf32, #tpu.memory_space<hbm>>
      tpu.wait_indirect_dma semaphore(%arg18 : memref<!tpu.dma_semaphore, #tpu.memory_space<semaphore_mem>>) src(%dma_wait3A_858 : memref<100000x16xf32, #tpu.memory_space<hbm>>) dst(%dma_wait3A_852 : memref<128x16xf32, #tpu.memory_space<vmem>>)
      %dma_wait3A_859 = arith.constant 0 : i32
      %dma_wait3A_860 = arith.constant 0 : i32
      %dma_wait3A_861 = tpu.memref_slice %arg15[%dma_wait3A_859, %dma_wait3A_860] : memref<256x16xf32, #tpu.memory_space<vmem>> -> memref<128x16xf32, #tpu.memory_space<vmem>>
      %dma_wait3A_862 = arith.constant 0 : i32
      %dma_wait3A_863 = tpu.memref_slice %arg8[%add3A_798, %dma_wait3A_862] : memref<200x128xi32, #tpu.memory_space<vmem>> -> memref<1x128xi32, #tpu.memory_space<vmem>>
      %dma_wait3A_864 = tpu.memref_squeeze %dma_wait3A_863 : memref<1x128xi32, #tpu.memory_space<vmem>> -> memref<128xi32, #tpu.memory_space<vmem>>
      %dma_wait3A_865 = arith.constant 0 : i32
      %dma_wait3A_866 = arith.constant 0 : i32
      %dma_wait3A_867 = tpu.memref_slice %arg5[%dma_wait3A_865, %dma_wait3A_866] : memref<100000x16xf32, #tpu.memory_space<hbm>> -> memref<100000x16xf32, #tpu.memory_space<hbm>>
      tpu.wait_indirect_dma semaphore(%arg18 : memref<!tpu.dma_semaphore, #tpu.memory_space<semaphore_mem>>) src(%dma_wait3A_867 : memref<100000x16xf32, #tpu.memory_space<hbm>>) dst(%dma_wait3A_861 : memref<128x16xf32, #tpu.memory_space<vmem>>)
      %dma_wait3A_868 = arith.constant 128 : i32
      %dma_wait3A_869 = arith.constant 0 : i32
      %dma_wait3A_870 = tpu.memref_slice %arg15[%dma_wait3A_868, %dma_wait3A_869] : memref<256x16xf32, #tpu.memory_space<vmem>> -> memref<128x16xf32, #tpu.memory_space<vmem>>
      %dma_wait3A_871 = arith.constant 0 : i32
      %dma_wait3A_872 = tpu.memref_slice %arg8[%add3A_806, %dma_wait3A_871] : memref<200x128xi32, #tpu.memory_space<vmem>> -> memref<1x128xi32, #tpu.memory_space<vmem>>
      %dma_wait3A_873 = tpu.memref_squeeze %dma_wait3A_872 : memref<1x128xi32, #tpu.memory_space<vmem>> -> memref<128xi32, #tpu.memory_space<vmem>>
      %dma_wait3A_874 = arith.constant 0 : i32
      %dma_wait3A_875 = arith.constant 0 : i32
      %dma_wait3A_876 = tpu.memref_slice %arg5[%dma_wait3A_874, %dma_wait3A_875] : memref<100000x16xf32, #tpu.memory_space<hbm>> -> memref<100000x16xf32, #tpu.memory_space<hbm>>
      tpu.wait_indirect_dma semaphore(%arg18 : memref<!tpu.dma_semaphore, #tpu.memory_space<semaphore_mem>>) src(%dma_wait3A_876 : memref<100000x16xf32, #tpu.memory_space<hbm>>) dst(%dma_wait3A_870 : memref<128x16xf32, #tpu.memory_space<vmem>>)
      %dma_wait3A_877 = arith.constant 0 : i32
      %dma_wait3A_878 = arith.constant 0 : i32
      %dma_wait3A_879 = tpu.memref_slice %arg16[%dma_wait3A_877, %dma_wait3A_878] : memref<256x32xf32, #tpu.memory_space<vmem>> -> memref<128x32xf32, #tpu.memory_space<vmem>>
      %dma_wait3A_880 = arith.constant 0 : i32
      %dma_wait3A_881 = tpu.memref_slice %arg8[%add3A_814, %dma_wait3A_880] : memref<200x128xi32, #tpu.memory_space<vmem>> -> memref<1x128xi32, #tpu.memory_space<vmem>>
      %dma_wait3A_882 = tpu.memref_squeeze %dma_wait3A_881 : memref<1x128xi32, #tpu.memory_space<vmem>> -> memref<128xi32, #tpu.memory_space<vmem>>
      %dma_wait3A_883 = arith.constant 0 : i32
      %dma_wait3A_884 = arith.constant 0 : i32
      %dma_wait3A_885 = tpu.memref_slice %arg6[%dma_wait3A_883, %dma_wait3A_884] : memref<100000x32xf32, #tpu.memory_space<hbm>> -> memref<100000x32xf32, #tpu.memory_space<hbm>>
      tpu.wait_indirect_dma semaphore(%arg18 : memref<!tpu.dma_semaphore, #tpu.memory_space<semaphore_mem>>) src(%dma_wait3A_885 : memref<100000x32xf32, #tpu.memory_space<hbm>>) dst(%dma_wait3A_879 : memref<128x32xf32, #tpu.memory_space<vmem>>)
      %dma_wait3A_886 = arith.constant 128 : i32
      %dma_wait3A_887 = arith.constant 0 : i32
      %dma_wait3A_888 = tpu.memref_slice %arg16[%dma_wait3A_886, %dma_wait3A_887] : memref<256x32xf32, #tpu.memory_space<vmem>> -> memref<128x32xf32, #tpu.memory_space<vmem>>
      %dma_wait3A_889 = arith.constant 0 : i32
      %dma_wait3A_890 = tpu.memref_slice %arg8[%add3A_822, %dma_wait3A_889] : memref<200x128xi32, #tpu.memory_space<vmem>> -> memref<1x128xi32, #tpu.memory_space<vmem>>
      %dma_wait3A_891 = tpu.memref_squeeze %dma_wait3A_890 : memref<1x128xi32, #tpu.memory_space<vmem>> -> memref<128xi32, #tpu.memory_space<vmem>>
      %dma_wait3A_892 = arith.constant 0 : i32
      %dma_wait3A_893 = arith.constant 0 : i32
      %dma_wait3A_894 = tpu.memref_slice %arg6[%dma_wait3A_892, %dma_wait3A_893] : memref<100000x32xf32, #tpu.memory_space<hbm>> -> memref<100000x32xf32, #tpu.memory_space<hbm>>
      tpu.wait_indirect_dma semaphore(%arg18 : memref<!tpu.dma_semaphore, #tpu.memory_space<semaphore_mem>>) src(%dma_wait3A_894 : memref<100000x32xf32, #tpu.memory_space<hbm>>) dst(%dma_wait3A_888 : memref<128x32xf32, #tpu.memory_space<vmem>>)
      %add3A_895 = arith.constant 1 : i32
      %add3A_896 = arith.addi %mul3A_597, %add3A_895 : i32
      %mul3A_897 = arith.constant 256 : i32
      %mul3A_898 = arith.muli %add3A_896, %mul3A_897 : i32
      %add3A_899 = arith.addi %mul3A_2, %mul3A_898 : i32
      %dma_start3A_900 = arith.constant 0 : i32
      %dma_start3A_901 = tpu.memref_slice %arg7[%add3A_899, %dma_start3A_900] : memref<204800x96xf32, #tpu.memory_space<hbm>> -> memref<256x32xf32, #tpu.memory_space<hbm>>
      %dma_start3A_902 = arith.constant 0 : i32
      %dma_start3A_903 = tpu.memref_slice %arg7[%add3A_899, %dma_start3A_902] : memref<204800x96xf32, #tpu.memory_space<hbm>> -> memref<256x32xf32, #tpu.memory_space<hbm>>
      tpu.enqueue_dma source(%arg13 : memref<256x32xf32, #tpu.memory_space<vmem>>) target(%dma_start3A_903 : memref<256x32xf32, #tpu.memory_space<hbm>>) target_semaphore(%arg20 : memref<!tpu.dma_semaphore, #tpu.memory_space<semaphore_mem>>)
      %dma_start3A_904 = arith.constant 32 : i32
      %dma_start3A_905 = tpu.memref_slice %arg7[%add3A_899, %dma_start3A_904] : memref<204800x96xf32, #tpu.memory_space<hbm>> -> memref<256x16xf32, #tpu.memory_space<hbm>>
      %dma_start3A_906 = arith.constant 32 : i32
      %dma_start3A_907 = tpu.memref_slice %arg7[%add3A_899, %dma_start3A_906] : memref<204800x96xf32, #tpu.memory_space<hbm>> -> memref<256x16xf32, #tpu.memory_space<hbm>>
      tpu.enqueue_dma source(%arg14 : memref<256x16xf32, #tpu.memory_space<vmem>>) target(%dma_start3A_907 : memref<256x16xf32, #tpu.memory_space<hbm>>) target_semaphore(%arg20 : memref<!tpu.dma_semaphore, #tpu.memory_space<semaphore_mem>>)
      %dma_start3A_908 = arith.constant 48 : i32
      %dma_start3A_909 = tpu.memref_slice %arg7[%add3A_899, %dma_start3A_908] : memref<204800x96xf32, #tpu.memory_space<hbm>> -> memref<256x16xf32, #tpu.memory_space<hbm>>
      %dma_start3A_910 = arith.constant 48 : i32
      %dma_start3A_911 = tpu.memref_slice %arg7[%add3A_899, %dma_start3A_910] : memref<204800x96xf32, #tpu.memory_space<hbm>> -> memref<256x16xf32, #tpu.memory_space<hbm>>
      tpu.enqueue_dma source(%arg15 : memref<256x16xf32, #tpu.memory_space<vmem>>) target(%dma_start3A_911 : memref<256x16xf32, #tpu.memory_space<hbm>>) target_semaphore(%arg20 : memref<!tpu.dma_semaphore, #tpu.memory_space<semaphore_mem>>)
      %dma_start3A_912 = arith.constant 64 : i32
      %dma_start3A_913 = tpu.memref_slice %arg7[%add3A_899, %dma_start3A_912] : memref<204800x96xf32, #tpu.memory_space<hbm>> -> memref<256x32xf32, #tpu.memory_space<hbm>>
      %dma_start3A_914 = arith.constant 64 : i32
      %dma_start3A_915 = tpu.memref_slice %arg7[%add3A_899, %dma_start3A_914] : memref<204800x96xf32, #tpu.memory_space<hbm>> -> memref<256x32xf32, #tpu.memory_space<hbm>>
      tpu.enqueue_dma source(%arg16 : memref<256x32xf32, #tpu.memory_space<vmem>>) target(%dma_start3A_915 : memref<256x32xf32, #tpu.memory_space<hbm>>) target_semaphore(%arg20 : memref<!tpu.dma_semaphore, #tpu.memory_space<semaphore_mem>>)
      %add3A_916 = arith.constant 0 : i32
      %add3A_917 = arith.addi %mul3A_597, %add3A_916 : i32
      %mul3A_918 = arith.constant 256 : i32
      %mul3A_919 = arith.muli %add3A_917, %mul3A_918 : i32
      %add3A_920 = arith.addi %mul3A_2, %mul3A_919 : i32
      %dma_wait3A_921 = arith.constant 0 : i32
      %dma_wait3A_922 = tpu.memref_slice %arg7[%add3A_920, %dma_wait3A_921] : memref<204800x96xf32, #tpu.memory_space<hbm>> -> memref<256x32xf32, #tpu.memory_space<hbm>>
      %dma_wait3A_923 = arith.constant 0 : i32
      %dma_wait3A_924 = tpu.memref_slice %arg7[%add3A_920, %dma_wait3A_923] : memref<204800x96xf32, #tpu.memory_space<hbm>> -> memref<256x32xf32, #tpu.memory_space<hbm>>
      tpu.wait_dma2 semaphore(%arg19 : memref<!tpu.dma_semaphore, #tpu.memory_space<semaphore_mem>>) src(%arg9 : memref<256x32xf32, #tpu.memory_space<vmem>>) dst(%dma_wait3A_924 : memref<256x32xf32, #tpu.memory_space<hbm>>)
      %dma_wait3A_925 = arith.constant 32 : i32
      %dma_wait3A_926 = tpu.memref_slice %arg7[%add3A_920, %dma_wait3A_925] : memref<204800x96xf32, #tpu.memory_space<hbm>> -> memref<256x16xf32, #tpu.memory_space<hbm>>
      %dma_wait3A_927 = arith.constant 32 : i32
      %dma_wait3A_928 = tpu.memref_slice %arg7[%add3A_920, %dma_wait3A_927] : memref<204800x96xf32, #tpu.memory_space<hbm>> -> memref<256x16xf32, #tpu.memory_space<hbm>>
      tpu.wait_dma2 semaphore(%arg19 : memref<!tpu.dma_semaphore, #tpu.memory_space<semaphore_mem>>) src(%arg10 : memref<256x16xf32, #tpu.memory_space<vmem>>) dst(%dma_wait3A_928 : memref<256x16xf32, #tpu.memory_space<hbm>>)
      %dma_wait3A_929 = arith.constant 48 : i32
      %dma_wait3A_930 = tpu.memref_slice %arg7[%add3A_920, %dma_wait3A_929] : memref<204800x96xf32, #tpu.memory_space<hbm>> -> memref<256x16xf32, #tpu.memory_space<hbm>>
      %dma_wait3A_931 = arith.constant 48 : i32
      %dma_wait3A_932 = tpu.memref_slice %arg7[%add3A_920, %dma_wait3A_931] : memref<204800x96xf32, #tpu.memory_space<hbm>> -> memref<256x16xf32, #tpu.memory_space<hbm>>
      tpu.wait_dma2 semaphore(%arg19 : memref<!tpu.dma_semaphore, #tpu.memory_space<semaphore_mem>>) src(%arg11 : memref<256x16xf32, #tpu.memory_space<vmem>>) dst(%dma_wait3A_932 : memref<256x16xf32, #tpu.memory_space<hbm>>)
      %dma_wait3A_933 = arith.constant 64 : i32
      %dma_wait3A_934 = tpu.memref_slice %arg7[%add3A_920, %dma_wait3A_933] : memref<204800x96xf32, #tpu.memory_space<hbm>> -> memref<256x32xf32, #tpu.memory_space<hbm>>
      %dma_wait3A_935 = arith.constant 64 : i32
      %dma_wait3A_936 = tpu.memref_slice %arg7[%add3A_920, %dma_wait3A_935] : memref<204800x96xf32, #tpu.memory_space<hbm>> -> memref<256x32xf32, #tpu.memory_space<hbm>>
      tpu.wait_dma2 semaphore(%arg19 : memref<!tpu.dma_semaphore, #tpu.memory_space<semaphore_mem>>) src(%arg12 : memref<256x32xf32, #tpu.memory_space<vmem>>) dst(%dma_wait3A_936 : memref<256x32xf32, #tpu.memory_space<hbm>>)
      %add3A_937 = arith.constant 2 : i32
      %add3A_938 = arith.addi %mul3A_597, %add3A_937 : i32
      %add3A_939 = arith.constant 0 : i32
      %add3A_940 = arith.addi %add3A_938, %add3A_939 : i32
      %mul3A_941 = arith.constant 4 : i32
      %mul3A_942 = arith.muli %add3A_940, %mul3A_941 : i32
      %add3A_943 = arith.constant 0 : i32
      %add3A_944 = arith.addi %mul3A_942, %add3A_943 : i32
      %mul3A_945 = arith.constant 2 : i32
      %mul3A_946 = arith.muli %add3A_944, %mul3A_945 : i32
      %add3A_947 = arith.constant 0 : i32
      %add3A_948 = arith.addi %mul3A_946, %add3A_947 : i32
      %mul3A_949 = arith.constant 4 : i32
      %mul3A_950 = arith.muli %add3A_940, %mul3A_949 : i32
      %add3A_951 = arith.constant 0 : i32
      %add3A_952 = arith.addi %mul3A_950, %add3A_951 : i32
      %mul3A_953 = arith.constant 2 : i32
      %mul3A_954 = arith.muli %add3A_952, %mul3A_953 : i32
      %add3A_955 = arith.constant 1 : i32
      %add3A_956 = arith.addi %mul3A_954, %add3A_955 : i32
      %mul3A_957 = arith.constant 4 : i32
      %mul3A_958 = arith.muli %add3A_940, %mul3A_957 : i32
      %add3A_959 = arith.constant 1 : i32
      %add3A_960 = arith.addi %mul3A_958, %add3A_959 : i32
      %mul3A_961 = arith.constant 2 : i32
      %mul3A_962 = arith.muli %add3A_960, %mul3A_961 : i32
      %add3A_963 = arith.constant 0 : i32
      %add3A_964 = arith.addi %mul3A_962, %add3A_963 : i32
      %mul3A_965 = arith.constant 4 : i32
      %mul3A_966 = arith.muli %add3A_940, %mul3A_965 : i32
      %add3A_967 = arith.constant 1 : i32
      %add3A_968 = arith.addi %mul3A_966, %add3A_967 : i32
      %mul3A_969 = arith.constant 2 : i32
      %mul3A_970 = arith.muli %add3A_968, %mul3A_969 : i32
      %add3A_971 = arith.constant 1 : i32
      %add3A_972 = arith.addi %mul3A_970, %add3A_971 : i32
      %mul3A_973 = arith.constant 4 : i32
      %mul3A_974 = arith.muli %add3A_940, %mul3A_973 : i32
      %add3A_975 = arith.constant 2 : i32
      %add3A_976 = arith.addi %mul3A_974, %add3A_975 : i32
      %mul3A_977 = arith.constant 2 : i32
      %mul3A_978 = arith.muli %add3A_976, %mul3A_977 : i32
      %add3A_979 = arith.constant 0 : i32
      %add3A_980 = arith.addi %mul3A_978, %add3A_979 : i32
      %mul3A_981 = arith.constant 4 : i32
      %mul3A_982 = arith.muli %add3A_940, %mul3A_981 : i32
      %add3A_983 = arith.constant 2 : i32
      %add3A_984 = arith.addi %mul3A_982, %add3A_983 : i32
      %mul3A_985 = arith.constant 2 : i32
      %mul3A_986 = arith.muli %add3A_984, %mul3A_985 : i32
      %add3A_987 = arith.constant 1 : i32
      %add3A_988 = arith.addi %mul3A_986, %add3A_987 : i32
      %mul3A_989 = arith.constant 4 : i32
      %mul3A_990 = arith.muli %add3A_940, %mul3A_989 : i32
      %add3A_991 = arith.constant 3 : i32
      %add3A_992 = arith.addi %mul3A_990, %add3A_991 : i32
      %mul3A_993 = arith.constant 2 : i32
      %mul3A_994 = arith.muli %add3A_992, %mul3A_993 : i32
      %add3A_995 = arith.constant 0 : i32
      %add3A_996 = arith.addi %mul3A_994, %add3A_995 : i32
      %mul3A_997 = arith.constant 4 : i32
      %mul3A_998 = arith.muli %add3A_940, %mul3A_997 : i32
      %add3A_999 = arith.constant 3 : i32
      %add3A_1000 = arith.addi %mul3A_998, %add3A_999 : i32
      %mul3A_1001 = arith.constant 2 : i32
      %mul3A_1002 = arith.muli %add3A_1000, %mul3A_1001 : i32
      %add3A_1003 = arith.constant 1 : i32
      %add3A_1004 = arith.addi %mul3A_1002, %add3A_1003 : i32
      %dma_start3A_1005 = arith.constant 0 : i32
      %dma_start3A_1006 = arith.constant 0 : i32
      %dma_start3A_1007 = tpu.memref_slice %arg9[%dma_start3A_1005, %dma_start3A_1006] : memref<256x32xf32, #tpu.memory_space<vmem>> -> memref<128x32xf32, #tpu.memory_space<vmem>>
      %dma_start3A_1008 = arith.constant 0 : i32
      %dma_start3A_1009 = tpu.memref_slice %arg8[%add3A_948, %dma_start3A_1008] : memref<200x128xi32, #tpu.memory_space<vmem>> -> memref<1x128xi32, #tpu.memory_space<vmem>>
      %dma_start3A_1010 = tpu.memref_squeeze %dma_start3A_1009 : memref<1x128xi32, #tpu.memory_space<vmem>> -> memref<128xi32, #tpu.memory_space<vmem>>
      %dma_start3A_1011 = arith.constant 0 : i32
      %dma_start3A_1012 = arith.constant 0 : i32
      %dma_start3A_1013 = tpu.memref_slice %arg3[%dma_start3A_1011, %dma_start3A_1012] : memref<100000x32xf32, #tpu.memory_space<hbm>> -> memref<100000x32xf32, #tpu.memory_space<hbm>>
      tpu.enqueue_indirect_dma source(%dma_start3A_1013 : memref<100000x32xf32, #tpu.memory_space<hbm>>) target(%dma_start3A_1007 : memref<128x32xf32, #tpu.memory_space<vmem>>) offsets(%dma_start3A_1010 : memref<128xi32, #tpu.memory_space<vmem>>) semaphore(%arg17 : memref<!tpu.dma_semaphore, #tpu.memory_space<semaphore_mem>>)
      %dma_start3A_1014 = arith.constant 128 : i32
      %dma_start3A_1015 = arith.constant 0 : i32
      %dma_start3A_1016 = tpu.memref_slice %arg9[%dma_start3A_1014, %dma_start3A_1015] : memref<256x32xf32, #tpu.memory_space<vmem>> -> memref<128x32xf32, #tpu.memory_space<vmem>>
      %dma_start3A_1017 = arith.constant 0 : i32
      %dma_start3A_1018 = tpu.memref_slice %arg8[%add3A_956, %dma_start3A_1017] : memref<200x128xi32, #tpu.memory_space<vmem>> -> memref<1x128xi32, #tpu.memory_space<vmem>>
      %dma_start3A_1019 = tpu.memref_squeeze %dma_start3A_1018 : memref<1x128xi32, #tpu.memory_space<vmem>> -> memref<128xi32, #tpu.memory_space<vmem>>
      %dma_start3A_1020 = arith.constant 0 : i32
      %dma_start3A_1021 = arith.constant 0 : i32
      %dma_start3A_1022 = tpu.memref_slice %arg3[%dma_start3A_1020, %dma_start3A_1021] : memref<100000x32xf32, #tpu.memory_space<hbm>> -> memref<100000x32xf32, #tpu.memory_space<hbm>>
      tpu.enqueue_indirect_dma source(%dma_start3A_1022 : memref<100000x32xf32, #tpu.memory_space<hbm>>) target(%dma_start3A_1016 : memref<128x32xf32, #tpu.memory_space<vmem>>) offsets(%dma_start3A_1019 : memref<128xi32, #tpu.memory_space<vmem>>) semaphore(%arg17 : memref<!tpu.dma_semaphore, #tpu.memory_space<semaphore_mem>>)
      %dma_start3A_1023 = arith.constant 0 : i32
      %dma_start3A_1024 = arith.constant 0 : i32
      %dma_start3A_1025 = tpu.memref_slice %arg10[%dma_start3A_1023, %dma_start3A_1024] : memref<256x16xf32, #tpu.memory_space<vmem>> -> memref<128x16xf32, #tpu.memory_space<vmem>>
      %dma_start3A_1026 = arith.constant 0 : i32
      %dma_start3A_1027 = tpu.memref_slice %arg8[%add3A_964, %dma_start3A_1026] : memref<200x128xi32, #tpu.memory_space<vmem>> -> memref<1x128xi32, #tpu.memory_space<vmem>>
      %dma_start3A_1028 = tpu.memref_squeeze %dma_start3A_1027 : memref<1x128xi32, #tpu.memory_space<vmem>> -> memref<128xi32, #tpu.memory_space<vmem>>
      %dma_start3A_1029 = arith.constant 0 : i32
      %dma_start3A_1030 = arith.constant 0 : i32
      %dma_start3A_1031 = tpu.memref_slice %arg4[%dma_start3A_1029, %dma_start3A_1030] : memref<100000x16xf32, #tpu.memory_space<hbm>> -> memref<100000x16xf32, #tpu.memory_space<hbm>>
      tpu.enqueue_indirect_dma source(%dma_start3A_1031 : memref<100000x16xf32, #tpu.memory_space<hbm>>) target(%dma_start3A_1025 : memref<128x16xf32, #tpu.memory_space<vmem>>) offsets(%dma_start3A_1028 : memref<128xi32, #tpu.memory_space<vmem>>) semaphore(%arg17 : memref<!tpu.dma_semaphore, #tpu.memory_space<semaphore_mem>>)
      %dma_start3A_1032 = arith.constant 128 : i32
      %dma_start3A_1033 = arith.constant 0 : i32
      %dma_start3A_1034 = tpu.memref_slice %arg10[%dma_start3A_1032, %dma_start3A_1033] : memref<256x16xf32, #tpu.memory_space<vmem>> -> memref<128x16xf32, #tpu.memory_space<vmem>>
      %dma_start3A_1035 = arith.constant 0 : i32
      %dma_start3A_1036 = tpu.memref_slice %arg8[%add3A_972, %dma_start3A_1035] : memref<200x128xi32, #tpu.memory_space<vmem>> -> memref<1x128xi32, #tpu.memory_space<vmem>>
      %dma_start3A_1037 = tpu.memref_squeeze %dma_start3A_1036 : memref<1x128xi32, #tpu.memory_space<vmem>> -> memref<128xi32, #tpu.memory_space<vmem>>
      %dma_start3A_1038 = arith.constant 0 : i32
      %dma_start3A_1039 = arith.constant 0 : i32
      %dma_start3A_1040 = tpu.memref_slice %arg4[%dma_start3A_1038, %dma_start3A_1039] : memref<100000x16xf32, #tpu.memory_space<hbm>> -> memref<100000x16xf32, #tpu.memory_space<hbm>>
      tpu.enqueue_indirect_dma source(%dma_start3A_1040 : memref<100000x16xf32, #tpu.memory_space<hbm>>) target(%dma_start3A_1034 : memref<128x16xf32, #tpu.memory_space<vmem>>) offsets(%dma_start3A_1037 : memref<128xi32, #tpu.memory_space<vmem>>) semaphore(%arg17 : memref<!tpu.dma_semaphore, #tpu.memory_space<semaphore_mem>>)
      %dma_start3A_1041 = arith.constant 0 : i32
      %dma_start3A_1042 = arith.constant 0 : i32
      %dma_start3A_1043 = tpu.memref_slice %arg11[%dma_start3A_1041, %dma_start3A_1042] : memref<256x16xf32, #tpu.memory_space<vmem>> -> memref<128x16xf32, #tpu.memory_space<vmem>>
      %dma_start3A_1044 = arith.constant 0 : i32
      %dma_start3A_1045 = tpu.memref_slice %arg8[%add3A_980, %dma_start3A_1044] : memref<200x128xi32, #tpu.memory_space<vmem>> -> memref<1x128xi32, #tpu.memory_space<vmem>>
      %dma_start3A_1046 = tpu.memref_squeeze %dma_start3A_1045 : memref<1x128xi32, #tpu.memory_space<vmem>> -> memref<128xi32, #tpu.memory_space<vmem>>
      %dma_start3A_1047 = arith.constant 0 : i32
      %dma_start3A_1048 = arith.constant 0 : i32
      %dma_start3A_1049 = tpu.memref_slice %arg5[%dma_start3A_1047, %dma_start3A_1048] : memref<100000x16xf32, #tpu.memory_space<hbm>> -> memref<100000x16xf32, #tpu.memory_space<hbm>>
      tpu.enqueue_indirect_dma source(%dma_start3A_1049 : memref<100000x16xf32, #tpu.memory_space<hbm>>) target(%dma_start3A_1043 : memref<128x16xf32, #tpu.memory_space<vmem>>) offsets(%dma_start3A_1046 : memref<128xi32, #tpu.memory_space<vmem>>) semaphore(%arg17 : memref<!tpu.dma_semaphore, #tpu.memory_space<semaphore_mem>>)
      %dma_start3A_1050 = arith.constant 128 : i32
      %dma_start3A_1051 = arith.constant 0 : i32
      %dma_start3A_1052 = tpu.memref_slice %arg11[%dma_start3A_1050, %dma_start3A_1051] : memref<256x16xf32, #tpu.memory_space<vmem>> -> memref<128x16xf32, #tpu.memory_space<vmem>>
      %dma_start3A_1053 = arith.constant 0 : i32
      %dma_start3A_1054 = tpu.memref_slice %arg8[%add3A_988, %dma_start3A_1053] : memref<200x128xi32, #tpu.memory_space<vmem>> -> memref<1x128xi32, #tpu.memory_space<vmem>>
      %dma_start3A_1055 = tpu.memref_squeeze %dma_start3A_1054 : memref<1x128xi32, #tpu.memory_space<vmem>> -> memref<128xi32, #tpu.memory_space<vmem>>
      %dma_start3A_1056 = arith.constant 0 : i32
      %dma_start3A_1057 = arith.constant 0 : i32
      %dma_start3A_1058 = tpu.memref_slice %arg5[%dma_start3A_1056, %dma_start3A_1057] : memref<100000x16xf32, #tpu.memory_space<hbm>> -> memref<100000x16xf32, #tpu.memory_space<hbm>>
      tpu.enqueue_indirect_dma source(%dma_start3A_1058 : memref<100000x16xf32, #tpu.memory_space<hbm>>) target(%dma_start3A_1052 : memref<128x16xf32, #tpu.memory_space<vmem>>) offsets(%dma_start3A_1055 : memref<128xi32, #tpu.memory_space<vmem>>) semaphore(%arg17 : memref<!tpu.dma_semaphore, #tpu.memory_space<semaphore_mem>>)
      %dma_start3A_1059 = arith.constant 0 : i32
      %dma_start3A_1060 = arith.constant 0 : i32
      %dma_start3A_1061 = tpu.memref_slice %arg12[%dma_start3A_1059, %dma_start3A_1060] : memref<256x32xf32, #tpu.memory_space<vmem>> -> memref<128x32xf32, #tpu.memory_space<vmem>>
      %dma_start3A_1062 = arith.constant 0 : i32
      %dma_start3A_1063 = tpu.memref_slice %arg8[%add3A_996, %dma_start3A_1062] : memref<200x128xi32, #tpu.memory_space<vmem>> -> memref<1x128xi32, #tpu.memory_space<vmem>>
      %dma_start3A_1064 = tpu.memref_squeeze %dma_start3A_1063 : memref<1x128xi32, #tpu.memory_space<vmem>> -> memref<128xi32, #tpu.memory_space<vmem>>
      %dma_start3A_1065 = arith.constant 0 : i32
      %dma_start3A_1066 = arith.constant 0 : i32
      %dma_start3A_1067 = tpu.memref_slice %arg6[%dma_start3A_1065, %dma_start3A_1066] : memref<100000x32xf32, #tpu.memory_space<hbm>> -> memref<100000x32xf32, #tpu.memory_space<hbm>>
      tpu.enqueue_indirect_dma source(%dma_start3A_1067 : memref<100000x32xf32, #tpu.memory_space<hbm>>) target(%dma_start3A_1061 : memref<128x32xf32, #tpu.memory_space<vmem>>) offsets(%dma_start3A_1064 : memref<128xi32, #tpu.memory_space<vmem>>) semaphore(%arg17 : memref<!tpu.dma_semaphore, #tpu.memory_space<semaphore_mem>>)
      %dma_start3A_1068 = arith.constant 128 : i32
      %dma_start3A_1069 = arith.constant 0 : i32
      %dma_start3A_1070 = tpu.memref_slice %arg12[%dma_start3A_1068, %dma_start3A_1069] : memref<256x32xf32, #tpu.memory_space<vmem>> -> memref<128x32xf32, #tpu.memory_space<vmem>>
      %dma_start3A_1071 = arith.constant 0 : i32
      %dma_start3A_1072 = tpu.memref_slice %arg8[%add3A_1004, %dma_start3A_1071] : memref<200x128xi32, #tpu.memory_space<vmem>> -> memref<1x128xi32, #tpu.memory_space<vmem>>
      %dma_start3A_1073 = tpu.memref_squeeze %dma_start3A_1072 : memref<1x128xi32, #tpu.memory_space<vmem>> -> memref<128xi32, #tpu.memory_space<vmem>>
      %dma_start3A_1074 = arith.constant 0 : i32
      %dma_start3A_1075 = arith.constant 0 : i32
      %dma_start3A_1076 = tpu.memref_slice %arg6[%dma_start3A_1074, %dma_start3A_1075] : memref<100000x32xf32, #tpu.memory_space<hbm>> -> memref<100000x32xf32, #tpu.memory_space<hbm>>
      tpu.enqueue_indirect_dma source(%dma_start3A_1076 : memref<100000x32xf32, #tpu.memory_space<hbm>>) target(%dma_start3A_1070 : memref<128x32xf32, #tpu.memory_space<vmem>>) offsets(%dma_start3A_1073 : memref<128xi32, #tpu.memory_space<vmem>>) semaphore(%arg17 : memref<!tpu.dma_semaphore, #tpu.memory_space<semaphore_mem>>)
      %add3A_1077 = arith.constant 1 : i32
      %add3A_1078 = arith.addi %mul3A_597, %add3A_1077 : i32
      %mul3A_1079 = arith.constant 256 : i32
      %mul3A_1080 = arith.muli %add3A_1078, %mul3A_1079 : i32
      %add3A_1081 = arith.addi %mul3A_2, %mul3A_1080 : i32
      %dma_wait3A_1082 = arith.constant 0 : i32
      %dma_wait3A_1083 = tpu.memref_slice %arg7[%add3A_1081, %dma_wait3A_1082] : memref<204800x96xf32, #tpu.memory_space<hbm>> -> memref<256x32xf32, #tpu.memory_space<hbm>>
      %dma_wait3A_1084 = arith.constant 0 : i32
      %dma_wait3A_1085 = tpu.memref_slice %arg7[%add3A_1081, %dma_wait3A_1084] : memref<204800x96xf32, #tpu.memory_space<hbm>> -> memref<256x32xf32, #tpu.memory_space<hbm>>
      tpu.wait_dma2 semaphore(%arg20 : memref<!tpu.dma_semaphore, #tpu.memory_space<semaphore_mem>>) src(%arg13 : memref<256x32xf32, #tpu.memory_space<vmem>>) dst(%dma_wait3A_1085 : memref<256x32xf32, #tpu.memory_space<hbm>>)
      %dma_wait3A_1086 = arith.constant 32 : i32
      %dma_wait3A_1087 = tpu.memref_slice %arg7[%add3A_1081, %dma_wait3A_1086] : memref<204800x96xf32, #tpu.memory_space<hbm>> -> memref<256x16xf32, #tpu.memory_space<hbm>>
      %dma_wait3A_1088 = arith.constant 32 : i32
      %dma_wait3A_1089 = tpu.memref_slice %arg7[%add3A_1081, %dma_wait3A_1088] : memref<204800x96xf32, #tpu.memory_space<hbm>> -> memref<256x16xf32, #tpu.memory_space<hbm>>
      tpu.wait_dma2 semaphore(%arg20 : memref<!tpu.dma_semaphore, #tpu.memory_space<semaphore_mem>>) src(%arg14 : memref<256x16xf32, #tpu.memory_space<vmem>>) dst(%dma_wait3A_1089 : memref<256x16xf32, #tpu.memory_space<hbm>>)
      %dma_wait3A_1090 = arith.constant 48 : i32
      %dma_wait3A_1091 = tpu.memref_slice %arg7[%add3A_1081, %dma_wait3A_1090] : memref<204800x96xf32, #tpu.memory_space<hbm>> -> memref<256x16xf32, #tpu.memory_space<hbm>>
      %dma_wait3A_1092 = arith.constant 48 : i32
      %dma_wait3A_1093 = tpu.memref_slice %arg7[%add3A_1081, %dma_wait3A_1092] : memref<204800x96xf32, #tpu.memory_space<hbm>> -> memref<256x16xf32, #tpu.memory_space<hbm>>
      tpu.wait_dma2 semaphore(%arg20 : memref<!tpu.dma_semaphore, #tpu.memory_space<semaphore_mem>>) src(%arg15 : memref<256x16xf32, #tpu.memory_space<vmem>>) dst(%dma_wait3A_1093 : memref<256x16xf32, #tpu.memory_space<hbm>>)
      %dma_wait3A_1094 = arith.constant 64 : i32
      %dma_wait3A_1095 = tpu.memref_slice %arg7[%add3A_1081, %dma_wait3A_1094] : memref<204800x96xf32, #tpu.memory_space<hbm>> -> memref<256x32xf32, #tpu.memory_space<hbm>>
      %dma_wait3A_1096 = arith.constant 64 : i32
      %dma_wait3A_1097 = tpu.memref_slice %arg7[%add3A_1081, %dma_wait3A_1096] : memref<204800x96xf32, #tpu.memory_space<hbm>> -> memref<256x32xf32, #tpu.memory_space<hbm>>
      tpu.wait_dma2 semaphore(%arg20 : memref<!tpu.dma_semaphore, #tpu.memory_space<semaphore_mem>>) src(%arg16 : memref<256x32xf32, #tpu.memory_space<vmem>>) dst(%dma_wait3A_1097 : memref<256x32xf32, #tpu.memory_space<hbm>>)
      %add3A_1098 = arith.constant 2 : i32
      %add3A_1099 = arith.addi %mul3A_597, %add3A_1098 : i32
      %add3A_1100 = arith.constant 1 : i32
      %add3A_1101 = arith.addi %add3A_1099, %add3A_1100 : i32
      %mul3A_1102 = arith.constant 4 : i32
      %mul3A_1103 = arith.muli %add3A_1101, %mul3A_1102 : i32
      %add3A_1104 = arith.constant 0 : i32
      %add3A_1105 = arith.addi %mul3A_1103, %add3A_1104 : i32
      %mul3A_1106 = arith.constant 2 : i32
      %mul3A_1107 = arith.muli %add3A_1105, %mul3A_1106 : i32
      %add3A_1108 = arith.constant 0 : i32
      %add3A_1109 = arith.addi %mul3A_1107, %add3A_1108 : i32
      %mul3A_1110 = arith.constant 4 : i32
      %mul3A_1111 = arith.muli %add3A_1101, %mul3A_1110 : i32
      %add3A_1112 = arith.constant 0 : i32
      %add3A_1113 = arith.addi %mul3A_1111, %add3A_1112 : i32
      %mul3A_1114 = arith.constant 2 : i32
      %mul3A_1115 = arith.muli %add3A_1113, %mul3A_1114 : i32
      %add3A_1116 = arith.constant 1 : i32
      %add3A_1117 = arith.addi %mul3A_1115, %add3A_1116 : i32
      %mul3A_1118 = arith.constant 4 : i32
      %mul3A_1119 = arith.muli %add3A_1101, %mul3A_1118 : i32
      %add3A_1120 = arith.constant 1 : i32
      %add3A_1121 = arith.addi %mul3A_1119, %add3A_1120 : i32
      %mul3A_1122 = arith.constant 2 : i32
      %mul3A_1123 = arith.muli %add3A_1121, %mul3A_1122 : i32
      %add3A_1124 = arith.constant 0 : i32
      %add3A_1125 = arith.addi %mul3A_1123, %add3A_1124 : i32
      %mul3A_1126 = arith.constant 4 : i32
      %mul3A_1127 = arith.muli %add3A_1101, %mul3A_1126 : i32
      %add3A_1128 = arith.constant 1 : i32
      %add3A_1129 = arith.addi %mul3A_1127, %add3A_1128 : i32
      %mul3A_1130 = arith.constant 2 : i32
      %mul3A_1131 = arith.muli %add3A_1129, %mul3A_1130 : i32
      %add3A_1132 = arith.constant 1 : i32
      %add3A_1133 = arith.addi %mul3A_1131, %add3A_1132 : i32
      %mul3A_1134 = arith.constant 4 : i32
      %mul3A_1135 = arith.muli %add3A_1101, %mul3A_1134 : i32
      %add3A_1136 = arith.constant 2 : i32
      %add3A_1137 = arith.addi %mul3A_1135, %add3A_1136 : i32
      %mul3A_1138 = arith.constant 2 : i32
      %mul3A_1139 = arith.muli %add3A_1137, %mul3A_1138 : i32
      %add3A_1140 = arith.constant 0 : i32
      %add3A_1141 = arith.addi %mul3A_1139, %add3A_1140 : i32
      %mul3A_1142 = arith.constant 4 : i32
      %mul3A_1143 = arith.muli %add3A_1101, %mul3A_1142 : i32
      %add3A_1144 = arith.constant 2 : i32
      %add3A_1145 = arith.addi %mul3A_1143, %add3A_1144 : i32
      %mul3A_1146 = arith.constant 2 : i32
      %mul3A_1147 = arith.muli %add3A_1145, %mul3A_1146 : i32
      %add3A_1148 = arith.constant 1 : i32
      %add3A_1149 = arith.addi %mul3A_1147, %add3A_1148 : i32
      %mul3A_1150 = arith.constant 4 : i32
      %mul3A_1151 = arith.muli %add3A_1101, %mul3A_1150 : i32
      %add3A_1152 = arith.constant 3 : i32
      %add3A_1153 = arith.addi %mul3A_1151, %add3A_1152 : i32
      %mul3A_1154 = arith.constant 2 : i32
      %mul3A_1155 = arith.muli %add3A_1153, %mul3A_1154 : i32
      %add3A_1156 = arith.constant 0 : i32
      %add3A_1157 = arith.addi %mul3A_1155, %add3A_1156 : i32
      %mul3A_1158 = arith.constant 4 : i32
      %mul3A_1159 = arith.muli %add3A_1101, %mul3A_1158 : i32
      %add3A_1160 = arith.constant 3 : i32
      %add3A_1161 = arith.addi %mul3A_1159, %add3A_1160 : i32
      %mul3A_1162 = arith.constant 2 : i32
      %mul3A_1163 = arith.muli %add3A_1161, %mul3A_1162 : i32
      %add3A_1164 = arith.constant 1 : i32
      %add3A_1165 = arith.addi %mul3A_1163, %add3A_1164 : i32
      %dma_start3A_1166 = arith.constant 0 : i32
      %dma_start3A_1167 = arith.constant 0 : i32
      %dma_start3A_1168 = tpu.memref_slice %arg13[%dma_start3A_1166, %dma_start3A_1167] : memref<256x32xf32, #tpu.memory_space<vmem>> -> memref<128x32xf32, #tpu.memory_space<vmem>>
      %dma_start3A_1169 = arith.constant 0 : i32
      %dma_start3A_1170 = tpu.memref_slice %arg8[%add3A_1109, %dma_start3A_1169] : memref<200x128xi32, #tpu.memory_space<vmem>> -> memref<1x128xi32, #tpu.memory_space<vmem>>
      %dma_start3A_1171 = tpu.memref_squeeze %dma_start3A_1170 : memref<1x128xi32, #tpu.memory_space<vmem>> -> memref<128xi32, #tpu.memory_space<vmem>>
      %dma_start3A_1172 = arith.constant 0 : i32
      %dma_start3A_1173 = arith.constant 0 : i32
      %dma_start3A_1174 = tpu.memref_slice %arg3[%dma_start3A_1172, %dma_start3A_1173] : memref<100000x32xf32, #tpu.memory_space<hbm>> -> memref<100000x32xf32, #tpu.memory_space<hbm>>
      tpu.enqueue_indirect_dma source(%dma_start3A_1174 : memref<100000x32xf32, #tpu.memory_space<hbm>>) target(%dma_start3A_1168 : memref<128x32xf32, #tpu.memory_space<vmem>>) offsets(%dma_start3A_1171 : memref<128xi32, #tpu.memory_space<vmem>>) semaphore(%arg18 : memref<!tpu.dma_semaphore, #tpu.memory_space<semaphore_mem>>)
      %dma_start3A_1175 = arith.constant 128 : i32
      %dma_start3A_1176 = arith.constant 0 : i32
      %dma_start3A_1177 = tpu.memref_slice %arg13[%dma_start3A_1175, %dma_start3A_1176] : memref<256x32xf32, #tpu.memory_space<vmem>> -> memref<128x32xf32, #tpu.memory_space<vmem>>
      %dma_start3A_1178 = arith.constant 0 : i32
      %dma_start3A_1179 = tpu.memref_slice %arg8[%add3A_1117, %dma_start3A_1178] : memref<200x128xi32, #tpu.memory_space<vmem>> -> memref<1x128xi32, #tpu.memory_space<vmem>>
      %dma_start3A_1180 = tpu.memref_squeeze %dma_start3A_1179 : memref<1x128xi32, #tpu.memory_space<vmem>> -> memref<128xi32, #tpu.memory_space<vmem>>
      %dma_start3A_1181 = arith.constant 0 : i32
      %dma_start3A_1182 = arith.constant 0 : i32
      %dma_start3A_1183 = tpu.memref_slice %arg3[%dma_start3A_1181, %dma_start3A_1182] : memref<100000x32xf32, #tpu.memory_space<hbm>> -> memref<100000x32xf32, #tpu.memory_space<hbm>>
      tpu.enqueue_indirect_dma source(%dma_start3A_1183 : memref<100000x32xf32, #tpu.memory_space<hbm>>) target(%dma_start3A_1177 : memref<128x32xf32, #tpu.memory_space<vmem>>) offsets(%dma_start3A_1180 : memref<128xi32, #tpu.memory_space<vmem>>) semaphore(%arg18 : memref<!tpu.dma_semaphore, #tpu.memory_space<semaphore_mem>>)
      %dma_start3A_1184 = arith.constant 0 : i32
      %dma_start3A_1185 = arith.constant 0 : i32
      %dma_start3A_1186 = tpu.memref_slice %arg14[%dma_start3A_1184, %dma_start3A_1185] : memref<256x16xf32, #tpu.memory_space<vmem>> -> memref<128x16xf32, #tpu.memory_space<vmem>>
      %dma_start3A_1187 = arith.constant 0 : i32
      %dma_start3A_1188 = tpu.memref_slice %arg8[%add3A_1125, %dma_start3A_1187] : memref<200x128xi32, #tpu.memory_space<vmem>> -> memref<1x128xi32, #tpu.memory_space<vmem>>
      %dma_start3A_1189 = tpu.memref_squeeze %dma_start3A_1188 : memref<1x128xi32, #tpu.memory_space<vmem>> -> memref<128xi32, #tpu.memory_space<vmem>>
      %dma_start3A_1190 = arith.constant 0 : i32
      %dma_start3A_1191 = arith.constant 0 : i32
      %dma_start3A_1192 = tpu.memref_slice %arg4[%dma_start3A_1190, %dma_start3A_1191] : memref<100000x16xf32, #tpu.memory_space<hbm>> -> memref<100000x16xf32, #tpu.memory_space<hbm>>
      tpu.enqueue_indirect_dma source(%dma_start3A_1192 : memref<100000x16xf32, #tpu.memory_space<hbm>>) target(%dma_start3A_1186 : memref<128x16xf32, #tpu.memory_space<vmem>>) offsets(%dma_start3A_1189 : memref<128xi32, #tpu.memory_space<vmem>>) semaphore(%arg18 : memref<!tpu.dma_semaphore, #tpu.memory_space<semaphore_mem>>)
      %dma_start3A_1193 = arith.constant 128 : i32
      %dma_start3A_1194 = arith.constant 0 : i32
      %dma_start3A_1195 = tpu.memref_slice %arg14[%dma_start3A_1193, %dma_start3A_1194] : memref<256x16xf32, #tpu.memory_space<vmem>> -> memref<128x16xf32, #tpu.memory_space<vmem>>
      %dma_start3A_1196 = arith.constant 0 : i32
      %dma_start3A_1197 = tpu.memref_slice %arg8[%add3A_1133, %dma_start3A_1196] : memref<200x128xi32, #tpu.memory_space<vmem>> -> memref<1x128xi32, #tpu.memory_space<vmem>>
      %dma_start3A_1198 = tpu.memref_squeeze %dma_start3A_1197 : memref<1x128xi32, #tpu.memory_space<vmem>> -> memref<128xi32, #tpu.memory_space<vmem>>
      %dma_start3A_1199 = arith.constant 0 : i32
      %dma_start3A_1200 = arith.constant 0 : i32
      %dma_start3A_1201 = tpu.memref_slice %arg4[%dma_start3A_1199, %dma_start3A_1200] : memref<100000x16xf32, #tpu.memory_space<hbm>> -> memref<100000x16xf32, #tpu.memory_space<hbm>>
      tpu.enqueue_indirect_dma source(%dma_start3A_1201 : memref<100000x16xf32, #tpu.memory_space<hbm>>) target(%dma_start3A_1195 : memref<128x16xf32, #tpu.memory_space<vmem>>) offsets(%dma_start3A_1198 : memref<128xi32, #tpu.memory_space<vmem>>) semaphore(%arg18 : memref<!tpu.dma_semaphore, #tpu.memory_space<semaphore_mem>>)
      %dma_start3A_1202 = arith.constant 0 : i32
      %dma_start3A_1203 = arith.constant 0 : i32
      %dma_start3A_1204 = tpu.memref_slice %arg15[%dma_start3A_1202, %dma_start3A_1203] : memref<256x16xf32, #tpu.memory_space<vmem>> -> memref<128x16xf32, #tpu.memory_space<vmem>>
      %dma_start3A_1205 = arith.constant 0 : i32
      %dma_start3A_1206 = tpu.memref_slice %arg8[%add3A_1141, %dma_start3A_1205] : memref<200x128xi32, #tpu.memory_space<vmem>> -> memref<1x128xi32, #tpu.memory_space<vmem>>
      %dma_start3A_1207 = tpu.memref_squeeze %dma_start3A_1206 : memref<1x128xi32, #tpu.memory_space<vmem>> -> memref<128xi32, #tpu.memory_space<vmem>>
      %dma_start3A_1208 = arith.constant 0 : i32
      %dma_start3A_1209 = arith.constant 0 : i32
      %dma_start3A_1210 = tpu.memref_slice %arg5[%dma_start3A_1208, %dma_start3A_1209] : memref<100000x16xf32, #tpu.memory_space<hbm>> -> memref<100000x16xf32, #tpu.memory_space<hbm>>
      tpu.enqueue_indirect_dma source(%dma_start3A_1210 : memref<100000x16xf32, #tpu.memory_space<hbm>>) target(%dma_start3A_1204 : memref<128x16xf32, #tpu.memory_space<vmem>>) offsets(%dma_start3A_1207 : memref<128xi32, #tpu.memory_space<vmem>>) semaphore(%arg18 : memref<!tpu.dma_semaphore, #tpu.memory_space<semaphore_mem>>)
      %dma_start3A_1211 = arith.constant 128 : i32
      %dma_start3A_1212 = arith.constant 0 : i32
      %dma_start3A_1213 = tpu.memref_slice %arg15[%dma_start3A_1211, %dma_start3A_1212] : memref<256x16xf32, #tpu.memory_space<vmem>> -> memref<128x16xf32, #tpu.memory_space<vmem>>
      %dma_start3A_1214 = arith.constant 0 : i32
      %dma_start3A_1215 = tpu.memref_slice %arg8[%add3A_1149, %dma_start3A_1214] : memref<200x128xi32, #tpu.memory_space<vmem>> -> memref<1x128xi32, #tpu.memory_space<vmem>>
      %dma_start3A_1216 = tpu.memref_squeeze %dma_start3A_1215 : memref<1x128xi32, #tpu.memory_space<vmem>> -> memref<128xi32, #tpu.memory_space<vmem>>
      %dma_start3A_1217 = arith.constant 0 : i32
      %dma_start3A_1218 = arith.constant 0 : i32
      %dma_start3A_1219 = tpu.memref_slice %arg5[%dma_start3A_1217, %dma_start3A_1218] : memref<100000x16xf32, #tpu.memory_space<hbm>> -> memref<100000x16xf32, #tpu.memory_space<hbm>>
      tpu.enqueue_indirect_dma source(%dma_start3A_1219 : memref<100000x16xf32, #tpu.memory_space<hbm>>) target(%dma_start3A_1213 : memref<128x16xf32, #tpu.memory_space<vmem>>) offsets(%dma_start3A_1216 : memref<128xi32, #tpu.memory_space<vmem>>) semaphore(%arg18 : memref<!tpu.dma_semaphore, #tpu.memory_space<semaphore_mem>>)
      %dma_start3A_1220 = arith.constant 0 : i32
      %dma_start3A_1221 = arith.constant 0 : i32
      %dma_start3A_1222 = tpu.memref_slice %arg16[%dma_start3A_1220, %dma_start3A_1221] : memref<256x32xf32, #tpu.memory_space<vmem>> -> memref<128x32xf32, #tpu.memory_space<vmem>>
      %dma_start3A_1223 = arith.constant 0 : i32
      %dma_start3A_1224 = tpu.memref_slice %arg8[%add3A_1157, %dma_start3A_1223] : memref<200x128xi32, #tpu.memory_space<vmem>> -> memref<1x128xi32, #tpu.memory_space<vmem>>
      %dma_start3A_1225 = tpu.memref_squeeze %dma_start3A_1224 : memref<1x128xi32, #tpu.memory_space<vmem>> -> memref<128xi32, #tpu.memory_space<vmem>>
      %dma_start3A_1226 = arith.constant 0 : i32
      %dma_start3A_1227 = arith.constant 0 : i32
      %dma_start3A_1228 = tpu.memref_slice %arg6[%dma_start3A_1226, %dma_start3A_1227] : memref<100000x32xf32, #tpu.memory_space<hbm>> -> memref<100000x32xf32, #tpu.memory_space<hbm>>
      tpu.enqueue_indirect_dma source(%dma_start3A_1228 : memref<100000x32xf32, #tpu.memory_space<hbm>>) target(%dma_start3A_1222 : memref<128x32xf32, #tpu.memory_space<vmem>>) offsets(%dma_start3A_1225 : memref<128xi32, #tpu.memory_space<vmem>>) semaphore(%arg18 : memref<!tpu.dma_semaphore, #tpu.memory_space<semaphore_mem>>)
      %dma_start3A_1229 = arith.constant 128 : i32
      %dma_start3A_1230 = arith.constant 0 : i32
      %dma_start3A_1231 = tpu.memref_slice %arg16[%dma_start3A_1229, %dma_start3A_1230] : memref<256x32xf32, #tpu.memory_space<vmem>> -> memref<128x32xf32, #tpu.memory_space<vmem>>
      %dma_start3A_1232 = arith.constant 0 : i32
      %dma_start3A_1233 = tpu.memref_slice %arg8[%add3A_1165, %dma_start3A_1232] : memref<200x128xi32, #tpu.memory_space<vmem>> -> memref<1x128xi32, #tpu.memory_space<vmem>>
      %dma_start3A_1234 = tpu.memref_squeeze %dma_start3A_1233 : memref<1x128xi32, #tpu.memory_space<vmem>> -> memref<128xi32, #tpu.memory_space<vmem>>
      %dma_start3A_1235 = arith.constant 0 : i32
      %dma_start3A_1236 = arith.constant 0 : i32
      %dma_start3A_1237 = tpu.memref_slice %arg6[%dma_start3A_1235, %dma_start3A_1236] : memref<100000x32xf32, #tpu.memory_space<hbm>> -> memref<100000x32xf32, #tpu.memory_space<hbm>>
      tpu.enqueue_indirect_dma source(%dma_start3A_1237 : memref<100000x32xf32, #tpu.memory_space<hbm>>) target(%dma_start3A_1231 : memref<128x32xf32, #tpu.memory_space<vmem>>) offsets(%dma_start3A_1234 : memref<128xi32, #tpu.memory_space<vmem>>) semaphore(%arg18 : memref<!tpu.dma_semaphore, #tpu.memory_space<semaphore_mem>>)
    }
    %scan3A_167 = arith.constant 11 : i32
    %dma_wait3A = arith.constant 176 : i32
    %dma_wait3A_168 = arith.constant 0 : i32
    %dma_wait3A_169 = arith.constant 0 : i32
    %dma_wait3A_170 = tpu.memref_slice %arg9[%dma_wait3A_168, %dma_wait3A_169] : memref<256x32xf32, #tpu.memory_space<vmem>> -> memref<128x32xf32, #tpu.memory_space<vmem>>
    %dma_wait3A_171 = arith.constant 0 : i32
    %dma_wait3A_172 = tpu.memref_slice %arg8[%dma_wait3A, %dma_wait3A_171] : memref<200x128xi32, #tpu.memory_space<vmem>> -> memref<1x128xi32, #tpu.memory_space<vmem>>
    %dma_wait3A_173 = tpu.memref_squeeze %dma_wait3A_172 : memref<1x128xi32, #tpu.memory_space<vmem>> -> memref<128xi32, #tpu.memory_space<vmem>>
    %dma_wait3A_174 = arith.constant 0 : i32
    %dma_wait3A_175 = arith.constant 0 : i32
    %dma_wait3A_176 = tpu.memref_slice %arg3[%dma_wait3A_174, %dma_wait3A_175] : memref<100000x32xf32, #tpu.memory_space<hbm>> -> memref<100000x32xf32, #tpu.memory_space<hbm>>
    tpu.wait_indirect_dma semaphore(%arg17 : memref<!tpu.dma_semaphore, #tpu.memory_space<semaphore_mem>>) src(%dma_wait3A_176 : memref<100000x32xf32, #tpu.memory_space<hbm>>) dst(%dma_wait3A_170 : memref<128x32xf32, #tpu.memory_space<vmem>>)
    %dma_wait3A_177 = arith.constant 177 : i32
    %dma_wait3A_178 = arith.constant 128 : i32
    %dma_wait3A_179 = arith.constant 0 : i32
    %dma_wait3A_180 = tpu.memref_slice %arg9[%dma_wait3A_178, %dma_wait3A_179] : memref<256x32xf32, #tpu.memory_space<vmem>> -> memref<128x32xf32, #tpu.memory_space<vmem>>
    %dma_wait3A_181 = arith.constant 0 : i32
    %dma_wait3A_182 = tpu.memref_slice %arg8[%dma_wait3A_177, %dma_wait3A_181] : memref<200x128xi32, #tpu.memory_space<vmem>> -> memref<1x128xi32, #tpu.memory_space<vmem>>
    %dma_wait3A_183 = tpu.memref_squeeze %dma_wait3A_182 : memref<1x128xi32, #tpu.memory_space<vmem>> -> memref<128xi32, #tpu.memory_space<vmem>>
    %dma_wait3A_184 = arith.constant 0 : i32
    %dma_wait3A_185 = arith.constant 0 : i32
    %dma_wait3A_186 = tpu.memref_slice %arg3[%dma_wait3A_184, %dma_wait3A_185] : memref<100000x32xf32, #tpu.memory_space<hbm>> -> memref<100000x32xf32, #tpu.memory_space<hbm>>
    tpu.wait_indirect_dma semaphore(%arg17 : memref<!tpu.dma_semaphore, #tpu.memory_space<semaphore_mem>>) src(%dma_wait3A_186 : memref<100000x32xf32, #tpu.memory_space<hbm>>) dst(%dma_wait3A_180 : memref<128x32xf32, #tpu.memory_space<vmem>>)
    %dma_wait3A_187 = arith.constant 178 : i32
    %dma_wait3A_188 = arith.constant 0 : i32
    %dma_wait3A_189 = arith.constant 0 : i32
    %dma_wait3A_190 = tpu.memref_slice %arg10[%dma_wait3A_188, %dma_wait3A_189] : memref<256x16xf32, #tpu.memory_space<vmem>> -> memref<128x16xf32, #tpu.memory_space<vmem>>
    %dma_wait3A_191 = arith.constant 0 : i32
    %dma_wait3A_192 = tpu.memref_slice %arg8[%dma_wait3A_187, %dma_wait3A_191] : memref<200x128xi32, #tpu.memory_space<vmem>> -> memref<1x128xi32, #tpu.memory_space<vmem>>
    %dma_wait3A_193 = tpu.memref_squeeze %dma_wait3A_192 : memref<1x128xi32, #tpu.memory_space<vmem>> -> memref<128xi32, #tpu.memory_space<vmem>>
    %dma_wait3A_194 = arith.constant 0 : i32
    %dma_wait3A_195 = arith.constant 0 : i32
    %dma_wait3A_196 = tpu.memref_slice %arg4[%dma_wait3A_194, %dma_wait3A_195] : memref<100000x16xf32, #tpu.memory_space<hbm>> -> memref<100000x16xf32, #tpu.memory_space<hbm>>
    tpu.wait_indirect_dma semaphore(%arg17 : memref<!tpu.dma_semaphore, #tpu.memory_space<semaphore_mem>>) src(%dma_wait3A_196 : memref<100000x16xf32, #tpu.memory_space<hbm>>) dst(%dma_wait3A_190 : memref<128x16xf32, #tpu.memory_space<vmem>>)
    %dma_wait3A_197 = arith.constant 179 : i32
    %dma_wait3A_198 = arith.constant 128 : i32
    %dma_wait3A_199 = arith.constant 0 : i32
    %dma_wait3A_200 = tpu.memref_slice %arg10[%dma_wait3A_198, %dma_wait3A_199] : memref<256x16xf32, #tpu.memory_space<vmem>> -> memref<128x16xf32, #tpu.memory_space<vmem>>
    %dma_wait3A_201 = arith.constant 0 : i32
    %dma_wait3A_202 = tpu.memref_slice %arg8[%dma_wait3A_197, %dma_wait3A_201] : memref<200x128xi32, #tpu.memory_space<vmem>> -> memref<1x128xi32, #tpu.memory_space<vmem>>
    %dma_wait3A_203 = tpu.memref_squeeze %dma_wait3A_202 : memref<1x128xi32, #tpu.memory_space<vmem>> -> memref<128xi32, #tpu.memory_space<vmem>>
    %dma_wait3A_204 = arith.constant 0 : i32
    %dma_wait3A_205 = arith.constant 0 : i32
    %dma_wait3A_206 = tpu.memref_slice %arg4[%dma_wait3A_204, %dma_wait3A_205] : memref<100000x16xf32, #tpu.memory_space<hbm>> -> memref<100000x16xf32, #tpu.memory_space<hbm>>
    tpu.wait_indirect_dma semaphore(%arg17 : memref<!tpu.dma_semaphore, #tpu.memory_space<semaphore_mem>>) src(%dma_wait3A_206 : memref<100000x16xf32, #tpu.memory_space<hbm>>) dst(%dma_wait3A_200 : memref<128x16xf32, #tpu.memory_space<vmem>>)
    %dma_wait3A_207 = arith.constant 180 : i32
    %dma_wait3A_208 = arith.constant 0 : i32
    %dma_wait3A_209 = arith.constant 0 : i32
    %dma_wait3A_210 = tpu.memref_slice %arg11[%dma_wait3A_208, %dma_wait3A_209] : memref<256x16xf32, #tpu.memory_space<vmem>> -> memref<128x16xf32, #tpu.memory_space<vmem>>
    %dma_wait3A_211 = arith.constant 0 : i32
    %dma_wait3A_212 = tpu.memref_slice %arg8[%dma_wait3A_207, %dma_wait3A_211] : memref<200x128xi32, #tpu.memory_space<vmem>> -> memref<1x128xi32, #tpu.memory_space<vmem>>
    %dma_wait3A_213 = tpu.memref_squeeze %dma_wait3A_212 : memref<1x128xi32, #tpu.memory_space<vmem>> -> memref<128xi32, #tpu.memory_space<vmem>>
    %dma_wait3A_214 = arith.constant 0 : i32
    %dma_wait3A_215 = arith.constant 0 : i32
    %dma_wait3A_216 = tpu.memref_slice %arg5[%dma_wait3A_214, %dma_wait3A_215] : memref<100000x16xf32, #tpu.memory_space<hbm>> -> memref<100000x16xf32, #tpu.memory_space<hbm>>
    tpu.wait_indirect_dma semaphore(%arg17 : memref<!tpu.dma_semaphore, #tpu.memory_space<semaphore_mem>>) src(%dma_wait3A_216 : memref<100000x16xf32, #tpu.memory_space<hbm>>) dst(%dma_wait3A_210 : memref<128x16xf32, #tpu.memory_space<vmem>>)
    %dma_wait3A_217 = arith.constant 181 : i32
    %dma_wait3A_218 = arith.constant 128 : i32
    %dma_wait3A_219 = arith.constant 0 : i32
    %dma_wait3A_220 = tpu.memref_slice %arg11[%dma_wait3A_218, %dma_wait3A_219] : memref<256x16xf32, #tpu.memory_space<vmem>> -> memref<128x16xf32, #tpu.memory_space<vmem>>
    %dma_wait3A_221 = arith.constant 0 : i32
    %dma_wait3A_222 = tpu.memref_slice %arg8[%dma_wait3A_217, %dma_wait3A_221] : memref<200x128xi32, #tpu.memory_space<vmem>> -> memref<1x128xi32, #tpu.memory_space<vmem>>
    %dma_wait3A_223 = tpu.memref_squeeze %dma_wait3A_222 : memref<1x128xi32, #tpu.memory_space<vmem>> -> memref<128xi32, #tpu.memory_space<vmem>>
    %dma_wait3A_224 = arith.constant 0 : i32
    %dma_wait3A_225 = arith.constant 0 : i32
    %dma_wait3A_226 = tpu.memref_slice %arg5[%dma_wait3A_224, %dma_wait3A_225] : memref<100000x16xf32, #tpu.memory_space<hbm>> -> memref<100000x16xf32, #tpu.memory_space<hbm>>
    tpu.wait_indirect_dma semaphore(%arg17 : memref<!tpu.dma_semaphore, #tpu.memory_space<semaphore_mem>>) src(%dma_wait3A_226 : memref<100000x16xf32, #tpu.memory_space<hbm>>) dst(%dma_wait3A_220 : memref<128x16xf32, #tpu.memory_space<vmem>>)
    %dma_wait3A_227 = arith.constant 182 : i32
    %dma_wait3A_228 = arith.constant 0 : i32
    %dma_wait3A_229 = arith.constant 0 : i32
    %dma_wait3A_230 = tpu.memref_slice %arg12[%dma_wait3A_228, %dma_wait3A_229] : memref<256x32xf32, #tpu.memory_space<vmem>> -> memref<128x32xf32, #tpu.memory_space<vmem>>
    %dma_wait3A_231 = arith.constant 0 : i32
    %dma_wait3A_232 = tpu.memref_slice %arg8[%dma_wait3A_227, %dma_wait3A_231] : memref<200x128xi32, #tpu.memory_space<vmem>> -> memref<1x128xi32, #tpu.memory_space<vmem>>
    %dma_wait3A_233 = tpu.memref_squeeze %dma_wait3A_232 : memref<1x128xi32, #tpu.memory_space<vmem>> -> memref<128xi32, #tpu.memory_space<vmem>>
    %dma_wait3A_234 = arith.constant 0 : i32
    %dma_wait3A_235 = arith.constant 0 : i32
    %dma_wait3A_236 = tpu.memref_slice %arg6[%dma_wait3A_234, %dma_wait3A_235] : memref<100000x32xf32, #tpu.memory_space<hbm>> -> memref<100000x32xf32, #tpu.memory_space<hbm>>
    tpu.wait_indirect_dma semaphore(%arg17 : memref<!tpu.dma_semaphore, #tpu.memory_space<semaphore_mem>>) src(%dma_wait3A_236 : memref<100000x32xf32, #tpu.memory_space<hbm>>) dst(%dma_wait3A_230 : memref<128x32xf32, #tpu.memory_space<vmem>>)
    %dma_wait3A_237 = arith.constant 183 : i32
    %dma_wait3A_238 = arith.constant 128 : i32
    %dma_wait3A_239 = arith.constant 0 : i32
    %dma_wait3A_240 = tpu.memref_slice %arg12[%dma_wait3A_238, %dma_wait3A_239] : memref<256x32xf32, #tpu.memory_space<vmem>> -> memref<128x32xf32, #tpu.memory_space<vmem>>
    %dma_wait3A_241 = arith.constant 0 : i32
    %dma_wait3A_242 = tpu.memref_slice %arg8[%dma_wait3A_237, %dma_wait3A_241] : memref<200x128xi32, #tpu.memory_space<vmem>> -> memref<1x128xi32, #tpu.memory_space<vmem>>
    %dma_wait3A_243 = tpu.memref_squeeze %dma_wait3A_242 : memref<1x128xi32, #tpu.memory_space<vmem>> -> memref<128xi32, #tpu.memory_space<vmem>>
    %dma_wait3A_244 = arith.constant 0 : i32
    %dma_wait3A_245 = arith.constant 0 : i32
    %dma_wait3A_246 = tpu.memref_slice %arg6[%dma_wait3A_244, %dma_wait3A_245] : memref<100000x32xf32, #tpu.memory_space<hbm>> -> memref<100000x32xf32, #tpu.memory_space<hbm>>
    tpu.wait_indirect_dma semaphore(%arg17 : memref<!tpu.dma_semaphore, #tpu.memory_space<semaphore_mem>>) src(%dma_wait3A_246 : memref<100000x32xf32, #tpu.memory_space<hbm>>) dst(%dma_wait3A_240 : memref<128x32xf32, #tpu.memory_space<vmem>>)
    %add3A_247 = arith.constant 5632 : i32
    %add3A_248 = arith.addi %mul3A_2, %add3A_247 : i32
    %dma_start3A_249 = arith.constant 0 : i32
    %dma_start3A_250 = tpu.memref_slice %arg7[%add3A_248, %dma_start3A_249] : memref<204800x96xf32, #tpu.memory_space<hbm>> -> memref<256x32xf32, #tpu.memory_space<hbm>>
    %dma_start3A_251 = arith.constant 0 : i32
    %dma_start3A_252 = tpu.memref_slice %arg7[%add3A_248, %dma_start3A_251] : memref<204800x96xf32, #tpu.memory_space<hbm>> -> memref<256x32xf32, #tpu.memory_space<hbm>>
    tpu.enqueue_dma source(%arg9 : memref<256x32xf32, #tpu.memory_space<vmem>>) target(%dma_start3A_252 : memref<256x32xf32, #tpu.memory_space<hbm>>) target_semaphore(%arg19 : memref<!tpu.dma_semaphore, #tpu.memory_space<semaphore_mem>>)
    %dma_start3A_253 = arith.constant 32 : i32
    %dma_start3A_254 = tpu.memref_slice %arg7[%add3A_248, %dma_start3A_253] : memref<204800x96xf32, #tpu.memory_space<hbm>> -> memref<256x16xf32, #tpu.memory_space<hbm>>
    %dma_start3A_255 = arith.constant 32 : i32
    %dma_start3A_256 = tpu.memref_slice %arg7[%add3A_248, %dma_start3A_255] : memref<204800x96xf32, #tpu.memory_space<hbm>> -> memref<256x16xf32, #tpu.memory_space<hbm>>
    tpu.enqueue_dma source(%arg10 : memref<256x16xf32, #tpu.memory_space<vmem>>) target(%dma_start3A_256 : memref<256x16xf32, #tpu.memory_space<hbm>>) target_semaphore(%arg19 : memref<!tpu.dma_semaphore, #tpu.memory_space<semaphore_mem>>)
    %dma_start3A_257 = arith.constant 48 : i32
    %dma_start3A_258 = tpu.memref_slice %arg7[%add3A_248, %dma_start3A_257] : memref<204800x96xf32, #tpu.memory_space<hbm>> -> memref<256x16xf32, #tpu.memory_space<hbm>>
    %dma_start3A_259 = arith.constant 48 : i32
    %dma_start3A_260 = tpu.memref_slice %arg7[%add3A_248, %dma_start3A_259] : memref<204800x96xf32, #tpu.memory_space<hbm>> -> memref<256x16xf32, #tpu.memory_space<hbm>>
    tpu.enqueue_dma source(%arg11 : memref<256x16xf32, #tpu.memory_space<vmem>>) target(%dma_start3A_260 : memref<256x16xf32, #tpu.memory_space<hbm>>) target_semaphore(%arg19 : memref<!tpu.dma_semaphore, #tpu.memory_space<semaphore_mem>>)
    %dma_start3A_261 = arith.constant 64 : i32
    %dma_start3A_262 = tpu.memref_slice %arg7[%add3A_248, %dma_start3A_261] : memref<204800x96xf32, #tpu.memory_space<hbm>> -> memref<256x32xf32, #tpu.memory_space<hbm>>
    %dma_start3A_263 = arith.constant 64 : i32
    %dma_start3A_264 = tpu.memref_slice %arg7[%add3A_248, %dma_start3A_263] : memref<204800x96xf32, #tpu.memory_space<hbm>> -> memref<256x32xf32, #tpu.memory_space<hbm>>
    tpu.enqueue_dma source(%arg12 : memref<256x32xf32, #tpu.memory_space<vmem>>) target(%dma_start3A_264 : memref<256x32xf32, #tpu.memory_space<hbm>>) target_semaphore(%arg19 : memref<!tpu.dma_semaphore, #tpu.memory_space<semaphore_mem>>)
    %dma_wait3A_265 = arith.constant 184 : i32
    %dma_wait3A_266 = arith.constant 0 : i32
    %dma_wait3A_267 = arith.constant 0 : i32
    %dma_wait3A_268 = tpu.memref_slice %arg13[%dma_wait3A_266, %dma_wait3A_267] : memref<256x32xf32, #tpu.memory_space<vmem>> -> memref<128x32xf32, #tpu.memory_space<vmem>>
    %dma_wait3A_269 = arith.constant 0 : i32
    %dma_wait3A_270 = tpu.memref_slice %arg8[%dma_wait3A_265, %dma_wait3A_269] : memref<200x128xi32, #tpu.memory_space<vmem>> -> memref<1x128xi32, #tpu.memory_space<vmem>>
    %dma_wait3A_271 = tpu.memref_squeeze %dma_wait3A_270 : memref<1x128xi32, #tpu.memory_space<vmem>> -> memref<128xi32, #tpu.memory_space<vmem>>
    %dma_wait3A_272 = arith.constant 0 : i32
    %dma_wait3A_273 = arith.constant 0 : i32
    %dma_wait3A_274 = tpu.memref_slice %arg3[%dma_wait3A_272, %dma_wait3A_273] : memref<100000x32xf32, #tpu.memory_space<hbm>> -> memref<100000x32xf32, #tpu.memory_space<hbm>>
    tpu.wait_indirect_dma semaphore(%arg18 : memref<!tpu.dma_semaphore, #tpu.memory_space<semaphore_mem>>) src(%dma_wait3A_274 : memref<100000x32xf32, #tpu.memory_space<hbm>>) dst(%dma_wait3A_268 : memref<128x32xf32, #tpu.memory_space<vmem>>)
    %dma_wait3A_275 = arith.constant 185 : i32
    %dma_wait3A_276 = arith.constant 128 : i32
    %dma_wait3A_277 = arith.constant 0 : i32
    %dma_wait3A_278 = tpu.memref_slice %arg13[%dma_wait3A_276, %dma_wait3A_277] : memref<256x32xf32, #tpu.memory_space<vmem>> -> memref<128x32xf32, #tpu.memory_space<vmem>>
    %dma_wait3A_279 = arith.constant 0 : i32
    %dma_wait3A_280 = tpu.memref_slice %arg8[%dma_wait3A_275, %dma_wait3A_279] : memref<200x128xi32, #tpu.memory_space<vmem>> -> memref<1x128xi32, #tpu.memory_space<vmem>>
    %dma_wait3A_281 = tpu.memref_squeeze %dma_wait3A_280 : memref<1x128xi32, #tpu.memory_space<vmem>> -> memref<128xi32, #tpu.memory_space<vmem>>
    %dma_wait3A_282 = arith.constant 0 : i32
    %dma_wait3A_283 = arith.constant 0 : i32
    %dma_wait3A_284 = tpu.memref_slice %arg3[%dma_wait3A_282, %dma_wait3A_283] : memref<100000x32xf32, #tpu.memory_space<hbm>> -> memref<100000x32xf32, #tpu.memory_space<hbm>>
    tpu.wait_indirect_dma semaphore(%arg18 : memref<!tpu.dma_semaphore, #tpu.memory_space<semaphore_mem>>) src(%dma_wait3A_284 : memref<100000x32xf32, #tpu.memory_space<hbm>>) dst(%dma_wait3A_278 : memref<128x32xf32, #tpu.memory_space<vmem>>)
    %dma_wait3A_285 = arith.constant 186 : i32
    %dma_wait3A_286 = arith.constant 0 : i32
    %dma_wait3A_287 = arith.constant 0 : i32
    %dma_wait3A_288 = tpu.memref_slice %arg14[%dma_wait3A_286, %dma_wait3A_287] : memref<256x16xf32, #tpu.memory_space<vmem>> -> memref<128x16xf32, #tpu.memory_space<vmem>>
    %dma_wait3A_289 = arith.constant 0 : i32
    %dma_wait3A_290 = tpu.memref_slice %arg8[%dma_wait3A_285, %dma_wait3A_289] : memref<200x128xi32, #tpu.memory_space<vmem>> -> memref<1x128xi32, #tpu.memory_space<vmem>>
    %dma_wait3A_291 = tpu.memref_squeeze %dma_wait3A_290 : memref<1x128xi32, #tpu.memory_space<vmem>> -> memref<128xi32, #tpu.memory_space<vmem>>
    %dma_wait3A_292 = arith.constant 0 : i32
    %dma_wait3A_293 = arith.constant 0 : i32
    %dma_wait3A_294 = tpu.memref_slice %arg4[%dma_wait3A_292, %dma_wait3A_293] : memref<100000x16xf32, #tpu.memory_space<hbm>> -> memref<100000x16xf32, #tpu.memory_space<hbm>>
    tpu.wait_indirect_dma semaphore(%arg18 : memref<!tpu.dma_semaphore, #tpu.memory_space<semaphore_mem>>) src(%dma_wait3A_294 : memref<100000x16xf32, #tpu.memory_space<hbm>>) dst(%dma_wait3A_288 : memref<128x16xf32, #tpu.memory_space<vmem>>)
    %dma_wait3A_295 = arith.constant 187 : i32
    %dma_wait3A_296 = arith.constant 128 : i32
    %dma_wait3A_297 = arith.constant 0 : i32
    %dma_wait3A_298 = tpu.memref_slice %arg14[%dma_wait3A_296, %dma_wait3A_297] : memref<256x16xf32, #tpu.memory_space<vmem>> -> memref<128x16xf32, #tpu.memory_space<vmem>>
    %dma_wait3A_299 = arith.constant 0 : i32
    %dma_wait3A_300 = tpu.memref_slice %arg8[%dma_wait3A_295, %dma_wait3A_299] : memref<200x128xi32, #tpu.memory_space<vmem>> -> memref<1x128xi32, #tpu.memory_space<vmem>>
    %dma_wait3A_301 = tpu.memref_squeeze %dma_wait3A_300 : memref<1x128xi32, #tpu.memory_space<vmem>> -> memref<128xi32, #tpu.memory_space<vmem>>
    %dma_wait3A_302 = arith.constant 0 : i32
    %dma_wait3A_303 = arith.constant 0 : i32
    %dma_wait3A_304 = tpu.memref_slice %arg4[%dma_wait3A_302, %dma_wait3A_303] : memref<100000x16xf32, #tpu.memory_space<hbm>> -> memref<100000x16xf32, #tpu.memory_space<hbm>>
    tpu.wait_indirect_dma semaphore(%arg18 : memref<!tpu.dma_semaphore, #tpu.memory_space<semaphore_mem>>) src(%dma_wait3A_304 : memref<100000x16xf32, #tpu.memory_space<hbm>>) dst(%dma_wait3A_298 : memref<128x16xf32, #tpu.memory_space<vmem>>)
    %dma_wait3A_305 = arith.constant 188 : i32
    %dma_wait3A_306 = arith.constant 0 : i32
    %dma_wait3A_307 = arith.constant 0 : i32
    %dma_wait3A_308 = tpu.memref_slice %arg15[%dma_wait3A_306, %dma_wait3A_307] : memref<256x16xf32, #tpu.memory_space<vmem>> -> memref<128x16xf32, #tpu.memory_space<vmem>>
    %dma_wait3A_309 = arith.constant 0 : i32
    %dma_wait3A_310 = tpu.memref_slice %arg8[%dma_wait3A_305, %dma_wait3A_309] : memref<200x128xi32, #tpu.memory_space<vmem>> -> memref<1x128xi32, #tpu.memory_space<vmem>>
    %dma_wait3A_311 = tpu.memref_squeeze %dma_wait3A_310 : memref<1x128xi32, #tpu.memory_space<vmem>> -> memref<128xi32, #tpu.memory_space<vmem>>
    %dma_wait3A_312 = arith.constant 0 : i32
    %dma_wait3A_313 = arith.constant 0 : i32
    %dma_wait3A_314 = tpu.memref_slice %arg5[%dma_wait3A_312, %dma_wait3A_313] : memref<100000x16xf32, #tpu.memory_space<hbm>> -> memref<100000x16xf32, #tpu.memory_space<hbm>>
    tpu.wait_indirect_dma semaphore(%arg18 : memref<!tpu.dma_semaphore, #tpu.memory_space<semaphore_mem>>) src(%dma_wait3A_314 : memref<100000x16xf32, #tpu.memory_space<hbm>>) dst(%dma_wait3A_308 : memref<128x16xf32, #tpu.memory_space<vmem>>)
    %dma_wait3A_315 = arith.constant 189 : i32
    %dma_wait3A_316 = arith.constant 128 : i32
    %dma_wait3A_317 = arith.constant 0 : i32
    %dma_wait3A_318 = tpu.memref_slice %arg15[%dma_wait3A_316, %dma_wait3A_317] : memref<256x16xf32, #tpu.memory_space<vmem>> -> memref<128x16xf32, #tpu.memory_space<vmem>>
    %dma_wait3A_319 = arith.constant 0 : i32
    %dma_wait3A_320 = tpu.memref_slice %arg8[%dma_wait3A_315, %dma_wait3A_319] : memref<200x128xi32, #tpu.memory_space<vmem>> -> memref<1x128xi32, #tpu.memory_space<vmem>>
    %dma_wait3A_321 = tpu.memref_squeeze %dma_wait3A_320 : memref<1x128xi32, #tpu.memory_space<vmem>> -> memref<128xi32, #tpu.memory_space<vmem>>
    %dma_wait3A_322 = arith.constant 0 : i32
    %dma_wait3A_323 = arith.constant 0 : i32
    %dma_wait3A_324 = tpu.memref_slice %arg5[%dma_wait3A_322, %dma_wait3A_323] : memref<100000x16xf32, #tpu.memory_space<hbm>> -> memref<100000x16xf32, #tpu.memory_space<hbm>>
    tpu.wait_indirect_dma semaphore(%arg18 : memref<!tpu.dma_semaphore, #tpu.memory_space<semaphore_mem>>) src(%dma_wait3A_324 : memref<100000x16xf32, #tpu.memory_space<hbm>>) dst(%dma_wait3A_318 : memref<128x16xf32, #tpu.memory_space<vmem>>)
    %dma_wait3A_325 = arith.constant 190 : i32
    %dma_wait3A_326 = arith.constant 0 : i32
    %dma_wait3A_327 = arith.constant 0 : i32
    %dma_wait3A_328 = tpu.memref_slice %arg16[%dma_wait3A_326, %dma_wait3A_327] : memref<256x32xf32, #tpu.memory_space<vmem>> -> memref<128x32xf32, #tpu.memory_space<vmem>>
    %dma_wait3A_329 = arith.constant 0 : i32
    %dma_wait3A_330 = tpu.memref_slice %arg8[%dma_wait3A_325, %dma_wait3A_329] : memref<200x128xi32, #tpu.memory_space<vmem>> -> memref<1x128xi32, #tpu.memory_space<vmem>>
    %dma_wait3A_331 = tpu.memref_squeeze %dma_wait3A_330 : memref<1x128xi32, #tpu.memory_space<vmem>> -> memref<128xi32, #tpu.memory_space<vmem>>
    %dma_wait3A_332 = arith.constant 0 : i32
    %dma_wait3A_333 = arith.constant 0 : i32
    %dma_wait3A_334 = tpu.memref_slice %arg6[%dma_wait3A_332, %dma_wait3A_333] : memref<100000x32xf32, #tpu.memory_space<hbm>> -> memref<100000x32xf32, #tpu.memory_space<hbm>>
    tpu.wait_indirect_dma semaphore(%arg18 : memref<!tpu.dma_semaphore, #tpu.memory_space<semaphore_mem>>) src(%dma_wait3A_334 : memref<100000x32xf32, #tpu.memory_space<hbm>>) dst(%dma_wait3A_328 : memref<128x32xf32, #tpu.memory_space<vmem>>)
    %dma_wait3A_335 = arith.constant 191 : i32
    %dma_wait3A_336 = arith.constant 128 : i32
    %dma_wait3A_337 = arith.constant 0 : i32
    %dma_wait3A_338 = tpu.memref_slice %arg16[%dma_wait3A_336, %dma_wait3A_337] : memref<256x32xf32, #tpu.memory_space<vmem>> -> memref<128x32xf32, #tpu.memory_space<vmem>>
    %dma_wait3A_339 = arith.constant 0 : i32
    %dma_wait3A_340 = tpu.memref_slice %arg8[%dma_wait3A_335, %dma_wait3A_339] : memref<200x128xi32, #tpu.memory_space<vmem>> -> memref<1x128xi32, #tpu.memory_space<vmem>>
    %dma_wait3A_341 = tpu.memref_squeeze %dma_wait3A_340 : memref<1x128xi32, #tpu.memory_space<vmem>> -> memref<128xi32, #tpu.memory_space<vmem>>
    %dma_wait3A_342 = arith.constant 0 : i32
    %dma_wait3A_343 = arith.constant 0 : i32
    %dma_wait3A_344 = tpu.memref_slice %arg6[%dma_wait3A_342, %dma_wait3A_343] : memref<100000x32xf32, #tpu.memory_space<hbm>> -> memref<100000x32xf32, #tpu.memory_space<hbm>>
    tpu.wait_indirect_dma semaphore(%arg18 : memref<!tpu.dma_semaphore, #tpu.memory_space<semaphore_mem>>) src(%dma_wait3A_344 : memref<100000x32xf32, #tpu.memory_space<hbm>>) dst(%dma_wait3A_338 : memref<128x32xf32, #tpu.memory_space<vmem>>)
    %add3A_345 = arith.constant 5888 : i32
    %add3A_346 = arith.addi %mul3A_2, %add3A_345 : i32
    %dma_start3A_347 = arith.constant 0 : i32
    %dma_start3A_348 = tpu.memref_slice %arg7[%add3A_346, %dma_start3A_347] : memref<204800x96xf32, #tpu.memory_space<hbm>> -> memref<256x32xf32, #tpu.memory_space<hbm>>
    %dma_start3A_349 = arith.constant 0 : i32
    %dma_start3A_350 = tpu.memref_slice %arg7[%add3A_346, %dma_start3A_349] : memref<204800x96xf32, #tpu.memory_space<hbm>> -> memref<256x32xf32, #tpu.memory_space<hbm>>
    tpu.enqueue_dma source(%arg13 : memref<256x32xf32, #tpu.memory_space<vmem>>) target(%dma_start3A_350 : memref<256x32xf32, #tpu.memory_space<hbm>>) target_semaphore(%arg20 : memref<!tpu.dma_semaphore, #tpu.memory_space<semaphore_mem>>)
    %dma_start3A_351 = arith.constant 32 : i32
    %dma_start3A_352 = tpu.memref_slice %arg7[%add3A_346, %dma_start3A_351] : memref<204800x96xf32, #tpu.memory_space<hbm>> -> memref<256x16xf32, #tpu.memory_space<hbm>>
    %dma_start3A_353 = arith.constant 32 : i32
    %dma_start3A_354 = tpu.memref_slice %arg7[%add3A_346, %dma_start3A_353] : memref<204800x96xf32, #tpu.memory_space<hbm>> -> memref<256x16xf32, #tpu.memory_space<hbm>>
    tpu.enqueue_dma source(%arg14 : memref<256x16xf32, #tpu.memory_space<vmem>>) target(%dma_start3A_354 : memref<256x16xf32, #tpu.memory_space<hbm>>) target_semaphore(%arg20 : memref<!tpu.dma_semaphore, #tpu.memory_space<semaphore_mem>>)
    %dma_start3A_355 = arith.constant 48 : i32
    %dma_start3A_356 = tpu.memref_slice %arg7[%add3A_346, %dma_start3A_355] : memref<204800x96xf32, #tpu.memory_space<hbm>> -> memref<256x16xf32, #tpu.memory_space<hbm>>
    %dma_start3A_357 = arith.constant 48 : i32
    %dma_start3A_358 = tpu.memref_slice %arg7[%add3A_346, %dma_start3A_357] : memref<204800x96xf32, #tpu.memory_space<hbm>> -> memref<256x16xf32, #tpu.memory_space<hbm>>
    tpu.enqueue_dma source(%arg15 : memref<256x16xf32, #tpu.memory_space<vmem>>) target(%dma_start3A_358 : memref<256x16xf32, #tpu.memory_space<hbm>>) target_semaphore(%arg20 : memref<!tpu.dma_semaphore, #tpu.memory_space<semaphore_mem>>)
    %dma_start3A_359 = arith.constant 64 : i32
    %dma_start3A_360 = tpu.memref_slice %arg7[%add3A_346, %dma_start3A_359] : memref<204800x96xf32, #tpu.memory_space<hbm>> -> memref<256x32xf32, #tpu.memory_space<hbm>>
    %dma_start3A_361 = arith.constant 64 : i32
    %dma_start3A_362 = tpu.memref_slice %arg7[%add3A_346, %dma_start3A_361] : memref<204800x96xf32, #tpu.memory_space<hbm>> -> memref<256x32xf32, #tpu.memory_space<hbm>>
    tpu.enqueue_dma source(%arg16 : memref<256x32xf32, #tpu.memory_space<vmem>>) target(%dma_start3A_362 : memref<256x32xf32, #tpu.memory_space<hbm>>) target_semaphore(%arg20 : memref<!tpu.dma_semaphore, #tpu.memory_space<semaphore_mem>>)
    %add3A_363 = arith.constant 5632 : i32
    %add3A_364 = arith.addi %mul3A_2, %add3A_363 : i32
    %dma_wait3A_365 = arith.constant 0 : i32
    %dma_wait3A_366 = tpu.memref_slice %arg7[%add3A_364, %dma_wait3A_365] : memref<204800x96xf32, #tpu.memory_space<hbm>> -> memref<256x32xf32, #tpu.memory_space<hbm>>
    %dma_wait3A_367 = arith.constant 0 : i32
    %dma_wait3A_368 = tpu.memref_slice %arg7[%add3A_364, %dma_wait3A_367] : memref<204800x96xf32, #tpu.memory_space<hbm>> -> memref<256x32xf32, #tpu.memory_space<hbm>>
    tpu.wait_dma2 semaphore(%arg19 : memref<!tpu.dma_semaphore, #tpu.memory_space<semaphore_mem>>) src(%arg9 : memref<256x32xf32, #tpu.memory_space<vmem>>) dst(%dma_wait3A_368 : memref<256x32xf32, #tpu.memory_space<hbm>>)
    %dma_wait3A_369 = arith.constant 32 : i32
    %dma_wait3A_370 = tpu.memref_slice %arg7[%add3A_364, %dma_wait3A_369] : memref<204800x96xf32, #tpu.memory_space<hbm>> -> memref<256x16xf32, #tpu.memory_space<hbm>>
    %dma_wait3A_371 = arith.constant 32 : i32
    %dma_wait3A_372 = tpu.memref_slice %arg7[%add3A_364, %dma_wait3A_371] : memref<204800x96xf32, #tpu.memory_space<hbm>> -> memref<256x16xf32, #tpu.memory_space<hbm>>
    tpu.wait_dma2 semaphore(%arg19 : memref<!tpu.dma_semaphore, #tpu.memory_space<semaphore_mem>>) src(%arg10 : memref<256x16xf32, #tpu.memory_space<vmem>>) dst(%dma_wait3A_372 : memref<256x16xf32, #tpu.memory_space<hbm>>)
    %dma_wait3A_373 = arith.constant 48 : i32
    %dma_wait3A_374 = tpu.memref_slice %arg7[%add3A_364, %dma_wait3A_373] : memref<204800x96xf32, #tpu.memory_space<hbm>> -> memref<256x16xf32, #tpu.memory_space<hbm>>
    %dma_wait3A_375 = arith.constant 48 : i32
    %dma_wait3A_376 = tpu.memref_slice %arg7[%add3A_364, %dma_wait3A_375] : memref<204800x96xf32, #tpu.memory_space<hbm>> -> memref<256x16xf32, #tpu.memory_space<hbm>>
    tpu.wait_dma2 semaphore(%arg19 : memref<!tpu.dma_semaphore, #tpu.memory_space<semaphore_mem>>) src(%arg11 : memref<256x16xf32, #tpu.memory_space<vmem>>) dst(%dma_wait3A_376 : memref<256x16xf32, #tpu.memory_space<hbm>>)
    %dma_wait3A_377 = arith.constant 64 : i32
    %dma_wait3A_378 = tpu.memref_slice %arg7[%add3A_364, %dma_wait3A_377] : memref<204800x96xf32, #tpu.memory_space<hbm>> -> memref<256x32xf32, #tpu.memory_space<hbm>>
    %dma_wait3A_379 = arith.constant 64 : i32
    %dma_wait3A_380 = tpu.memref_slice %arg7[%add3A_364, %dma_wait3A_379] : memref<204800x96xf32, #tpu.memory_space<hbm>> -> memref<256x32xf32, #tpu.memory_space<hbm>>
    tpu.wait_dma2 semaphore(%arg19 : memref<!tpu.dma_semaphore, #tpu.memory_space<semaphore_mem>>) src(%arg12 : memref<256x32xf32, #tpu.memory_space<vmem>>) dst(%dma_wait3A_380 : memref<256x32xf32, #tpu.memory_space<hbm>>)
    %add3A_381 = arith.constant 5888 : i32
    %add3A_382 = arith.addi %mul3A_2, %add3A_381 : i32
    %dma_wait3A_383 = arith.constant 0 : i32
    %dma_wait3A_384 = tpu.memref_slice %arg7[%add3A_382, %dma_wait3A_383] : memref<204800x96xf32, #tpu.memory_space<hbm>> -> memref<256x32xf32, #tpu.memory_space<hbm>>
    %dma_wait3A_385 = arith.constant 0 : i32
    %dma_wait3A_386 = tpu.memref_slice %arg7[%add3A_382, %dma_wait3A_385] : memref<204800x96xf32, #tpu.memory_space<hbm>> -> memref<256x32xf32, #tpu.memory_space<hbm>>
    tpu.wait_dma2 semaphore(%arg20 : memref<!tpu.dma_semaphore, #tpu.memory_space<semaphore_mem>>) src(%arg13 : memref<256x32xf32, #tpu.memory_space<vmem>>) dst(%dma_wait3A_386 : memref<256x32xf32, #tpu.memory_space<hbm>>)
    %dma_wait3A_387 = arith.constant 32 : i32
    %dma_wait3A_388 = tpu.memref_slice %arg7[%add3A_382, %dma_wait3A_387] : memref<204800x96xf32, #tpu.memory_space<hbm>> -> memref<256x16xf32, #tpu.memory_space<hbm>>
    %dma_wait3A_389 = arith.constant 32 : i32
    %dma_wait3A_390 = tpu.memref_slice %arg7[%add3A_382, %dma_wait3A_389] : memref<204800x96xf32, #tpu.memory_space<hbm>> -> memref<256x16xf32, #tpu.memory_space<hbm>>
    tpu.wait_dma2 semaphore(%arg20 : memref<!tpu.dma_semaphore, #tpu.memory_space<semaphore_mem>>) src(%arg14 : memref<256x16xf32, #tpu.memory_space<vmem>>) dst(%dma_wait3A_390 : memref<256x16xf32, #tpu.memory_space<hbm>>)
    %dma_wait3A_391 = arith.constant 48 : i32
    %dma_wait3A_392 = tpu.memref_slice %arg7[%add3A_382, %dma_wait3A_391] : memref<204800x96xf32, #tpu.memory_space<hbm>> -> memref<256x16xf32, #tpu.memory_space<hbm>>
    %dma_wait3A_393 = arith.constant 48 : i32
    %dma_wait3A_394 = tpu.memref_slice %arg7[%add3A_382, %dma_wait3A_393] : memref<204800x96xf32, #tpu.memory_space<hbm>> -> memref<256x16xf32, #tpu.memory_space<hbm>>
    tpu.wait_dma2 semaphore(%arg20 : memref<!tpu.dma_semaphore, #tpu.memory_space<semaphore_mem>>) src(%arg15 : memref<256x16xf32, #tpu.memory_space<vmem>>) dst(%dma_wait3A_394 : memref<256x16xf32, #tpu.memory_space<hbm>>)
    %dma_wait3A_395 = arith.constant 64 : i32
    %dma_wait3A_396 = tpu.memref_slice %arg7[%add3A_382, %dma_wait3A_395] : memref<204800x96xf32, #tpu.memory_space<hbm>> -> memref<256x32xf32, #tpu.memory_space<hbm>>
    %dma_wait3A_397 = arith.constant 64 : i32
    %dma_wait3A_398 = tpu.memref_slice %arg7[%add3A_382, %dma_wait3A_397] : memref<204800x96xf32, #tpu.memory_space<hbm>> -> memref<256x32xf32, #tpu.memory_space<hbm>>
    tpu.wait_dma2 semaphore(%arg20 : memref<!tpu.dma_semaphore, #tpu.memory_space<semaphore_mem>>) src(%arg16 : memref<256x32xf32, #tpu.memory_space<vmem>>) dst(%dma_wait3A_398 : memref<256x32xf32, #tpu.memory_space<hbm>>)
    %dma_start3A_399 = arith.constant 192 : i32
    %dma_start3A_400 = arith.constant 0 : i32
    %dma_start3A_401 = arith.constant 0 : i32
    %dma_start3A_402 = tpu.memref_slice %arg9[%dma_start3A_400, %dma_start3A_401] : memref<256x32xf32, #tpu.memory_space<vmem>> -> memref<128x32xf32, #tpu.memory_space<vmem>>
    %dma_start3A_403 = arith.constant 0 : i32
    %dma_start3A_404 = tpu.memref_slice %arg8[%dma_start3A_399, %dma_start3A_403] : memref<200x128xi32, #tpu.memory_space<vmem>> -> memref<1x128xi32, #tpu.memory_space<vmem>>
    %dma_start3A_405 = tpu.memref_squeeze %dma_start3A_404 : memref<1x128xi32, #tpu.memory_space<vmem>> -> memref<128xi32, #tpu.memory_space<vmem>>
    %dma_start3A_406 = arith.constant 0 : i32
    %dma_start3A_407 = arith.constant 0 : i32
    %dma_start3A_408 = tpu.memref_slice %arg3[%dma_start3A_406, %dma_start3A_407] : memref<100000x32xf32, #tpu.memory_space<hbm>> -> memref<100000x32xf32, #tpu.memory_space<hbm>>
    tpu.enqueue_indirect_dma source(%dma_start3A_408 : memref<100000x32xf32, #tpu.memory_space<hbm>>) target(%dma_start3A_402 : memref<128x32xf32, #tpu.memory_space<vmem>>) offsets(%dma_start3A_405 : memref<128xi32, #tpu.memory_space<vmem>>) semaphore(%arg17 : memref<!tpu.dma_semaphore, #tpu.memory_space<semaphore_mem>>)
    %dma_start3A_409 = arith.constant 193 : i32
    %dma_start3A_410 = arith.constant 128 : i32
    %dma_start3A_411 = arith.constant 0 : i32
    %dma_start3A_412 = tpu.memref_slice %arg9[%dma_start3A_410, %dma_start3A_411] : memref<256x32xf32, #tpu.memory_space<vmem>> -> memref<128x32xf32, #tpu.memory_space<vmem>>
    %dma_start3A_413 = arith.constant 0 : i32
    %dma_start3A_414 = tpu.memref_slice %arg8[%dma_start3A_409, %dma_start3A_413] : memref<200x128xi32, #tpu.memory_space<vmem>> -> memref<1x128xi32, #tpu.memory_space<vmem>>
    %dma_start3A_415 = tpu.memref_squeeze %dma_start3A_414 : memref<1x128xi32, #tpu.memory_space<vmem>> -> memref<128xi32, #tpu.memory_space<vmem>>
    %dma_start3A_416 = arith.constant 0 : i32
    %dma_start3A_417 = arith.constant 0 : i32
    %dma_start3A_418 = tpu.memref_slice %arg3[%dma_start3A_416, %dma_start3A_417] : memref<100000x32xf32, #tpu.memory_space<hbm>> -> memref<100000x32xf32, #tpu.memory_space<hbm>>
    tpu.enqueue_indirect_dma source(%dma_start3A_418 : memref<100000x32xf32, #tpu.memory_space<hbm>>) target(%dma_start3A_412 : memref<128x32xf32, #tpu.memory_space<vmem>>) offsets(%dma_start3A_415 : memref<128xi32, #tpu.memory_space<vmem>>) semaphore(%arg17 : memref<!tpu.dma_semaphore, #tpu.memory_space<semaphore_mem>>)
    %dma_start3A_419 = arith.constant 194 : i32
    %dma_start3A_420 = arith.constant 0 : i32
    %dma_start3A_421 = arith.constant 0 : i32
    %dma_start3A_422 = tpu.memref_slice %arg10[%dma_start3A_420, %dma_start3A_421] : memref<256x16xf32, #tpu.memory_space<vmem>> -> memref<128x16xf32, #tpu.memory_space<vmem>>
    %dma_start3A_423 = arith.constant 0 : i32
    %dma_start3A_424 = tpu.memref_slice %arg8[%dma_start3A_419, %dma_start3A_423] : memref<200x128xi32, #tpu.memory_space<vmem>> -> memref<1x128xi32, #tpu.memory_space<vmem>>
    %dma_start3A_425 = tpu.memref_squeeze %dma_start3A_424 : memref<1x128xi32, #tpu.memory_space<vmem>> -> memref<128xi32, #tpu.memory_space<vmem>>
    %dma_start3A_426 = arith.constant 0 : i32
    %dma_start3A_427 = arith.constant 0 : i32
    %dma_start3A_428 = tpu.memref_slice %arg4[%dma_start3A_426, %dma_start3A_427] : memref<100000x16xf32, #tpu.memory_space<hbm>> -> memref<100000x16xf32, #tpu.memory_space<hbm>>
    tpu.enqueue_indirect_dma source(%dma_start3A_428 : memref<100000x16xf32, #tpu.memory_space<hbm>>) target(%dma_start3A_422 : memref<128x16xf32, #tpu.memory_space<vmem>>) offsets(%dma_start3A_425 : memref<128xi32, #tpu.memory_space<vmem>>) semaphore(%arg17 : memref<!tpu.dma_semaphore, #tpu.memory_space<semaphore_mem>>)
    %dma_start3A_429 = arith.constant 195 : i32
    %dma_start3A_430 = arith.constant 128 : i32
    %dma_start3A_431 = arith.constant 0 : i32
    %dma_start3A_432 = tpu.memref_slice %arg10[%dma_start3A_430, %dma_start3A_431] : memref<256x16xf32, #tpu.memory_space<vmem>> -> memref<128x16xf32, #tpu.memory_space<vmem>>
    %dma_start3A_433 = arith.constant 0 : i32
    %dma_start3A_434 = tpu.memref_slice %arg8[%dma_start3A_429, %dma_start3A_433] : memref<200x128xi32, #tpu.memory_space<vmem>> -> memref<1x128xi32, #tpu.memory_space<vmem>>
    %dma_start3A_435 = tpu.memref_squeeze %dma_start3A_434 : memref<1x128xi32, #tpu.memory_space<vmem>> -> memref<128xi32, #tpu.memory_space<vmem>>
    %dma_start3A_436 = arith.constant 0 : i32
    %dma_start3A_437 = arith.constant 0 : i32
    %dma_start3A_438 = tpu.memref_slice %arg4[%dma_start3A_436, %dma_start3A_437] : memref<100000x16xf32, #tpu.memory_space<hbm>> -> memref<100000x16xf32, #tpu.memory_space<hbm>>
    tpu.enqueue_indirect_dma source(%dma_start3A_438 : memref<100000x16xf32, #tpu.memory_space<hbm>>) target(%dma_start3A_432 : memref<128x16xf32, #tpu.memory_space<vmem>>) offsets(%dma_start3A_435 : memref<128xi32, #tpu.memory_space<vmem>>) semaphore(%arg17 : memref<!tpu.dma_semaphore, #tpu.memory_space<semaphore_mem>>)
    %dma_start3A_439 = arith.constant 196 : i32
    %dma_start3A_440 = arith.constant 0 : i32
    %dma_start3A_441 = arith.constant 0 : i32
    %dma_start3A_442 = tpu.memref_slice %arg11[%dma_start3A_440, %dma_start3A_441] : memref<256x16xf32, #tpu.memory_space<vmem>> -> memref<128x16xf32, #tpu.memory_space<vmem>>
    %dma_start3A_443 = arith.constant 0 : i32
    %dma_start3A_444 = tpu.memref_slice %arg8[%dma_start3A_439, %dma_start3A_443] : memref<200x128xi32, #tpu.memory_space<vmem>> -> memref<1x128xi32, #tpu.memory_space<vmem>>
    %dma_start3A_445 = tpu.memref_squeeze %dma_start3A_444 : memref<1x128xi32, #tpu.memory_space<vmem>> -> memref<128xi32, #tpu.memory_space<vmem>>
    %dma_start3A_446 = arith.constant 0 : i32
    %dma_start3A_447 = arith.constant 0 : i32
    %dma_start3A_448 = tpu.memref_slice %arg5[%dma_start3A_446, %dma_start3A_447] : memref<100000x16xf32, #tpu.memory_space<hbm>> -> memref<100000x16xf32, #tpu.memory_space<hbm>>
    tpu.enqueue_indirect_dma source(%dma_start3A_448 : memref<100000x16xf32, #tpu.memory_space<hbm>>) target(%dma_start3A_442 : memref<128x16xf32, #tpu.memory_space<vmem>>) offsets(%dma_start3A_445 : memref<128xi32, #tpu.memory_space<vmem>>) semaphore(%arg17 : memref<!tpu.dma_semaphore, #tpu.memory_space<semaphore_mem>>)
    %dma_start3A_449 = arith.constant 197 : i32
    %dma_start3A_450 = arith.constant 128 : i32
    %dma_start3A_451 = arith.constant 0 : i32
    %dma_start3A_452 = tpu.memref_slice %arg11[%dma_start3A_450, %dma_start3A_451] : memref<256x16xf32, #tpu.memory_space<vmem>> -> memref<128x16xf32, #tpu.memory_space<vmem>>
    %dma_start3A_453 = arith.constant 0 : i32
    %dma_start3A_454 = tpu.memref_slice %arg8[%dma_start3A_449, %dma_start3A_453] : memref<200x128xi32, #tpu.memory_space<vmem>> -> memref<1x128xi32, #tpu.memory_space<vmem>>
    %dma_start3A_455 = tpu.memref_squeeze %dma_start3A_454 : memref<1x128xi32, #tpu.memory_space<vmem>> -> memref<128xi32, #tpu.memory_space<vmem>>
    %dma_start3A_456 = arith.constant 0 : i32
    %dma_start3A_457 = arith.constant 0 : i32
    %dma_start3A_458 = tpu.memref_slice %arg5[%dma_start3A_456, %dma_start3A_457] : memref<100000x16xf32, #tpu.memory_space<hbm>> -> memref<100000x16xf32, #tpu.memory_space<hbm>>
    tpu.enqueue_indirect_dma source(%dma_start3A_458 : memref<100000x16xf32, #tpu.memory_space<hbm>>) target(%dma_start3A_452 : memref<128x16xf32, #tpu.memory_space<vmem>>) offsets(%dma_start3A_455 : memref<128xi32, #tpu.memory_space<vmem>>) semaphore(%arg17 : memref<!tpu.dma_semaphore, #tpu.memory_space<semaphore_mem>>)
    %dma_start3A_459 = arith.constant 198 : i32
    %dma_start3A_460 = arith.constant 0 : i32
    %dma_start3A_461 = arith.constant 0 : i32
    %dma_start3A_462 = tpu.memref_slice %arg12[%dma_start3A_460, %dma_start3A_461] : memref<256x32xf32, #tpu.memory_space<vmem>> -> memref<128x32xf32, #tpu.memory_space<vmem>>
    %dma_start3A_463 = arith.constant 0 : i32
    %dma_start3A_464 = tpu.memref_slice %arg8[%dma_start3A_459, %dma_start3A_463] : memref<200x128xi32, #tpu.memory_space<vmem>> -> memref<1x128xi32, #tpu.memory_space<vmem>>
    %dma_start3A_465 = tpu.memref_squeeze %dma_start3A_464 : memref<1x128xi32, #tpu.memory_space<vmem>> -> memref<128xi32, #tpu.memory_space<vmem>>
    %dma_start3A_466 = arith.constant 0 : i32
    %dma_start3A_467 = arith.constant 0 : i32
    %dma_start3A_468 = tpu.memref_slice %arg6[%dma_start3A_466, %dma_start3A_467] : memref<100000x32xf32, #tpu.memory_space<hbm>> -> memref<100000x32xf32, #tpu.memory_space<hbm>>
    tpu.enqueue_indirect_dma source(%dma_start3A_468 : memref<100000x32xf32, #tpu.memory_space<hbm>>) target(%dma_start3A_462 : memref<128x32xf32, #tpu.memory_space<vmem>>) offsets(%dma_start3A_465 : memref<128xi32, #tpu.memory_space<vmem>>) semaphore(%arg17 : memref<!tpu.dma_semaphore, #tpu.memory_space<semaphore_mem>>)
    %dma_start3A_469 = arith.constant 199 : i32
    %dma_start3A_470 = arith.constant 128 : i32
    %dma_start3A_471 = arith.constant 0 : i32
    %dma_start3A_472 = tpu.memref_slice %arg12[%dma_start3A_470, %dma_start3A_471] : memref<256x32xf32, #tpu.memory_space<vmem>> -> memref<128x32xf32, #tpu.memory_space<vmem>>
    %dma_start3A_473 = arith.constant 0 : i32
    %dma_start3A_474 = tpu.memref_slice %arg8[%dma_start3A_469, %dma_start3A_473] : memref<200x128xi32, #tpu.memory_space<vmem>> -> memref<1x128xi32, #tpu.memory_space<vmem>>
    %dma_start3A_475 = tpu.memref_squeeze %dma_start3A_474 : memref<1x128xi32, #tpu.memory_space<vmem>> -> memref<128xi32, #tpu.memory_space<vmem>>
    %dma_start3A_476 = arith.constant 0 : i32
    %dma_start3A_477 = arith.constant 0 : i32
    %dma_start3A_478 = tpu.memref_slice %arg6[%dma_start3A_476, %dma_start3A_477] : memref<100000x32xf32, #tpu.memory_space<hbm>> -> memref<100000x32xf32, #tpu.memory_space<hbm>>
    tpu.enqueue_indirect_dma source(%dma_start3A_478 : memref<100000x32xf32, #tpu.memory_space<hbm>>) target(%dma_start3A_472 : memref<128x32xf32, #tpu.memory_space<vmem>>) offsets(%dma_start3A_475 : memref<128xi32, #tpu.memory_space<vmem>>) semaphore(%arg17 : memref<!tpu.dma_semaphore, #tpu.memory_space<semaphore_mem>>)
    %dma_wait3A_479 = arith.constant 192 : i32
    %dma_wait3A_480 = arith.constant 0 : i32
    %dma_wait3A_481 = arith.constant 0 : i32
    %dma_wait3A_482 = tpu.memref_slice %arg9[%dma_wait3A_480, %dma_wait3A_481] : memref<256x32xf32, #tpu.memory_space<vmem>> -> memref<128x32xf32, #tpu.memory_space<vmem>>
    %dma_wait3A_483 = arith.constant 0 : i32
    %dma_wait3A_484 = tpu.memref_slice %arg8[%dma_wait3A_479, %dma_wait3A_483] : memref<200x128xi32, #tpu.memory_space<vmem>> -> memref<1x128xi32, #tpu.memory_space<vmem>>
    %dma_wait3A_485 = tpu.memref_squeeze %dma_wait3A_484 : memref<1x128xi32, #tpu.memory_space<vmem>> -> memref<128xi32, #tpu.memory_space<vmem>>
    %dma_wait3A_486 = arith.constant 0 : i32
    %dma_wait3A_487 = arith.constant 0 : i32
    %dma_wait3A_488 = tpu.memref_slice %arg3[%dma_wait3A_486, %dma_wait3A_487] : memref<100000x32xf32, #tpu.memory_space<hbm>> -> memref<100000x32xf32, #tpu.memory_space<hbm>>
    tpu.wait_indirect_dma semaphore(%arg17 : memref<!tpu.dma_semaphore, #tpu.memory_space<semaphore_mem>>) src(%dma_wait3A_488 : memref<100000x32xf32, #tpu.memory_space<hbm>>) dst(%dma_wait3A_482 : memref<128x32xf32, #tpu.memory_space<vmem>>)
    %dma_wait3A_489 = arith.constant 193 : i32
    %dma_wait3A_490 = arith.constant 128 : i32
    %dma_wait3A_491 = arith.constant 0 : i32
    %dma_wait3A_492 = tpu.memref_slice %arg9[%dma_wait3A_490, %dma_wait3A_491] : memref<256x32xf32, #tpu.memory_space<vmem>> -> memref<128x32xf32, #tpu.memory_space<vmem>>
    %dma_wait3A_493 = arith.constant 0 : i32
    %dma_wait3A_494 = tpu.memref_slice %arg8[%dma_wait3A_489, %dma_wait3A_493] : memref<200x128xi32, #tpu.memory_space<vmem>> -> memref<1x128xi32, #tpu.memory_space<vmem>>
    %dma_wait3A_495 = tpu.memref_squeeze %dma_wait3A_494 : memref<1x128xi32, #tpu.memory_space<vmem>> -> memref<128xi32, #tpu.memory_space<vmem>>
    %dma_wait3A_496 = arith.constant 0 : i32
    %dma_wait3A_497 = arith.constant 0 : i32
    %dma_wait3A_498 = tpu.memref_slice %arg3[%dma_wait3A_496, %dma_wait3A_497] : memref<100000x32xf32, #tpu.memory_space<hbm>> -> memref<100000x32xf32, #tpu.memory_space<hbm>>
    tpu.wait_indirect_dma semaphore(%arg17 : memref<!tpu.dma_semaphore, #tpu.memory_space<semaphore_mem>>) src(%dma_wait3A_498 : memref<100000x32xf32, #tpu.memory_space<hbm>>) dst(%dma_wait3A_492 : memref<128x32xf32, #tpu.memory_space<vmem>>)
    %dma_wait3A_499 = arith.constant 194 : i32
    %dma_wait3A_500 = arith.constant 0 : i32
    %dma_wait3A_501 = arith.constant 0 : i32
    %dma_wait3A_502 = tpu.memref_slice %arg10[%dma_wait3A_500, %dma_wait3A_501] : memref<256x16xf32, #tpu.memory_space<vmem>> -> memref<128x16xf32, #tpu.memory_space<vmem>>
    %dma_wait3A_503 = arith.constant 0 : i32
    %dma_wait3A_504 = tpu.memref_slice %arg8[%dma_wait3A_499, %dma_wait3A_503] : memref<200x128xi32, #tpu.memory_space<vmem>> -> memref<1x128xi32, #tpu.memory_space<vmem>>
    %dma_wait3A_505 = tpu.memref_squeeze %dma_wait3A_504 : memref<1x128xi32, #tpu.memory_space<vmem>> -> memref<128xi32, #tpu.memory_space<vmem>>
    %dma_wait3A_506 = arith.constant 0 : i32
    %dma_wait3A_507 = arith.constant 0 : i32
    %dma_wait3A_508 = tpu.memref_slice %arg4[%dma_wait3A_506, %dma_wait3A_507] : memref<100000x16xf32, #tpu.memory_space<hbm>> -> memref<100000x16xf32, #tpu.memory_space<hbm>>
    tpu.wait_indirect_dma semaphore(%arg17 : memref<!tpu.dma_semaphore, #tpu.memory_space<semaphore_mem>>) src(%dma_wait3A_508 : memref<100000x16xf32, #tpu.memory_space<hbm>>) dst(%dma_wait3A_502 : memref<128x16xf32, #tpu.memory_space<vmem>>)
    %dma_wait3A_509 = arith.constant 195 : i32
    %dma_wait3A_510 = arith.constant 128 : i32
    %dma_wait3A_511 = arith.constant 0 : i32
    %dma_wait3A_512 = tpu.memref_slice %arg10[%dma_wait3A_510, %dma_wait3A_511] : memref<256x16xf32, #tpu.memory_space<vmem>> -> memref<128x16xf32, #tpu.memory_space<vmem>>
    %dma_wait3A_513 = arith.constant 0 : i32
    %dma_wait3A_514 = tpu.memref_slice %arg8[%dma_wait3A_509, %dma_wait3A_513] : memref<200x128xi32, #tpu.memory_space<vmem>> -> memref<1x128xi32, #tpu.memory_space<vmem>>
    %dma_wait3A_515 = tpu.memref_squeeze %dma_wait3A_514 : memref<1x128xi32, #tpu.memory_space<vmem>> -> memref<128xi32, #tpu.memory_space<vmem>>
    %dma_wait3A_516 = arith.constant 0 : i32
    %dma_wait3A_517 = arith.constant 0 : i32
    %dma_wait3A_518 = tpu.memref_slice %arg4[%dma_wait3A_516, %dma_wait3A_517] : memref<100000x16xf32, #tpu.memory_space<hbm>> -> memref<100000x16xf32, #tpu.memory_space<hbm>>
    tpu.wait_indirect_dma semaphore(%arg17 : memref<!tpu.dma_semaphore, #tpu.memory_space<semaphore_mem>>) src(%dma_wait3A_518 : memref<100000x16xf32, #tpu.memory_space<hbm>>) dst(%dma_wait3A_512 : memref<128x16xf32, #tpu.memory_space<vmem>>)
    %dma_wait3A_519 = arith.constant 196 : i32
    %dma_wait3A_520 = arith.constant 0 : i32
    %dma_wait3A_521 = arith.constant 0 : i32
    %dma_wait3A_522 = tpu.memref_slice %arg11[%dma_wait3A_520, %dma_wait3A_521] : memref<256x16xf32, #tpu.memory_space<vmem>> -> memref<128x16xf32, #tpu.memory_space<vmem>>
    %dma_wait3A_523 = arith.constant 0 : i32
    %dma_wait3A_524 = tpu.memref_slice %arg8[%dma_wait3A_519, %dma_wait3A_523] : memref<200x128xi32, #tpu.memory_space<vmem>> -> memref<1x128xi32, #tpu.memory_space<vmem>>
    %dma_wait3A_525 = tpu.memref_squeeze %dma_wait3A_524 : memref<1x128xi32, #tpu.memory_space<vmem>> -> memref<128xi32, #tpu.memory_space<vmem>>
    %dma_wait3A_526 = arith.constant 0 : i32
    %dma_wait3A_527 = arith.constant 0 : i32
    %dma_wait3A_528 = tpu.memref_slice %arg5[%dma_wait3A_526, %dma_wait3A_527] : memref<100000x16xf32, #tpu.memory_space<hbm>> -> memref<100000x16xf32, #tpu.memory_space<hbm>>
    tpu.wait_indirect_dma semaphore(%arg17 : memref<!tpu.dma_semaphore, #tpu.memory_space<semaphore_mem>>) src(%dma_wait3A_528 : memref<100000x16xf32, #tpu.memory_space<hbm>>) dst(%dma_wait3A_522 : memref<128x16xf32, #tpu.memory_space<vmem>>)
    %dma_wait3A_529 = arith.constant 197 : i32
    %dma_wait3A_530 = arith.constant 128 : i32
    %dma_wait3A_531 = arith.constant 0 : i32
    %dma_wait3A_532 = tpu.memref_slice %arg11[%dma_wait3A_530, %dma_wait3A_531] : memref<256x16xf32, #tpu.memory_space<vmem>> -> memref<128x16xf32, #tpu.memory_space<vmem>>
    %dma_wait3A_533 = arith.constant 0 : i32
    %dma_wait3A_534 = tpu.memref_slice %arg8[%dma_wait3A_529, %dma_wait3A_533] : memref<200x128xi32, #tpu.memory_space<vmem>> -> memref<1x128xi32, #tpu.memory_space<vmem>>
    %dma_wait3A_535 = tpu.memref_squeeze %dma_wait3A_534 : memref<1x128xi32, #tpu.memory_space<vmem>> -> memref<128xi32, #tpu.memory_space<vmem>>
    %dma_wait3A_536 = arith.constant 0 : i32
    %dma_wait3A_537 = arith.constant 0 : i32
    %dma_wait3A_538 = tpu.memref_slice %arg5[%dma_wait3A_536, %dma_wait3A_537] : memref<100000x16xf32, #tpu.memory_space<hbm>> -> memref<100000x16xf32, #tpu.memory_space<hbm>>
    tpu.wait_indirect_dma semaphore(%arg17 : memref<!tpu.dma_semaphore, #tpu.memory_space<semaphore_mem>>) src(%dma_wait3A_538 : memref<100000x16xf32, #tpu.memory_space<hbm>>) dst(%dma_wait3A_532 : memref<128x16xf32, #tpu.memory_space<vmem>>)
    %dma_wait3A_539 = arith.constant 198 : i32
    %dma_wait3A_540 = arith.constant 0 : i32
    %dma_wait3A_541 = arith.constant 0 : i32
    %dma_wait3A_542 = tpu.memref_slice %arg12[%dma_wait3A_540, %dma_wait3A_541] : memref<256x32xf32, #tpu.memory_space<vmem>> -> memref<128x32xf32, #tpu.memory_space<vmem>>
    %dma_wait3A_543 = arith.constant 0 : i32
    %dma_wait3A_544 = tpu.memref_slice %arg8[%dma_wait3A_539, %dma_wait3A_543] : memref<200x128xi32, #tpu.memory_space<vmem>> -> memref<1x128xi32, #tpu.memory_space<vmem>>
    %dma_wait3A_545 = tpu.memref_squeeze %dma_wait3A_544 : memref<1x128xi32, #tpu.memory_space<vmem>> -> memref<128xi32, #tpu.memory_space<vmem>>
    %dma_wait3A_546 = arith.constant 0 : i32
    %dma_wait3A_547 = arith.constant 0 : i32
    %dma_wait3A_548 = tpu.memref_slice %arg6[%dma_wait3A_546, %dma_wait3A_547] : memref<100000x32xf32, #tpu.memory_space<hbm>> -> memref<100000x32xf32, #tpu.memory_space<hbm>>
    tpu.wait_indirect_dma semaphore(%arg17 : memref<!tpu.dma_semaphore, #tpu.memory_space<semaphore_mem>>) src(%dma_wait3A_548 : memref<100000x32xf32, #tpu.memory_space<hbm>>) dst(%dma_wait3A_542 : memref<128x32xf32, #tpu.memory_space<vmem>>)
    %dma_wait3A_549 = arith.constant 199 : i32
    %dma_wait3A_550 = arith.constant 128 : i32
    %dma_wait3A_551 = arith.constant 0 : i32
    %dma_wait3A_552 = tpu.memref_slice %arg12[%dma_wait3A_550, %dma_wait3A_551] : memref<256x32xf32, #tpu.memory_space<vmem>> -> memref<128x32xf32, #tpu.memory_space<vmem>>
    %dma_wait3A_553 = arith.constant 0 : i32
    %dma_wait3A_554 = tpu.memref_slice %arg8[%dma_wait3A_549, %dma_wait3A_553] : memref<200x128xi32, #tpu.memory_space<vmem>> -> memref<1x128xi32, #tpu.memory_space<vmem>>
    %dma_wait3A_555 = tpu.memref_squeeze %dma_wait3A_554 : memref<1x128xi32, #tpu.memory_space<vmem>> -> memref<128xi32, #tpu.memory_space<vmem>>
    %dma_wait3A_556 = arith.constant 0 : i32
    %dma_wait3A_557 = arith.constant 0 : i32
    %dma_wait3A_558 = tpu.memref_slice %arg6[%dma_wait3A_556, %dma_wait3A_557] : memref<100000x32xf32, #tpu.memory_space<hbm>> -> memref<100000x32xf32, #tpu.memory_space<hbm>>
    tpu.wait_indirect_dma semaphore(%arg17 : memref<!tpu.dma_semaphore, #tpu.memory_space<semaphore_mem>>) src(%dma_wait3A_558 : memref<100000x32xf32, #tpu.memory_space<hbm>>) dst(%dma_wait3A_552 : memref<128x32xf32, #tpu.memory_space<vmem>>)
    %add3A_559 = arith.constant 6144 : i32
    %add3A_560 = arith.addi %mul3A_2, %add3A_559 : i32
    %dma_start3A_561 = arith.constant 0 : i32
    %dma_start3A_562 = tpu.memref_slice %arg7[%add3A_560, %dma_start3A_561] : memref<204800x96xf32, #tpu.memory_space<hbm>> -> memref<256x32xf32, #tpu.memory_space<hbm>>
    %dma_start3A_563 = arith.constant 0 : i32
    %dma_start3A_564 = tpu.memref_slice %arg7[%add3A_560, %dma_start3A_563] : memref<204800x96xf32, #tpu.memory_space<hbm>> -> memref<256x32xf32, #tpu.memory_space<hbm>>
    tpu.enqueue_dma source(%arg9 : memref<256x32xf32, #tpu.memory_space<vmem>>) target(%dma_start3A_564 : memref<256x32xf32, #tpu.memory_space<hbm>>) target_semaphore(%arg19 : memref<!tpu.dma_semaphore, #tpu.memory_space<semaphore_mem>>)
    %dma_start3A_565 = arith.constant 32 : i32
    %dma_start3A_566 = tpu.memref_slice %arg7[%add3A_560, %dma_start3A_565] : memref<204800x96xf32, #tpu.memory_space<hbm>> -> memref<256x16xf32, #tpu.memory_space<hbm>>
    %dma_start3A_567 = arith.constant 32 : i32
    %dma_start3A_568 = tpu.memref_slice %arg7[%add3A_560, %dma_start3A_567] : memref<204800x96xf32, #tpu.memory_space<hbm>> -> memref<256x16xf32, #tpu.memory_space<hbm>>
    tpu.enqueue_dma source(%arg10 : memref<256x16xf32, #tpu.memory_space<vmem>>) target(%dma_start3A_568 : memref<256x16xf32, #tpu.memory_space<hbm>>) target_semaphore(%arg19 : memref<!tpu.dma_semaphore, #tpu.memory_space<semaphore_mem>>)
    %dma_start3A_569 = arith.constant 48 : i32
    %dma_start3A_570 = tpu.memref_slice %arg7[%add3A_560, %dma_start3A_569] : memref<204800x96xf32, #tpu.memory_space<hbm>> -> memref<256x16xf32, #tpu.memory_space<hbm>>
    %dma_start3A_571 = arith.constant 48 : i32
    %dma_start3A_572 = tpu.memref_slice %arg7[%add3A_560, %dma_start3A_571] : memref<204800x96xf32, #tpu.memory_space<hbm>> -> memref<256x16xf32, #tpu.memory_space<hbm>>
    tpu.enqueue_dma source(%arg11 : memref<256x16xf32, #tpu.memory_space<vmem>>) target(%dma_start3A_572 : memref<256x16xf32, #tpu.memory_space<hbm>>) target_semaphore(%arg19 : memref<!tpu.dma_semaphore, #tpu.memory_space<semaphore_mem>>)
    %dma_start3A_573 = arith.constant 64 : i32
    %dma_start3A_574 = tpu.memref_slice %arg7[%add3A_560, %dma_start3A_573] : memref<204800x96xf32, #tpu.memory_space<hbm>> -> memref<256x32xf32, #tpu.memory_space<hbm>>
    %dma_start3A_575 = arith.constant 64 : i32
    %dma_start3A_576 = tpu.memref_slice %arg7[%add3A_560, %dma_start3A_575] : memref<204800x96xf32, #tpu.memory_space<hbm>> -> memref<256x32xf32, #tpu.memory_space<hbm>>
    tpu.enqueue_dma source(%arg12 : memref<256x32xf32, #tpu.memory_space<vmem>>) target(%dma_start3A_576 : memref<256x32xf32, #tpu.memory_space<hbm>>) target_semaphore(%arg19 : memref<!tpu.dma_semaphore, #tpu.memory_space<semaphore_mem>>)
    %add3A_577 = arith.constant 6144 : i32
    %add3A_578 = arith.addi %mul3A_2, %add3A_577 : i32
    %dma_wait3A_579 = arith.constant 0 : i32
    %dma_wait3A_580 = tpu.memref_slice %arg7[%add3A_578, %dma_wait3A_579] : memref<204800x96xf32, #tpu.memory_space<hbm>> -> memref<256x32xf32, #tpu.memory_space<hbm>>
    %dma_wait3A_581 = arith.constant 0 : i32
    %dma_wait3A_582 = tpu.memref_slice %arg7[%add3A_578, %dma_wait3A_581] : memref<204800x96xf32, #tpu.memory_space<hbm>> -> memref<256x32xf32, #tpu.memory_space<hbm>>
    tpu.wait_dma2 semaphore(%arg19 : memref<!tpu.dma_semaphore, #tpu.memory_space<semaphore_mem>>) src(%arg9 : memref<256x32xf32, #tpu.memory_space<vmem>>) dst(%dma_wait3A_582 : memref<256x32xf32, #tpu.memory_space<hbm>>)
    %dma_wait3A_583 = arith.constant 32 : i32
    %dma_wait3A_584 = tpu.memref_slice %arg7[%add3A_578, %dma_wait3A_583] : memref<204800x96xf32, #tpu.memory_space<hbm>> -> memref<256x16xf32, #tpu.memory_space<hbm>>
    %dma_wait3A_585 = arith.constant 32 : i32
    %dma_wait3A_586 = tpu.memref_slice %arg7[%add3A_578, %dma_wait3A_585] : memref<204800x96xf32, #tpu.memory_space<hbm>> -> memref<256x16xf32, #tpu.memory_space<hbm>>
    tpu.wait_dma2 semaphore(%arg19 : memref<!tpu.dma_semaphore, #tpu.memory_space<semaphore_mem>>) src(%arg10 : memref<256x16xf32, #tpu.memory_space<vmem>>) dst(%dma_wait3A_586 : memref<256x16xf32, #tpu.memory_space<hbm>>)
    %dma_wait3A_587 = arith.constant 48 : i32
    %dma_wait3A_588 = tpu.memref_slice %arg7[%add3A_578, %dma_wait3A_587] : memref<204800x96xf32, #tpu.memory_space<hbm>> -> memref<256x16xf32, #tpu.memory_space<hbm>>
    %dma_wait3A_589 = arith.constant 48 : i32
    %dma_wait3A_590 = tpu.memref_slice %arg7[%add3A_578, %dma_wait3A_589] : memref<204800x96xf32, #tpu.memory_space<hbm>> -> memref<256x16xf32, #tpu.memory_space<hbm>>
    tpu.wait_dma2 semaphore(%arg19 : memref<!tpu.dma_semaphore, #tpu.memory_space<semaphore_mem>>) src(%arg11 : memref<256x16xf32, #tpu.memory_space<vmem>>) dst(%dma_wait3A_590 : memref<256x16xf32, #tpu.memory_space<hbm>>)
    %dma_wait3A_591 = arith.constant 64 : i32
    %dma_wait3A_592 = tpu.memref_slice %arg7[%add3A_578, %dma_wait3A_591] : memref<204800x96xf32, #tpu.memory_space<hbm>> -> memref<256x32xf32, #tpu.memory_space<hbm>>
    %dma_wait3A_593 = arith.constant 64 : i32
    %dma_wait3A_594 = tpu.memref_slice %arg7[%add3A_578, %dma_wait3A_593] : memref<204800x96xf32, #tpu.memory_space<hbm>> -> memref<256x32xf32, #tpu.memory_space<hbm>>
    tpu.wait_dma2 semaphore(%arg19 : memref<!tpu.dma_semaphore, #tpu.memory_space<semaphore_mem>>) src(%arg12 : memref<256x32xf32, #tpu.memory_space<vmem>>) dst(%dma_wait3A_594 : memref<256x32xf32, #tpu.memory_space<hbm>>)
    return
  }
}

module attributes {stable_mosaic.version = 14 : i64} {
  func.func @_fold_body(%arg0: i32, %arg1: memref<4000x128xf32, #tpu.memory_space<vmem>>, %arg2: memref<128x32xf32, #tpu.memory_space<vmem>>, %arg3: memref<1x32xf32, #tpu.memory_space<vmem>>, %arg4: memref<1000x128xf32, #tpu.memory_space<vmem>>) attributes {dimension_semantics = [#tpu.dimension_semantics<arbitrary>], iteration_bounds = array<i64: 25>, scalar_prefetch = 0 : i64, scratch_operands = 0 : i64, tpu.core_type = #tpu.core_type<tc>, window_params = [{transform_indices = @transform_0, window_bounds = array<i64: 4000, 128>}, {pipeline_mode = #tpu.pipeline_mode<synchronous>, transform_indices = @transform_1, window_bounds = array<i64: 128, 32>}, {pipeline_mode = #tpu.pipeline_mode<synchronous>, transform_indices = @transform_2, window_bounds = array<i64: 1, 32>}, {transform_indices = @transform_3, window_bounds = array<i64: 1000, 128>}]} {
    %get3A = arith.constant 0 : index
    %get3A_0 = arith.constant 0 : index
    %get3A_1 = vector.load %arg1[%get3A, %get3A_0] : memref<4000x128xf32, #tpu.memory_space<vmem>>, vector<4000x128xf32>
    %reshape3A = vector.shape_cast %get3A_1 : vector<4000x128xf32> to vector<1000x4x128xf32>
    %get3A_2 = arith.constant 0 : index
    %get3A_3 = arith.constant 0 : index
    %get3A_4 = vector.load %arg2[%get3A_2, %get3A_3] : memref<128x32xf32, #tpu.memory_space<vmem>>, vector<128x32xf32>
    %get3A_5 = arith.constant 0 : index
    %get3A_6 = arith.constant 0 : index
    %get3A_7 = vector.load %arg3[%get3A_5, %get3A_6] : memref<1x32xf32, #tpu.memory_space<vmem>>, vector<1x32xf32>
    %slice3A = vector.extract_strided_slice %reshape3A {offsets = [0, 0, 0], sizes = [1000, 1, 128], strides = [1, 1, 1]} : vector<1000x4x128xf32> to vector<1000x1x128xf32>
    %squeeze3A = vector.shape_cast %slice3A : vector<1000x1x128xf32> to vector<1000x128xf32>
    %dot_general3A = arith.constant dense<0.000000e+00> : vector<1000x32xf32>
    %dot_general3A_8 = tpu.matmul %squeeze3A, %get3A_4, %dot_general3A {dimension_numbers = #tpu.dot_dimension_numbers<[1], [0], [0], [1], [0, 0, 1, 1], [], []>, transpose_lhs_hint = false} : vector<1000x128xf32>, vector<128x32xf32>, vector<1000x32xf32> -> vector<1000x32xf32>
    %add3A = vector.broadcast %get3A_7 : vector<1x32xf32> to vector<1000x32xf32>
    %add3A_9 = arith.addf %dot_general3A_8, %add3A : vector<1000x32xf32>
    %swap3A = arith.constant 0 : index
    %swap3A_10 = arith.constant 0 : index
    %swap3A_11 = vector.load %arg4[%swap3A, %swap3A_10] : memref<1000x128xf32, #tpu.memory_space<vmem>>, vector<1000x32xf32>
    tpu.vector_store %arg4[%swap3A, %swap3A_10], %add3A_9 {strides = array<i32>} : memref<1000x128xf32, #tpu.memory_space<vmem>>, vector<1000x32xf32>,
    %slice3A_12 = vector.extract_strided_slice %reshape3A {offsets = [0, 1, 0], sizes = [1000, 1, 128], strides = [1, 1, 1]} : vector<1000x4x128xf32> to vector<1000x1x128xf32>
    %squeeze3A_13 = vector.shape_cast %slice3A_12 : vector<1000x1x128xf32> to vector<1000x128xf32>
    %dot_general3A_14 = arith.constant dense<0.000000e+00> : vector<1000x32xf32>
    %dot_general3A_15 = tpu.matmul %squeeze3A_13, %get3A_4, %dot_general3A_14 {dimension_numbers = #tpu.dot_dimension_numbers<[1], [0], [0], [1], [0, 0, 1, 1], [], []>, transpose_lhs_hint = false} : vector<1000x128xf32>, vector<128x32xf32>, vector<1000x32xf32> -> vector<1000x32xf32>
    %add3A_16 = vector.broadcast %get3A_7 : vector<1x32xf32> to vector<1000x32xf32>
    %add3A_17 = arith.addf %dot_general3A_15, %add3A_16 : vector<1000x32xf32>
    %swap3A_18 = arith.constant 0 : index
    %swap3A_19 = arith.constant 32 : index
    %swap3A_20 = vector.load %arg4[%swap3A_18, %swap3A_19] : memref<1000x128xf32, #tpu.memory_space<vmem>>, vector<1000x32xf32>
    tpu.vector_store %arg4[%swap3A_18, %swap3A_19], %add3A_17 {strides = array<i32>} : memref<1000x128xf32, #tpu.memory_space<vmem>>, vector<1000x32xf32>,
    %slice3A_21 = vector.extract_strided_slice %reshape3A {offsets = [0, 2, 0], sizes = [1000, 1, 128], strides = [1, 1, 1]} : vector<1000x4x128xf32> to vector<1000x1x128xf32>
    %squeeze3A_22 = vector.shape_cast %slice3A_21 : vector<1000x1x128xf32> to vector<1000x128xf32>
    %dot_general3A_23 = arith.constant dense<0.000000e+00> : vector<1000x32xf32>
    %dot_general3A_24 = tpu.matmul %squeeze3A_22, %get3A_4, %dot_general3A_23 {dimension_numbers = #tpu.dot_dimension_numbers<[1], [0], [0], [1], [0, 0, 1, 1], [], []>, transpose_lhs_hint = false} : vector<1000x128xf32>, vector<128x32xf32>, vector<1000x32xf32> -> vector<1000x32xf32>
    %add3A_25 = vector.broadcast %get3A_7 : vector<1x32xf32> to vector<1000x32xf32>
    %add3A_26 = arith.addf %dot_general3A_24, %add3A_25 : vector<1000x32xf32>
    %swap3A_27 = arith.constant 0 : index
    %swap3A_28 = arith.constant 64 : index
    %swap3A_29 = vector.load %arg4[%swap3A_27, %swap3A_28] : memref<1000x128xf32, #tpu.memory_space<vmem>>, vector<1000x32xf32>
    tpu.vector_store %arg4[%swap3A_27, %swap3A_28], %add3A_26 {strides = array<i32>} : memref<1000x128xf32, #tpu.memory_space<vmem>>, vector<1000x32xf32>,
    %slice3A_30 = vector.extract_strided_slice %reshape3A {offsets = [0, 3, 0], sizes = [1000, 1, 128], strides = [1, 1, 1]} : vector<1000x4x128xf32> to vector<1000x1x128xf32>
    %squeeze3A_31 = vector.shape_cast %slice3A_30 : vector<1000x1x128xf32> to vector<1000x128xf32>
    %dot_general3A_32 = arith.constant dense<0.000000e+00> : vector<1000x32xf32>
    %dot_general3A_33 = tpu.matmul %squeeze3A_31, %get3A_4, %dot_general3A_32 {dimension_numbers = #tpu.dot_dimension_numbers<[1], [0], [0], [1], [0, 0, 1, 1], [], []>, transpose_lhs_hint = false} : vector<1000x128xf32>, vector<128x32xf32>, vector<1000x32xf32> -> vector<1000x32xf32>
    %add3A_34 = vector.broadcast %get3A_7 : vector<1x32xf32> to vector<1000x32xf32>
    %add3A_35 = arith.addf %dot_general3A_33, %add3A_34 : vector<1000x32xf32>
    %swap3A_36 = arith.constant 0 : index
    %swap3A_37 = arith.constant 96 : index
    %swap3A_38 = vector.load %arg4[%swap3A_36, %swap3A_37] : memref<1000x128xf32, #tpu.memory_space<vmem>>, vector<1000x32xf32>
    tpu.vector_store %arg4[%swap3A_36, %swap3A_37], %add3A_35 {strides = array<i32>} : memref<1000x128xf32, #tpu.memory_space<vmem>>, vector<1000x32xf32>,
    return
  }
  func.func @transform_0(%arg0: i32) -> (i32, i32) {
    %c0_i32 = arith.constant 0 : i32
    %c0_i32_0 = arith.constant 0 : i32
    return %arg0, %c0_i32 : i32, i32
  }
  func.func @transform_1(%arg0: i32) -> (i32, i32) {
    %c0_i32 = arith.constant 0 : i32
    %c0_i32_0 = arith.constant 0 : i32
    %c0_i32_1 = arith.constant 0 : i32
    return %c0_i32, %c0_i32_0 : i32, i32
  }
  func.func @transform_2(%arg0: i32) -> (i32, i32) {
    %c0_i32 = arith.constant 0 : i32
    %c0_i32_0 = arith.constant 0 : i32
    %c0_i32_1 = arith.constant 0 : i32
    return %c0_i32, %c0_i32_0 : i32, i32
  }
  func.func @transform_3(%arg0: i32) -> (i32, i32) {
    %c0_i32 = arith.constant 0 : i32
    %c0_i32_0 = arith.constant 0 : i32
    return %arg0, %c0_i32 : i32, i32
  }
}

</mosaic_0001>

<sc_bundles>
// kernel: kernel.4.cloned.1.call-start
scs
__scs_entry_jumppad:
0x0: {  	(pc) =	sbr.rel $0x88, $3  }
0x1: {  	(tag) =	ssettag $0x0;
	lr =	simm.s32 $0x1  }
0x2: {  	[smem:$0x3F9A] =	sst lr;
	_ =	strace $0xD0000000  }
0x3: {  	_ = 	snop  }
0x4: {  	_ = 	snop  }
0x5: {  	_ = 	snop  }
0x6: {  	_ = 	snop  }
0x7: {  	_ = 	snop  }
__scs_overlays_trampoline_lowered:
0x8: {  	[smem:$0x3FA9] =	sst s0  }
0x9: {  	[smem:$0x3FAA] =	sst s1  }
0xa: {  	[smem:$0x3FAB] =	sst s2  }
0xb: {  	[smem:$0x3FAC] =	sst s3  }
0xc: {  	[smem:$0x3FAD] =	sst s4  }
0xd: {  	[smem:$0x3FAE] =	sst s5  }
0xe: {  	[smem:$0x3FAF] =	sst s6  }
0xf: {  	[smem:$0x3FB0] =	sst s7  }
0x10: {  	[smem:$0x3FB1] =	sst s8  }
0x11: {  	[smem:$0x3FB2] =	sst s9;
	s0 =	simm.s32 @!p0 $0x0  }
0x12: {  	s1 =	sld [smem:$0x3F98];
	s0 =	simm.s32 @p0 $0x1  }
0x13: {  	[smem:$0x3FB3] =	sst s0;
	s0 =	simm.s32 @!p1 $0x0  }
0x14: {  	s2 =	sld [smem:$0x3F97];
	s0 =	simm.s32 @p1 $0x1  }
0x15: {  	[smem:$0x3FB4] =	sst s0;
	s0 =	simm.s32 @!p2 $0x0  }
0x16: {  	s3 =	sld [smem:$0x3FDB];
	s0 =	simm.s32 @p2 $0x1  }
0x17: {  	s4 =	simm.s32 $0x1BF5;
	[smem:$0x3FB6] =	sst s0  }
0x18: {  	s0 =	sld [smem:$0x3F99];
	_ =	swait.ge [sflag:s4], $0x0  }
0x19: {  	s7 =	sld [smem:$0x3F9A]  }
0x1a: {  	s8 =	sadd.s32 $0xFFFFE003, lr  }
0x1b: {  	s9 =	sadd.s32 $0xFFFFFEF7, lr;
	s5 =	simm.s32 $0xFFFFFFFF;
	p2 =	slt.u32 s8, $0xFFFFF086  }
0x1c: {  	p1 =	slt.u32 s9, $0xF7A;
	s5 =	simm.s32 @!p2 $0x0  }
0x1d: {  	s5 =	simm.s32 @p1 $0x1;
	p0 =	seq.s32 s7, s2  }
0x1e: {  	s7 =	smul.u32 @!p0 $0xF7A, s2;
	p2 =	seq.s32 @!p0 s5, $0x0  }
0x1f: {  	s9 =	smul.u32 $0xF7A, s1;
	s8 =	simm.s32 @!p0 $0x1BF5;
	p2 =	por !p2, p0  }
0x20: {  	[sflag:s8] =	ssyncset.s32 @!p0 $0xFFFFF086;
	s6 =	sadd.s32 @!p0 s3, s7;
	s7 =	simm.s32 @!p0 $0x108  }
0x21: {  	s3 =	sadd.s32 s3, s9;
	s6 =	sadd.s32 @!p0 $0x88, s6;
	s7 =	simm.s32 @p2 $0x1082  }
0x22: {  	[simem:s7], [sflag:s8] =	dma.local @!p0 [hbm:s6], $0xF7A  }
0x23: {  	s9 =	sor.u32 $0xD0000000, s2;
	s6 =	simm.s32 $0x108;
	_ =	swait.ge @!p0 [sflag:s8], $0x0  }
0x24: {  	s3 =	sadd.s32 $0x88, s3;
	s6 =	simm.s32 @!p1 $0x1082;
	[sflag:s4] =	ssyncset.s32 $0xFFFFF086  }
0x25: {  	[simem:s6], [sflag:s4] =	dma.local [hbm:s3], $0xF7A  }
0x26: {  	[smem:$0x3F9A] =	sst s1;
	(tag) =	ssettag s2;
	_ =	strace s9  }
0x27: {  	s1 =	sld [smem:$0x3FAA]  }
0x28: {  	s2 =	sld [smem:$0x3FAB]  }
0x29: {  	s4 =	sld [smem:$0x3FAD]  }
0x2a: {  	p0 =	seq.s32 s5, $0x0;
	s5 =	sld [smem:$0x3FAE]  }
0x2b: {  	s6 =	sld [smem:$0x3FAF]  }
0x2c: {  	s7 =	sld [smem:$0x3FB0]  }
0x2d: {  	s3 =	simm.s32 $0x108;
	s8 =	sld [smem:$0x3FB1]  }
0x2e: {  	s3 =	simm.s32 @!p0 $0x1082;
	s9 =	sld [smem:$0x3FB2]  }
0x2f: {  	lr =	sadd.s32 s0, s3;
	s0 =	sld [smem:$0x3FA9]  }
0x30: {  	s3 =	sld [smem:$0x3FAC]  }
0x31: {  	[smem:$0x3FB5] =	sst s10  }
0x32: {  	s10 =	sld [smem:$0x3FB3];
	_ =	sdelay $0x3  }
0x33: {  	p0 =	seq.s32 s10, $0x1;
	s10 =	sld [smem:$0x3FB5];
	_ =	sdelay $0x3  }
0x34: {  	[smem:$0x3FB5] =	sst s10  }
0x35: {  	s10 =	sld [smem:$0x3FB4];
	_ =	sdelay $0x3  }
0x36: {  	p1 =	seq.s32 s10, $0x1;
	s10 =	sld [smem:$0x3FB5];
	_ =	sdelay $0x3  }
0x37: {  	[smem:$0x3FB5] =	sst s10  }
0x38: {  	s10 =	sld [smem:$0x3FB6]  }
0x39: {  	_ = 	snop;
	(pc) =	sbr.ind lr, $3  }
0x3a: {  	_ = 	snop  }
0x3b: {  	_ = 	snop  }
0x3c: {  	p2 =	seq.s32 s10, $0x1;
	s10 =	sld [smem:$0x3FB5]  }
0x3d: {  	_ =	shalt  }
0x3e: {  	_ =	shalt  }
0x3f: {  	_ =	shalt  }
0x40: {  	_ =	shalt  }
0x41: {  	_ =	shalt  }
0x42: {  	_ =	shalt  }
0x43: {  	_ =	shalt  }
0x44: {  	_ =	shalt  }
0x45: {  	_ =	shalt  }
0x46: {  	_ =	shalt  }
0x47: {  	_ =	shalt  }
0x48: {  	_ =	shalt  }
0x49: {  	_ =	shalt  }
0x4a: {  	_ =	shalt  }
0x4b: {  	_ =	shalt  }
0x4c: {  	_ =	shalt  }
0x4d: {  	_ =	shalt  }
0x4e: {  	_ =	shalt  }
0x4f: {  	_ =	shalt  }
0x50: {  	_ =	shalt  }
0x51: {  	_ =	shalt  }
0x52: {  	_ =	shalt  }
0x53: {  	_ =	shalt  }
0x54: {  	_ =	shalt  }
0x55: {  	_ =	shalt  }
0x56: {  	_ =	shalt  }
0x57: {  	_ =	shalt  }
0x58: {  	_ =	shalt  }
0x59: {  	_ =	shalt  }
0x5a: {  	_ =	shalt  }
0x5b: {  	_ =	shalt  }
0x5c: {  	_ =	shalt  }
0x5d: {  	_ =	shalt  }
0x5e: {  	_ =	shalt  }
0x5f: {  	_ =	shalt  }
0x60: {  	_ =	shalt  }
0x61: {  	_ =	shalt  }
0x62: {  	_ =	shalt  }
0x63: {  	_ =	shalt  }
0x64: {  	_ =	shalt  }
0x65: {  	_ =	shalt  }
0x66: {  	_ =	shalt  }
0x67: {  	_ =	shalt  }
0x68: {  	_ =	shalt  }
0x69: {  	_ =	shalt  }
0x6a: {  	_ =	shalt  }
0x6b: {  	_ =	shalt  }
0x6c: {  	_ =	shalt  }
0x6d: {  	_ =	shalt  }
0x6e: {  	_ =	shalt  }
0x6f: {  	_ =	shalt  }
0x70: {  	_ =	shalt  }
0x71: {  	_ =	shalt  }
0x72: {  	_ =	shalt  }
0x73: {  	_ =	shalt  }
0x74: {  	_ =	shalt  }
0x75: {  	_ =	shalt  }
0x76: {  	_ =	shalt  }
0x77: {  	_ =	shalt  }
0x78: {  	_ =	shalt  }
0x79: {  	_ =	shalt  }
0x7a: {  	_ =	shalt  }
0x7b: {  	_ =	shalt  }
0x7c: {  	_ =	shalt  }
0x7d: {  	_ =	shalt  }
0x7e: {  	_ =	shalt  }
0x7f: {  	_ =	shalt  }
0x80: {  	_ =	shalt  }
0x81: {  	_ =	shalt  }
0x82: {  	_ =	shalt  }
0x83: {  	_ =	shalt  }
0x84: {  	_ =	shalt  }
0x85: {  	_ =	shalt  }
0x86: {  	_ =	shalt  }
0x87: {  	_ =	shalt  }
.Lfunc_end0:
.L_simem_size_0:
called_computation.1_lowered:
.L_overlay_start_0:
0x88: {  	s2 =	sld [smem:$0x3FD9]  }
0x89: {  	s3 =	sld [smem:$0x3FFE];
	_ =	sdelay $0x1  }
0x8a: {  	s1 =	srdreg.scid  }
0x8b: {  	s0 =	sand.u32 $0x1, s1  }
0x8c: {  	s17 =	sshll.u32 s0, $0xA;
	s2 =	sadd.s32 s3, s2  }
0x8d: {  	s2 =	sadd.s32 s2, s17  }
0x8e: {  	[smem:$0x3FC1] =	sst s2  }
0x8f: {  	_ = 	snop  }
0x90: {  	s2 =	sld [smem:$0x3FD0];
	(tm) =	ssettm $0x1  }
0x91: {  	s18 =	sld [smem:$0x3FFB];
	_ =	sdelay $0x3  }
0x92: {  	_ =	strace s18  }
0x93: {  	s3 =	sld [smem:$0x3FFC];
	_ =	sdelay $0x3  }
0x94: {  	_ =	strace s3  }
0x95: {  	s3 =	sld [smem:$0x3FFD];
	_ =	sdelay $0x3  }
0x96: {  	_ =	strace s3  }
0x97: {  	_ =	strace $0x8FFFFFFF  }
0x98: {  	s19 =	sld [smem:$0x3FDB];
	_ =	sdelay $0x1  }
0x99: {  	s4 =	simm.s32 $_scs_section_size  }
0x9a: {  	s5 =	simm.s32 $_size__tile_overlayer_lowered;
	s6 =	simm.s32 $_tile_overlayer_lowered  }
0x9b: {  	s22 =	simm.s32 $0x1BFF;
	s21 =	sshll.u32 s6, $0x1;
	s3 =	sadd.s32 s4, s19  }
0x9c: {  	s7 =	simm.s32 $0x0;
	s20 =	sshll.u32 s5, $0x1;
	s5 =	sadd.s32 s21, s3  }
0x9d: {  	[timem:s7], [sflag:s22] =	dma.local [hbm:s5], s20  }
0x9e: {  	_ =	swait.ge [sflag:s22], s20  }
0x9f: {  	s4 =	ssub.s32 $0x0, s20;
	[sflag:s22] =	ssyncset.done $0x0  }
0xa0: {  	[sflag:s22] =	ssyncadd.s32 s4;
	_ =	sdelay $0x1  }
0xa1: {  	s23 =	simm.s32 $0x1B8B  }
0xa2: {  	_ =	swait.ge [sflag:s23], $0x1  }
0xa3: {  	[sflag:s23] =	ssyncset.done $0x0  }
0xa4: {  	s25 =	simm.s32 $0x1B8E;
	s24 =	sld [smem:$0x3FFE];
	[sflag:s23] =	ssyncadd.s32 $0xFFFFFFFF  }
0xa5: {  	s26 =	simm.s32 $execute0_lowered;
	[smem:$0x3FD2] =	sst s25  }
0xa6: {  	s5 =	sshll.u32 s26, $0x1;
	_ =	strace $0x80000046;
	[dreg:$0x1] =	wrdreg $0xFFFFFFFF  }
0xa7: {  	s28 =	simm.s32 $_size_execute0_lowered;
	s3 =	sadd.s32 s3, s5;
	[dreg:$0x0] =	wrdreg $0x0  }
0xa8: {  	s5 =	sshll.u32 s28, $0x1;
	[dreg:$0x2] =	wrdreg s3  }
0xa9: {  	[dreg:$0x3] =	wrdreg s5  }
0xaa: {  	[dreg:$0x4] =	wrdreg $0xC0  }
0xab: {  	_ =	task [dreg:s7], $0x5FFFF  }
0xac: {  	[dreg:$0x1] =	wrdreg $0xFFFFFFFF  }
0xad: {  	[dreg:$0x0] =	wrdreg $0x60  }
0xae: {  	[dreg:$0x2] =	wrdreg s24  }
0xaf: {  	[dreg:$0x3] =	wrdreg s2  }
0xb0: {  	[dreg:$0x4] =	wrdreg $0x9  }
0xb1: {  	_ =	task.clear_ibuf [dreg:s7], $0x5FFFF;
	_ =	strace $0x90000046  }
0xb2: {  	s29 =	simm.s32 $0x9;
	_ =	strace $0x80000048  }
0xb3: {  	_ =	swait.ge [sflag:s29], $0x1  }
0xb4: {  	[sflag:s29] =	ssyncadd.s32 $0xFFFFFFFF  }
0xb5: {  	_ =	strace $0x90000048  }
0xb6: {  	_ =	sfence  }
0xb7: {  	s30 =	sld [smem:$0x0];
	_ =	sdelay $0x2  }
0xb8: {  	s31 =	sshll.u32 s1, $0xD;
	s1 =	sshrl.u32 s1, $0x2  }
0xb9: {  	s3 =	sand.u32 $0x4000, s31;
	s1 =	sadd.s32 s1, s30  }
0xba: {  	s0 =	sor.u32 s3, s0;
	s1 =	sshll.u32 s1, $0x11  }
0xbb: {  	s0 =	sor.u32 s1, s0  }
0xbc: {  	s0 =	sadd.s32 $0x8F2B, s0  }
0xbd: {  	[sflag:s0] =	ssyncadd.remote.s32 $0x1  }
0xbe: {  	_ =	sfence.sel $0xFFFF  }
0xbf: {  	[dreg:$0x0] =	wrdreg $0xFFFFFFFF;
	(pc) =	sbr.abs _section_cstart, $3  }
0xc0: {  	[dreg:$0x1] =	wrdreg $0xFFFFFFFF  }
0xc1: {  	_ =	task.clear_ibuf [dreg:s7], $0x2FFFF;
	_ =	strace $0x9FFFFFFF  }
0xc2: {  	(tm) =	ssettm $0x7FFFFFFF  }
0xc3: {  	_ =	shalt  }
tec
execute0_lowered:
.L_overlay_start_1:
0x0: {  	(tag) =	ssettag $0x1  }
0x1: {  	s0 =	rddreg [dreg:$0x0];
	s1 =	srdreg.scid  }
0x2: {  	s10 =	stileid.u32;
	s2 =	rddreg [dreg:$0x1]  }
0x3: {  	s5 =	simm.s32 $0x0;
	s28 =	simm.s32 $0x8400;
	s31 =	simm.s32 $0xA400  }
0x4: {  	s11 =	simm.s32 $0x10400;
	s1 =	sand.u32 $0x1, s1;
	s3 =	sshll.u32 s10, $0x1  }
0x5: {  	[smem:$0x7FF] =	sst s5;
	s5 =	sadd.s32 $0xAE600, s0;
	s4 =	sor.u32 s1, s3  }
0x6: {  	s6 =	sadd.s32 $0xDF400, s0;
	_ =	strace $0x80000047;
	s3 =	smul.u32 $0xC80, s4  }
0x7: {  	s9 =	ssub.s32 $0x2, s1;
	s8 =	smul.u32 $0x96000, s4;
	s4 =	sadd.s32 $0x7D800, s0  }
0x8: {  	s12 =	sshrl.u32 s9, $0x1;
	s7 =	sadd.s32 s3, s0;
	s3 =	sadd.s32 $0x1BC00, s0  }
0x9: {  	s8 =	sshrl.u32 s8, $0x3;
	s0 =	ssub.s32 s9, s12;
	s7 =	sadd.s32 $0x2C00, s7  }
0xa: {  	s13 =	sadd.s32 s2, s8;
	s0 =	smax.u32 s0, $0x1;
	[dreg:$0x3] =	wrdreg s7  }
0xb: {  	s30 =	simm.s32 $0x7400;
	s8 =	sadd.s32 $0x10800, s13;
	[dreg:$0x10] =	wrdreg s0  }
0xc: {  	s29 =	simm.s32 $0x9C00;
	s14 =	sadd.s32 $0x10804, s13;
	[dreg:$0x4] =	wrdreg s8  }
0xd: {  	s18 =	smul.u32 $0x25800, s10;
	s15 =	sadd.s32 $0x10806, s13;
	[dreg:$0x5] =	wrdreg s14  }
0xe: {  	s10 =	simm.s32 $0xEC00;
	s16 =	sadd.s32 $0x10808, s13;
	[dreg:$0x6] =	wrdreg s15  }
0xf: {  	s1 =	smul.u32 $0x12C00, s1;
	s17 =	sadd.s32 $0x11400, s13;
	[dreg:$0x7] =	wrdreg s16  }
0x10: {  	s9 =	simm.s32 $0xF400;
	s19 =	sadd.s32 $0x11404, s13;
	[dreg:$0x8] =	wrdreg s17  }
0x11: {  	s12 =	simm.s32 $0xFC00;
	s20 =	sadd.s32 $0x11406, s13;
	[dreg:$0x9] =	wrdreg s19  }
0x12: {  	s2 =	sadd.s32 s18, s2;
	s21 =	sadd.s32 $0x11408, s13;
	[dreg:$0xa] =	wrdreg s20  }
0x13: {  	s18 =	simm.s32 $0x3;
	s22 =	sadd.s32 $0x12000, s13;
	[dreg:$0xb] =	wrdreg s21  }
0x14: {  	s23 =	sadd.s32 $0x12004, s13;
	s24 =	sadd.s32 $0x12006, s13;
	[dreg:$0xc] =	wrdreg s22  }
0x15: {  	s1 =	sadd.s32 s1, s2;
	s25 =	sadd.s32 $0x12008, s13;
	[dreg:$0xd] =	wrdreg s23  }
0x16: {  	s0 =	simm.s32 $0xC400;
	s7 =	simm.s32 $0xE400;
	[dreg:$0xe] =	wrdreg s24  }
0x17: {  	s13 =	simm.s32 $0x1;
	s2 =	simm.s32 $0x0;
	[dreg:$0xf] =	wrdreg s25  }
0x18: {  	s26 =	sadd.s32 $0xC08, s1;
	s23 =	simm.s32 $0x80;
	s24 =	simm.s32 $0x6400  }
0x19: {  	s1 =	simm.s32 $0x9400;
	s8 =	simm.s32 $0xD400;
	s14 =	simm.s32 $0x20  }
0x1a: {  	s15 =	simm.s32 $0x60;
	s16 =	simm.s32 $0x10;
	s17 =	simm.s32 $0x2  }
0x1b: {  	s19 =	simm.s32 $0x4;
	[dreg:$0x11] =	wrdreg s26;
	s26 =	simm.s32 $0x8C00  }
.LBB2_1:
0x1c: {  	[dreg:$0x12] =	wrdreg s2  }
0x1d: {  	s20 =	simm.s32 $0x0;
	s21 =	rddreg [dreg:$0x3];
	s22 =	simm.s32 $0x5  }
0x1e: {  	[tilespmem:s20], [sflag:$0x5] =	stream.linear.gather [hbm4b:s21+s20], $0x6400, $0x38;
	[tilespmem:$0x12400] =	vst v63  }
0x1f: {  	_ =	swait.ge [sflag:s22], $0x6400  }
0x20: {  	[sflag:s22] =	ssyncset.done $0x0  }
0x21: {  	[sflag:s22] =	ssyncadd.s32 $0xFFFF9C00  }
0x22: {  	[tilespmem:s24], [sflag:$0x1] =	stream.indirect.gather [hbm4b:s3+s23], $0x20, s20, s23, $0xb8;
	[tilespmem:$0x12400] =	vst v63  }
0x23: {  	s21 =	simm.s32 $0x7400  }
0x24: {  	[tilespmem:s21], [sflag:$0x1] =	stream.indirect.gather [hbm4b:s3+s23], $0x20, s23, s23, $0xb8;
	[tilespmem:$0x12400] =	vst v63  }
0x25: {  	s25 =	simm.s32 $0x100  }
0x26: {  	[tilespmem:s28], [sflag:$0x1] =	stream.indirect.gather [hbm4b:s4+s23], $0x10, s25, s23, $0xb8;
	[tilespmem:$0x12400] =	vst v63  }
0x27: {  	s2 =	simm.s32 $0x180;
	s22 =	simm.s32 $0x8C00  }
0x28: {  	[tilespmem:s22], [sflag:$0x1] =	stream.indirect.gather [hbm4b:s4+s23], $0x10, s2, s23, $0xb8;
	[tilespmem:$0x12400] =	vst v63  }
0x29: {  	s25 =	simm.s32 $0x200  }
0x2a: {  	[tilespmem:s1], [sflag:$0x1] =	stream.indirect.gather [hbm4b:s5+s23], $0x10, s25, s23, $0xb8;
	[tilespmem:$0x12400] =	vst v63  }
0x2b: {  	s2 =	simm.s32 $0x280;
	s25 =	simm.s32 $0x9C00  }
0x2c: {  	[tilespmem:s25], [sflag:$0x1] =	stream.indirect.gather [hbm4b:s5+s23], $0x10, s2, s23, $0xb8;
	[tilespmem:$0x12400] =	vst v63  }
0x2d: {  	s25 =	simm.s32 $0x300  }
0x2e: {  	[tilespmem:s31], [sflag:$0x1] =	stream.indirect.gather [hbm4b:s6+s23], $0x20, s25, s23, $0xb8;
	[tilespmem:$0x12400] =	vst v63  }
0x2f: {  	s2 =	simm.s32 $0x380;
	s25 =	simm.s32 $0xB400  }
0x30: {  	[tilespmem:s25], [sflag:$0x1] =	stream.indirect.gather [hbm4b:s6+s23], $0x20, s2, s23, $0xb8;
	[tilespmem:$0x12400] =	vst v63  }
0x31: {  	s20 =	simm.s32 $0x400  }
0x32: {  	[tilespmem:s0], [sflag:$0x2] =	stream.indirect.gather [hbm4b:s3+s23], $0x20, s20, s23, $0xb8;
	[tilespmem:$0x12400] =	vst v63  }
0x33: {  	s25 =	simm.s32 $0x480  }
0x34: {  	[tilespmem:s8], [sflag:$0x2] =	stream.indirect.gather [hbm4b:s3+s23], $0x20, s25, s23, $0xb8;
	[tilespmem:$0x12400] =	vst v63  }
0x35: {  	s20 =	simm.s32 $0x500  }
0x36: {  	[tilespmem:s7], [sflag:$0x2] =	stream.indirect.gather [hbm4b:s4+s23], $0x10, s20, s23, $0xb8;
	[tilespmem:$0x12400] =	vst v63  }
0x37: {  	s25 =	simm.s32 $0x580  }
0x38: {  	[tilespmem:s10], [sflag:$0x2] =	stream.indirect.gather [hbm4b:s4+s23], $0x10, s25, s23, $0xb8;
	[tilespmem:$0x12400] =	vst v63  }
0x39: {  	s8 =	simm.s32 $0x600  }
0x3a: {  	[tilespmem:s9], [sflag:$0x2] =	stream.indirect.gather [hbm4b:s5+s23], $0x10, s8, s23, $0xb8;
	[tilespmem:$0x12400] =	vst v63  }
0x3b: {  	s10 =	simm.s32 $0x680  }
0x3c: {  	[tilespmem:s12], [sflag:$0x2] =	stream.indirect.gather [hbm4b:s5+s23], $0x10, s10, s23, $0xb8;
	[tilespmem:$0x12400] =	vst v63  }
0x3d: {  	s12 =	simm.s32 $0x700  }
0x3e: {  	[tilespmem:s11], [sflag:$0x2] =	stream.indirect.gather [hbm4b:s6+s23], $0x20, s12, s23, $0xb8;
	[tilespmem:$0x12400] =	vst v63  }
0x3f: {  	s20 =	simm.s32 $0x780;
	s25 =	simm.s32 $0x11400  }
0x40: {  	[tilespmem:s25], [sflag:$0x2] =	stream.indirect.gather [hbm4b:s6+s23], $0x20, s20, s23, $0xb8;
	[tilespmem:$0x12400] =	vst v63  }
0x41: {  	_ =	swait.ge [sflag:s13], $0x1000  }
0x42: {  	[sflag:s13] =	ssyncset.done $0x0  }
0x43: {  	[sflag:s13] =	ssyncadd.s32 $0xFFFFF000  }
0x44: {  	_ =	swait.ge [sflag:s13], $0x1000  }
0x45: {  	[sflag:s13] =	ssyncset.done $0x0  }
0x46: {  	[sflag:s13] =	ssyncadd.s32 $0xFFFFF000  }
0x47: {  	_ =	swait.ge [sflag:s13], $0x800  }
0x48: {  	[sflag:s13] =	ssyncset.done $0x0  }
0x49: {  	[sflag:s13] =	ssyncadd.s32 $0xFFFFF800  }
0x4a: {  	_ =	swait.ge [sflag:s13], $0x800  }
0x4b: {  	[sflag:s13] =	ssyncset.done $0x0  }
0x4c: {  	[sflag:s13] =	ssyncadd.s32 $0xFFFFF800  }
0x4d: {  	_ =	swait.ge [sflag:s13], $0x800  }
0x4e: {  	[sflag:s13] =	ssyncset.done $0x0  }
0x4f: {  	[sflag:s13] =	ssyncadd.s32 $0xFFFFF800  }
0x50: {  	_ =	swait.ge [sflag:s13], $0x800  }
0x51: {  	[sflag:s13] =	ssyncset.done $0x0  }
0x52: {  	[sflag:s13] =	ssyncadd.s32 $0xFFFFF800  }
0x53: {  	_ =	swait.ge [sflag:s13], $0x1000  }
0x54: {  	[sflag:s13] =	ssyncset.done $0x0  }
0x55: {  	[sflag:s13] =	ssyncadd.s32 $0xFFFFF000  }
0x56: {  	_ =	swait.ge [sflag:s13], $0x1000  }
0x57: {  	[sflag:s13] =	ssyncset.done $0x0;
	s25 =	rddreg [dreg:$0x11]  }
0x58: {  	[sflag:s13] =	ssyncadd.s32 $0xFFFFF000;
	s2 =	sadd.s32 $0xFFFFF3F8, s25  }
0x59: {  	[hbm4b:s2+s14] =	stream.strided.scatter [tilespmem:s24], [sflag:$0x3], $0x2000, s15, s14, $0x38;
	[tilespmem:$0x12400] =	vst v63  }
0x5a: {  	s2 =	sadd.s32 $0xFFFFF3FC, s25  }
0x5b: {  	[hbm4b:s2+s16] =	stream.strided.scatter [tilespmem:s28], [sflag:$0x3], $0x1000, s15, s16, $0x38;
	[tilespmem:$0x12400] =	vst v63  }
0x5c: {  	s2 =	sadd.s32 $0xFFFFF3FE, s25  }
0x5d: {  	[hbm4b:s2+s16] =	stream.strided.scatter [tilespmem:s1], [sflag:$0x3], $0x1000, s15, s16, $0x38;
	[tilespmem:$0x12400] =	vst v63  }
0x5e: {  	s2 =	sadd.s32 $0xFFFFF400, s25  }
0x5f: {  	[hbm4b:s2+s14] =	stream.strided.scatter [tilespmem:s31], [sflag:$0x3], $0x2000, s15, s14, $0x38;
	[tilespmem:$0x12400] =	vst v63  }
0x60: {  	_ =	swait.ge [sflag:s17], $0x1000  }
0x61: {  	[sflag:s17] =	ssyncset.done $0x0  }
0x62: {  	[sflag:s17] =	ssyncadd.s32 $0xFFFFF000  }
0x63: {  	_ =	swait.ge [sflag:s17], $0x1000  }
0x64: {  	[sflag:s17] =	ssyncset.done $0x0  }
0x65: {  	[sflag:s17] =	ssyncadd.s32 $0xFFFFF000  }
0x66: {  	_ =	swait.ge [sflag:s17], $0x800  }
0x67: {  	[sflag:s17] =	ssyncset.done $0x0  }
0x68: {  	[sflag:s17] =	ssyncadd.s32 $0xFFFFF800  }
0x69: {  	_ =	swait.ge [sflag:s17], $0x800  }
0x6a: {  	[sflag:s17] =	ssyncset.done $0x0  }
0x6b: {  	[sflag:s17] =	ssyncadd.s32 $0xFFFFF800  }
0x6c: {  	_ =	swait.ge [sflag:s17], $0x800  }
0x6d: {  	[sflag:s17] =	ssyncset.done $0x0  }
0x6e: {  	[sflag:s17] =	ssyncadd.s32 $0xFFFFF800  }
0x6f: {  	_ =	swait.ge [sflag:s17], $0x800  }
0x70: {  	[sflag:s17] =	ssyncset.done $0x0  }
0x71: {  	[sflag:s17] =	ssyncadd.s32 $0xFFFFF800  }
0x72: {  	_ =	swait.ge [sflag:s17], $0x1000  }
0x73: {  	[sflag:s17] =	ssyncset.done $0x0  }
0x74: {  	[sflag:s17] =	ssyncadd.s32 $0xFFFFF000  }
0x75: {  	_ =	swait.ge [sflag:s17], $0x1000  }
0x76: {  	[sflag:s17] =	ssyncset.done $0x0  }
0x77: {  	s2 =	sadd.s32 $0xFFFFFFF8, s25;
	[sflag:s17] =	ssyncadd.s32 $0xFFFFF000  }
0x78: {  	[hbm4b:s2+s14] =	stream.strided.scatter [tilespmem:s0], [sflag:$0x4], $0x2000, s15, s14, $0x38;
	[tilespmem:$0x12400] =	vst v63  }
0x79: {  	s2 =	sadd.s32 $0xFFFFFFFC, s25  }
0x7a: {  	[hbm4b:s2+s16] =	stream.strided.scatter [tilespmem:s7], [sflag:$0x4], $0x1000, s15, s16, $0x38;
	[tilespmem:$0x12400] =	vst v63  }
0x7b: {  	s2 =	sadd.s32 $0xFFFFFFFE, s25  }
0x7c: {  	[hbm4b:s2+s16] =	stream.strided.scatter [tilespmem:s9], [sflag:$0x4], $0x1000, s15, s16, $0x38;
	[tilespmem:$0x12400] =	vst v63  }
0x7d: {  	_ = 	snop  }
0x7e: {  	[hbm4b:s25+s14] =	stream.strided.scatter [tilespmem:s11], [sflag:$0x4], $0x2000, s15, s14, $0x38;
	[tilespmem:$0x12400] =	vst v63  }
0x7f: {  	_ =	swait.ge [sflag:s18], $0x2000  }
0x80: {  	[sflag:s18] =	ssyncset.done $0x0  }
0x81: {  	[sflag:s18] =	ssyncadd.s32 $0xFFFFE000  }
0x82: {  	_ =	swait.ge [sflag:s18], $0x1000  }
0x83: {  	[sflag:s18] =	ssyncset.done $0x0  }
0x84: {  	[sflag:s18] =	ssyncadd.s32 $0xFFFFF000  }
0x85: {  	_ =	swait.ge [sflag:s18], $0x1000  }
0x86: {  	[sflag:s18] =	ssyncset.done $0x0  }
0x87: {  	[sflag:s18] =	ssyncadd.s32 $0xFFFFF000  }
0x88: {  	_ =	swait.ge [sflag:s18], $0x2000  }
0x89: {  	[sflag:s18] =	ssyncset.done $0x0  }
0x8a: {  	s2 =	simm.s32 $0x800;
	[sflag:s18] =	ssyncadd.s32 $0xFFFFE000  }
0x8b: {  	[tilespmem:s24], [sflag:$0x1] =	stream.indirect.gather [hbm4b:s3+s23], $0x20, s2, s23, $0xb8;
	[tilespmem:$0x12400] =	vst v63  }
0x8c: {  	s2 =	simm.s32 $0x880  }
0x8d: {  	[tilespmem:s21], [sflag:$0x1] =	stream.indirect.gather [hbm4b:s3+s23], $0x20, s2, s23, $0xb8;
	[tilespmem:$0x12400] =	vst v63  }
0x8e: {  	s2 =	simm.s32 $0x900  }
0x8f: {  	[tilespmem:s28], [sflag:$0x1] =	stream.indirect.gather [hbm4b:s4+s23], $0x10, s2, s23, $0xb8;
	[tilespmem:$0x12400] =	vst v63  }
0x90: {  	s21 =	simm.s32 $0x980  }
0x91: {  	[tilespmem:s22], [sflag:$0x1] =	stream.indirect.gather [hbm4b:s4+s23], $0x10, s21, s23, $0xb8;
	[tilespmem:$0x12400] =	vst v63  }
0x92: {  	s2 =	simm.s32 $0xA00  }
0x93: {  	[tilespmem:s1], [sflag:$0x1] =	stream.indirect.gather [hbm4b:s5+s23], $0x10, s2, s23, $0xb8;
	[tilespmem:$0x12400] =	vst v63  }
0x94: {  	s21 =	simm.s32 $0xA80;
	s22 =	simm.s32 $0x9C00  }
0x95: {  	[tilespmem:s22], [sflag:$0x1] =	stream.indirect.gather [hbm4b:s5+s23], $0x10, s21, s23, $0xb8;
	[tilespmem:$0x12400] =	vst v63  }
0x96: {  	s2 =	simm.s32 $0xB00  }
0x97: {  	[tilespmem:s31], [sflag:$0x1] =	stream.indirect.gather [hbm4b:s6+s23], $0x20, s2, s23, $0xb8;
	[tilespmem:$0x12400] =	vst v63  }
0x98: {  	s21 =	simm.s32 $0xB80;
	s22 =	simm.s32 $0xB400  }
0x99: {  	[tilespmem:s22], [sflag:$0x1] =	stream.indirect.gather [hbm4b:s6+s23], $0x20, s21, s23, $0xb8;
	[tilespmem:$0x12400] =	vst v63  }
0x9a: {  	_ =	swait.ge [sflag:s19], $0x2000  }
0x9b: {  	[sflag:s19] =	ssyncset.done $0x0  }
0x9c: {  	[sflag:s19] =	ssyncadd.s32 $0xFFFFE000  }
0x9d: {  	_ =	swait.ge [sflag:s19], $0x1000  }
0x9e: {  	[sflag:s19] =	ssyncset.done $0x0  }
0x9f: {  	[sflag:s19] =	ssyncadd.s32 $0xFFFFF000  }
0xa0: {  	_ =	swait.ge [sflag:s19], $0x1000  }
0xa1: {  	[sflag:s19] =	ssyncset.done $0x0  }
0xa2: {  	[sflag:s19] =	ssyncadd.s32 $0xFFFFF000  }
0xa3: {  	_ =	swait.ge [sflag:s19], $0x2000  }
0xa4: {  	[sflag:s19] =	ssyncset.done $0x0  }
0xa5: {  	s22 =	simm.s32 $0xC00;
	[sflag:s19] =	ssyncadd.s32 $0xFFFFE000  }
0xa6: {  	[tilespmem:s0], [sflag:$0x2] =	stream.indirect.gather [hbm4b:s3+s23], $0x20, s22, s23, $0xb8;
	[tilespmem:$0x12400] =	vst v63  }
0xa7: {  	s8 =	simm.s32 $0xD400;
	s21 =	simm.s32 $0xC80  }
0xa8: {  	[tilespmem:s8], [sflag:$0x2] =	stream.indirect.gather [hbm4b:s3+s23], $0x20, s21, s23, $0xb8;
	[tilespmem:$0x12400] =	vst v63  }
0xa9: {  	s22 =	simm.s32 $0xD00  }
0xaa: {  	[tilespmem:s7], [sflag:$0x2] =	stream.indirect.gather [hbm4b:s4+s23], $0x10, s22, s23, $0xb8;
	[tilespmem:$0x12400] =	vst v63  }
0xab: {  	s10 =	simm.s32 $0xEC00;
	s21 =	simm.s32 $0xD80  }
0xac: {  	[tilespmem:s10], [sflag:$0x2] =	stream.indirect.gather [hbm4b:s4+s23], $0x10, s21, s23, $0xb8;
	[tilespmem:$0x12400] =	vst v63  }
0xad: {  	s22 =	simm.s32 $0xE00  }
0xae: {  	[tilespmem:s9], [sflag:$0x2] =	stream.indirect.gather [hbm4b:s5+s23], $0x10, s22, s23, $0xb8;
	[tilespmem:$0x12400] =	vst v63  }
0xaf: {  	s12 =	simm.s32 $0xFC00;
	s21 =	simm.s32 $0xE80  }
0xb0: {  	[tilespmem:s12], [sflag:$0x2] =	stream.indirect.gather [hbm4b:s5+s23], $0x10, s21, s23, $0xb8;
	[tilespmem:$0x12400] =	vst v63  }
0xb1: {  	s20 =	sadd.s32 $0x1800, s25;
	s22 =	simm.s32 $0xF00  }
0xb2: {  	[tilespmem:s11], [sflag:$0x2] =	stream.indirect.gather [hbm4b:s6+s23], $0x20, s22, s23, $0xb8;
	[tilespmem:$0x12400] =	vst v63  }
0xb3: {  	s2 =	simm.s32 $0xB400;
	s21 =	simm.s32 $0xF80;
	s22 =	simm.s32 $0x2000  }
.LBB2_2:
0xb4: {  	s25 =	simm.s32 $0x11400  }
0xb5: {  	[tilespmem:s25], [sflag:$0x2] =	stream.indirect.gather [hbm4b:s6+s23], $0x20, s21, s23, $0xb8;
	[tilespmem:$0x12400] =	vst v63  }
0xb6: {  	s21 =	smov.u32 s22  }
0xb7: {  	p0 =	sne.s32 s22, $0x14000;
	s22 =	sadd.s32 $0x2000, s22;
	_ =	swait.ge [sflag:s13], $0x1000  }
0xb8: {  	[sflag:s13] =	ssyncset.done $0x0  }
0xb9: {  	[sflag:s13] =	ssyncadd.s32 $0xFFFFF000  }
0xba: {  	_ =	swait.ge [sflag:s13], $0x1000  }
0xbb: {  	[sflag:s13] =	ssyncset.done $0x0  }
0xbc: {  	[sflag:s13] =	ssyncadd.s32 $0xFFFFF000  }
0xbd: {  	_ =	swait.ge [sflag:s13], $0x800  }
0xbe: {  	[sflag:s13] =	ssyncset.done $0x0  }
0xbf: {  	[sflag:s13] =	ssyncadd.s32 $0xFFFFF800  }
0xc0: {  	_ =	swait.ge [sflag:s13], $0x800  }
0xc1: {  	[sflag:s13] =	ssyncset.done $0x0  }
0xc2: {  	[sflag:s13] =	ssyncadd.s32 $0xFFFFF800  }
0xc3: {  	_ =	swait.ge [sflag:s13], $0x800  }
0xc4: {  	[sflag:s13] =	ssyncset.done $0x0  }
0xc5: {  	[sflag:s13] =	ssyncadd.s32 $0xFFFFF800  }
0xc6: {  	_ =	swait.ge [sflag:s13], $0x800  }
0xc7: {  	[sflag:s13] =	ssyncset.done $0x0  }
0xc8: {  	[sflag:s13] =	ssyncadd.s32 $0xFFFFF800  }
0xc9: {  	_ =	swait.ge [sflag:s13], $0x1000  }
0xca: {  	[sflag:s13] =	ssyncset.done $0x0  }
0xcb: {  	[sflag:s13] =	ssyncadd.s32 $0xFFFFF000  }
0xcc: {  	_ =	swait.ge [sflag:s13], $0x1000  }
0xcd: {  	[sflag:s13] =	ssyncset.done $0x0  }
0xce: {  	s25 =	sadd.s32 $0xFFFFF3F8, s20;
	[sflag:s13] =	ssyncadd.s32 $0xFFFFF000  }
0xcf: {  	[hbm4b:s25+s14] =	stream.strided.scatter [tilespmem:s24], [sflag:$0x3], $0x2000, s15, s14, $0x38;
	[tilespmem:$0x12400] =	vst v63  }
0xd0: {  	s25 =	sadd.s32 $0xFFFFF3FC, s20  }
0xd1: {  	[hbm4b:s25+s16] =	stream.strided.scatter [tilespmem:s28], [sflag:$0x3], $0x1000, s15, s16, $0x38;
	[tilespmem:$0x12400] =	vst v63  }
0xd2: {  	s25 =	sadd.s32 $0xFFFFF3FE, s20  }
0xd3: {  	[hbm4b:s25+s16] =	stream.strided.scatter [tilespmem:s1], [sflag:$0x3], $0x1000, s15, s16, $0x38;
	[tilespmem:$0x12400] =	vst v63  }
0xd4: {  	s25 =	sadd.s32 $0xFFFFF400, s20  }
0xd5: {  	[hbm4b:s25+s14] =	stream.strided.scatter [tilespmem:s31], [sflag:$0x3], $0x2000, s15, s14, $0x38;
	[tilespmem:$0x12400] =	vst v63  }
0xd6: {  	_ =	swait.ge [sflag:s17], $0x1000  }
0xd7: {  	[sflag:s17] =	ssyncset.done $0x0  }
0xd8: {  	[sflag:s17] =	ssyncadd.s32 $0xFFFFF000  }
0xd9: {  	_ =	swait.ge [sflag:s17], $0x1000  }
0xda: {  	[sflag:s17] =	ssyncset.done $0x0  }
0xdb: {  	[sflag:s17] =	ssyncadd.s32 $0xFFFFF000  }
0xdc: {  	_ =	swait.ge [sflag:s17], $0x800  }
0xdd: {  	[sflag:s17] =	ssyncset.done $0x0  }
0xde: {  	[sflag:s17] =	ssyncadd.s32 $0xFFFFF800  }
0xdf: {  	_ =	swait.ge [sflag:s17], $0x800  }
0xe0: {  	[sflag:s17] =	ssyncset.done $0x0  }
0xe1: {  	[sflag:s17] =	ssyncadd.s32 $0xFFFFF800  }
0xe2: {  	_ =	swait.ge [sflag:s17], $0x800  }
0xe3: {  	[sflag:s17] =	ssyncset.done $0x0  }
0xe4: {  	[sflag:s17] =	ssyncadd.s32 $0xFFFFF800  }
0xe5: {  	_ =	swait.ge [sflag:s17], $0x800  }
0xe6: {  	[sflag:s17] =	ssyncset.done $0x0  }
0xe7: {  	[sflag:s17] =	ssyncadd.s32 $0xFFFFF800  }
0xe8: {  	_ =	swait.ge [sflag:s17], $0x1000  }
0xe9: {  	[sflag:s17] =	ssyncset.done $0x0  }
0xea: {  	[sflag:s17] =	ssyncadd.s32 $0xFFFFF000  }
0xeb: {  	_ =	swait.ge [sflag:s17], $0x1000  }
0xec: {  	[sflag:s17] =	ssyncset.done $0x0  }
0xed: {  	s25 =	sadd.s32 $0xFFFFFFF8, s20;
	[sflag:s17] =	ssyncadd.s32 $0xFFFFF000  }
0xee: {  	[hbm4b:s25+s14] =	stream.strided.scatter [tilespmem:s0], [sflag:$0x4], $0x2000, s15, s14, $0x38;
	[tilespmem:$0x12400] =	vst v63  }
0xef: {  	s25 =	sadd.s32 $0xFFFFFFFC, s20  }
0xf0: {  	[hbm4b:s25+s16] =	stream.strided.scatter [tilespmem:s7], [sflag:$0x4], $0x1000, s15, s16, $0x38;
	[tilespmem:$0x12400] =	vst v63  }
0xf1: {  	s25 =	sadd.s32 $0xFFFFFFFE, s20  }
0xf2: {  	[hbm4b:s25+s16] =	stream.strided.scatter [tilespmem:s9], [sflag:$0x4], $0x1000, s15, s16, $0x38;
	[tilespmem:$0x12400] =	vst v63  }
0xf3: {  	_ = 	snop  }
0xf4: {  	[hbm4b:s20+s14] =	stream.strided.scatter [tilespmem:s11], [sflag:$0x4], $0x2000, s15, s14, $0x38;
	[tilespmem:$0x12400] =	vst v63  }
0xf5: {  	_ =	swait.ge [sflag:s18], $0x2000  }
0xf6: {  	[sflag:s18] =	ssyncset.done $0x0  }
0xf7: {  	[sflag:s18] =	ssyncadd.s32 $0xFFFFE000  }
0xf8: {  	_ =	swait.ge [sflag:s18], $0x1000  }
0xf9: {  	[sflag:s18] =	ssyncset.done $0x0  }
0xfa: {  	[sflag:s18] =	ssyncadd.s32 $0xFFFFF000  }
0xfb: {  	_ =	swait.ge [sflag:s18], $0x1000  }
0xfc: {  	[sflag:s18] =	ssyncset.done $0x0  }
0xfd: {  	[sflag:s18] =	ssyncadd.s32 $0xFFFFF000  }
0xfe: {  	_ =	swait.ge [sflag:s18], $0x2000  }
0xff: {  	s21 =	sshra.s32 s21, $0x2;
	[sflag:s18] =	ssyncset.done $0x0  }
0x100: {  	s25 =	sadd.s32 $0x800, s21;
	[sflag:s18] =	ssyncadd.s32 $0xFFFFE000  }
0x101: {  	[tilespmem:s24], [sflag:$0x1] =	stream.indirect.gather [hbm4b:s3+s23], $0x20, s25, s23, $0xb8;
	[tilespmem:$0x12400] =	vst v63  }
0x102: {  	s25 =	sadd.s32 $0x880, s21  }
0x103: {  	[tilespmem:s30], [sflag:$0x1] =	stream.indirect.gather [hbm4b:s3+s23], $0x20, s25, s23, $0xb8;
	[tilespmem:$0x12400] =	vst v63  }
0x104: {  	s25 =	sadd.s32 $0x900, s21  }
0x105: {  	[tilespmem:s28], [sflag:$0x1] =	stream.indirect.gather [hbm4b:s4+s23], $0x10, s25, s23, $0xb8;
	[tilespmem:$0x12400] =	vst v63  }
0x106: {  	s25 =	sadd.s32 $0x980, s21  }
0x107: {  	[tilespmem:s26], [sflag:$0x1] =	stream.indirect.gather [hbm4b:s4+s23], $0x10, s25, s23, $0xb8;
	[tilespmem:$0x12400] =	vst v63  }
0x108: {  	s25 =	sadd.s32 $0xA00, s21  }
0x109: {  	[tilespmem:s1], [sflag:$0x1] =	stream.indirect.gather [hbm4b:s5+s23], $0x10, s25, s23, $0xb8;
	[tilespmem:$0x12400] =	vst v63  }
0x10a: {  	s25 =	sadd.s32 $0xA80, s21  }
0x10b: {  	[tilespmem:s29], [sflag:$0x1] =	stream.indirect.gather [hbm4b:s5+s23], $0x10, s25, s23, $0xb8;
	[tilespmem:$0x12400] =	vst v63  }
0x10c: {  	s25 =	sadd.s32 $0xB00, s21  }
0x10d: {  	[tilespmem:s31], [sflag:$0x1] =	stream.indirect.gather [hbm4b:s6+s23], $0x20, s25, s23, $0xb8;
	[tilespmem:$0x12400] =	vst v63  }
0x10e: {  	s25 =	sadd.s32 $0xB80, s21  }
0x10f: {  	[tilespmem:s2], [sflag:$0x1] =	stream.indirect.gather [hbm4b:s6+s23], $0x20, s25, s23, $0xb8;
	[tilespmem:$0x12400] =	vst v63  }
0x110: {  	_ =	swait.ge [sflag:s19], $0x2000  }
0x111: {  	[sflag:s19] =	ssyncset.done $0x0  }
0x112: {  	[sflag:s19] =	ssyncadd.s32 $0xFFFFE000  }
0x113: {  	_ =	swait.ge [sflag:s19], $0x1000  }
0x114: {  	[sflag:s19] =	ssyncset.done $0x0  }
0x115: {  	[sflag:s19] =	ssyncadd.s32 $0xFFFFF000  }
0x116: {  	_ =	swait.ge [sflag:s19], $0x1000  }
0x117: {  	[sflag:s19] =	ssyncset.done $0x0  }
0x118: {  	[sflag:s19] =	ssyncadd.s32 $0xFFFFF000  }
0x119: {  	_ =	swait.ge [sflag:s19], $0x2000  }
0x11a: {  	[sflag:s19] =	ssyncset.done $0x0  }
0x11b: {  	s25 =	sadd.s32 $0xC00, s21;
	[sflag:s19] =	ssyncadd.s32 $0xFFFFE000  }
0x11c: {  	[tilespmem:s0], [sflag:$0x2] =	stream.indirect.gather [hbm4b:s3+s23], $0x20, s25, s23, $0xb8;
	[tilespmem:$0x12400] =	vst v63  }
0x11d: {  	s25 =	sadd.s32 $0xC80, s21  }
0x11e: {  	[tilespmem:s8], [sflag:$0x2] =	stream.indirect.gather [hbm4b:s3+s23], $0x20, s25, s23, $0xb8;
	[tilespmem:$0x12400] =	vst v63  }
0x11f: {  	s25 =	sadd.s32 $0xD00, s21  }
0x120: {  	[tilespmem:s7], [sflag:$0x2] =	stream.indirect.gather [hbm4b:s4+s23], $0x10, s25, s23, $0xb8;
	[tilespmem:$0x12400] =	vst v63  }
0x121: {  	s25 =	sadd.s32 $0xD80, s21  }
0x122: {  	[tilespmem:s10], [sflag:$0x2] =	stream.indirect.gather [hbm4b:s4+s23], $0x10, s25, s23, $0xb8;
	[tilespmem:$0x12400] =	vst v63  }
0x123: {  	s25 =	sadd.s32 $0xE00, s21  }
0x124: {  	[tilespmem:s9], [sflag:$0x2] =	stream.indirect.gather [hbm4b:s5+s23], $0x10, s25, s23, $0xb8;
	[tilespmem:$0x12400] =	vst v63  }
.Ltmp0:
0x125: {  	s25 =	sadd.s32 $0xE80, s21;
	(pc) =	sbr.rel @p0 .LBB2_2-.Ltmp0, $4  }
0x126: {  	[tilespmem:s12], [sflag:$0x2] =	stream.indirect.gather [hbm4b:s5+s23], $0x10, s25, s23, $0xb8;
	[tilespmem:$0x12400] =	vst v63  }
0x127: {  	s25 =	sadd.s32 $0xF00, s21  }
0x128: {  	[tilespmem:s11], [sflag:$0x2] =	stream.indirect.gather [hbm4b:s6+s23], $0x20, s25, s23, $0xb8;
	[tilespmem:$0x12400] =	vst v63  }
0x129: {  	s20 =	sadd.s32 $0x1800, s20;
	s21 =	sadd.s32 $0xF80, s21  }
0x12a: {  	s8 =	simm.s32 $0x11400  }
0x12b: {  	[tilespmem:s8], [sflag:$0x2] =	stream.indirect.gather [hbm4b:s6+s23], $0x20, s21, s23, $0xb8;
	[tilespmem:$0x12400] =	vst v63  }
0x12c: {  	_ =	swait.ge [sflag:s13], $0x1000  }
0x12d: {  	[sflag:s13] =	ssyncset.done $0x0  }
0x12e: {  	[sflag:s13] =	ssyncadd.s32 $0xFFFFF000  }
0x12f: {  	_ =	swait.ge [sflag:s13], $0x1000  }
0x130: {  	[sflag:s13] =	ssyncset.done $0x0  }
0x131: {  	[sflag:s13] =	ssyncadd.s32 $0xFFFFF000  }
0x132: {  	_ =	swait.ge [sflag:s13], $0x800  }
0x133: {  	[sflag:s13] =	ssyncset.done $0x0  }
0x134: {  	[sflag:s13] =	ssyncadd.s32 $0xFFFFF800  }
0x135: {  	_ =	swait.ge [sflag:s13], $0x800  }
0x136: {  	[sflag:s13] =	ssyncset.done $0x0  }
0x137: {  	[sflag:s13] =	ssyncadd.s32 $0xFFFFF800  }
0x138: {  	_ =	swait.ge [sflag:s13], $0x800  }
0x139: {  	[sflag:s13] =	ssyncset.done $0x0  }
0x13a: {  	[sflag:s13] =	ssyncadd.s32 $0xFFFFF800  }
0x13b: {  	_ =	swait.ge [sflag:s13], $0x800  }
0x13c: {  	[sflag:s13] =	ssyncset.done $0x0  }
0x13d: {  	[sflag:s13] =	ssyncadd.s32 $0xFFFFF800  }
0x13e: {  	_ =	swait.ge [sflag:s13], $0x1000  }
0x13f: {  	[sflag:s13] =	ssyncset.done $0x0  }
0x140: {  	[sflag:s13] =	ssyncadd.s32 $0xFFFFF000  }
0x141: {  	_ =	swait.ge [sflag:s13], $0x1000  }
0x142: {  	[sflag:s13] =	ssyncset.done $0x0  }
0x143: {  	s20 =	rddreg [dreg:$0x4];
	[sflag:s13] =	ssyncadd.s32 $0xFFFFF000  }
0x144: {  	[hbm4b:s20+s14] =	stream.strided.scatter [tilespmem:s24], [sflag:$0x3], $0x2000, s15, s14, $0x38;
	[tilespmem:$0x12400] =	vst v63  }
0x145: {  	s21 =	rddreg [dreg:$0x5]  }
0x146: {  	[hbm4b:s21+s16] =	stream.strided.scatter [tilespmem:s28], [sflag:$0x3], $0x1000, s15, s16, $0x38;
	[tilespmem:$0x12400] =	vst v63  }
0x147: {  	s22 =	rddreg [dreg:$0x6]  }
0x148: {  	[hbm4b:s22+s16] =	stream.strided.scatter [tilespmem:s1], [sflag:$0x3], $0x1000, s15, s16, $0x38;
	[tilespmem:$0x12400] =	vst v63  }
0x149: {  	s25 =	rddreg [dreg:$0x7]  }
0x14a: {  	[hbm4b:s25+s14] =	stream.strided.scatter [tilespmem:s31], [sflag:$0x3], $0x2000, s15, s14, $0x38;
	[tilespmem:$0x12400] =	vst v63  }
0x14b: {  	_ =	swait.ge [sflag:s17], $0x1000  }
0x14c: {  	[sflag:s17] =	ssyncset.done $0x0  }
0x14d: {  	[sflag:s17] =	ssyncadd.s32 $0xFFFFF000  }
0x14e: {  	_ =	swait.ge [sflag:s17], $0x1000  }
0x14f: {  	[sflag:s17] =	ssyncset.done $0x0  }
0x150: {  	[sflag:s17] =	ssyncadd.s32 $0xFFFFF000  }
0x151: {  	_ =	swait.ge [sflag:s17], $0x800  }
0x152: {  	[sflag:s17] =	ssyncset.done $0x0  }
0x153: {  	[sflag:s17] =	ssyncadd.s32 $0xFFFFF800  }
0x154: {  	_ =	swait.ge [sflag:s17], $0x800  }
0x155: {  	[sflag:s17] =	ssyncset.done $0x0  }
0x156: {  	[sflag:s17] =	ssyncadd.s32 $0xFFFFF800  }
0x157: {  	_ =	swait.ge [sflag:s17], $0x800  }
0x158: {  	[sflag:s17] =	ssyncset.done $0x0  }
0x159: {  	[sflag:s17] =	ssyncadd.s32 $0xFFFFF800  }
0x15a: {  	_ =	swait.ge [sflag:s17], $0x800  }
0x15b: {  	[sflag:s17] =	ssyncset.done $0x0  }
0x15c: {  	[sflag:s17] =	ssyncadd.s32 $0xFFFFF800  }
0x15d: {  	_ =	swait.ge [sflag:s17], $0x1000  }
0x15e: {  	[sflag:s17] =	ssyncset.done $0x0  }
0x15f: {  	[sflag:s17] =	ssyncadd.s32 $0xFFFFF000  }
0x160: {  	_ =	swait.ge [sflag:s17], $0x1000  }
0x161: {  	[sflag:s17] =	ssyncset.done $0x0  }
0x162: {  	s8 =	rddreg [dreg:$0x8];
	[sflag:s17] =	ssyncadd.s32 $0xFFFFF000  }
0x163: {  	[hbm4b:s8+s14] =	stream.strided.scatter [tilespmem:s0], [sflag:$0x4], $0x2000, s15, s14, $0x38;
	[tilespmem:$0x12400] =	vst v63  }
0x164: {  	s10 =	rddreg [dreg:$0x9]  }
0x165: {  	[hbm4b:s10+s16] =	stream.strided.scatter [tilespmem:s7], [sflag:$0x4], $0x1000, s15, s16, $0x38;
	[tilespmem:$0x12400] =	vst v63  }
0x166: {  	s12 =	rddreg [dreg:$0xa]  }
0x167: {  	[hbm4b:s12+s16] =	stream.strided.scatter [tilespmem:s9], [sflag:$0x4], $0x1000, s15, s16, $0x38;
	[tilespmem:$0x12400] =	vst v63  }
0x168: {  	s21 =	rddreg [dreg:$0xb]  }
0x169: {  	[hbm4b:s21+s14] =	stream.strided.scatter [tilespmem:s11], [sflag:$0x4], $0x2000, s15, s14, $0x38;
	[tilespmem:$0x12400] =	vst v63  }
0x16a: {  	_ =	swait.ge [sflag:s18], $0x2000  }
0x16b: {  	[sflag:s18] =	ssyncset.done $0x0  }
0x16c: {  	[sflag:s18] =	ssyncadd.s32 $0xFFFFE000  }
0x16d: {  	_ =	swait.ge [sflag:s18], $0x1000  }
0x16e: {  	[sflag:s18] =	ssyncset.done $0x0  }
0x16f: {  	[sflag:s18] =	ssyncadd.s32 $0xFFFFF000  }
0x170: {  	_ =	swait.ge [sflag:s18], $0x1000  }
0x171: {  	[sflag:s18] =	ssyncset.done $0x0  }
0x172: {  	[sflag:s18] =	ssyncadd.s32 $0xFFFFF000  }
0x173: {  	_ =	swait.ge [sflag:s18], $0x2000  }
0x174: {  	[sflag:s18] =	ssyncset.done $0x0  }
0x175: {  	[sflag:s18] =	ssyncadd.s32 $0xFFFFE000  }
0x176: {  	_ =	swait.ge [sflag:s19], $0x2000  }
0x177: {  	[sflag:s19] =	ssyncset.done $0x0  }
0x178: {  	[sflag:s19] =	ssyncadd.s32 $0xFFFFE000  }
0x179: {  	_ =	swait.ge [sflag:s19], $0x1000  }
0x17a: {  	[sflag:s19] =	ssyncset.done $0x0  }
0x17b: {  	[sflag:s19] =	ssyncadd.s32 $0xFFFFF000  }
0x17c: {  	_ =	swait.ge [sflag:s19], $0x1000  }
0x17d: {  	[sflag:s19] =	ssyncset.done $0x0  }
0x17e: {  	[sflag:s19] =	ssyncadd.s32 $0xFFFFF000  }
0x17f: {  	_ =	swait.ge [sflag:s19], $0x2000  }
0x180: {  	[sflag:s19] =	ssyncset.done $0x0  }
0x181: {  	s22 =	simm.s32 $0x6000;
	[sflag:s19] =	ssyncadd.s32 $0xFFFFE000  }
0x182: {  	[tilespmem:s24], [sflag:$0x1] =	stream.indirect.gather [hbm4b:s3+s23], $0x20, s22, s23, $0xb8;
	[tilespmem:$0x12400] =	vst v63  }
0x183: {  	s25 =	simm.s32 $0x6080  }
0x184: {  	[tilespmem:s30], [sflag:$0x1] =	stream.indirect.gather [hbm4b:s3+s23], $0x20, s25, s23, $0xb8;
	[tilespmem:$0x12400] =	vst v63  }
0x185: {  	s10 =	simm.s32 $0x6100  }
0x186: {  	[tilespmem:s28], [sflag:$0x1] =	stream.indirect.gather [hbm4b:s4+s23], $0x10, s10, s23, $0xb8;
	[tilespmem:$0x12400] =	vst v63  }
0x187: {  	s12 =	simm.s32 $0x6180  }
0x188: {  	[tilespmem:s26], [sflag:$0x1] =	stream.indirect.gather [hbm4b:s4+s23], $0x10, s12, s23, $0xb8;
	[tilespmem:$0x12400] =	vst v63  }
0x189: {  	s20 =	simm.s32 $0x6200  }
0x18a: {  	[tilespmem:s1], [sflag:$0x1] =	stream.indirect.gather [hbm4b:s5+s23], $0x10, s20, s23, $0xb8;
	[tilespmem:$0x12400] =	vst v63  }
0x18b: {  	s21 =	simm.s32 $0x6280  }
0x18c: {  	[tilespmem:s29], [sflag:$0x1] =	stream.indirect.gather [hbm4b:s5+s23], $0x10, s21, s23, $0xb8;
	[tilespmem:$0x12400] =	vst v63  }
0x18d: {  	s22 =	simm.s32 $0x6300  }
0x18e: {  	[tilespmem:s31], [sflag:$0x1] =	stream.indirect.gather [hbm4b:s6+s23], $0x20, s22, s23, $0xb8;
	[tilespmem:$0x12400] =	vst v63  }
0x18f: {  	s25 =	simm.s32 $0x6380  }
0x190: {  	[tilespmem:s2], [sflag:$0x1] =	stream.indirect.gather [hbm4b:s6+s23], $0x20, s25, s23, $0xb8;
	[tilespmem:$0x12400] =	vst v63  }
0x191: {  	_ =	swait.ge [sflag:s13], $0x1000  }
0x192: {  	[sflag:s13] =	ssyncset.done $0x0  }
0x193: {  	[sflag:s13] =	ssyncadd.s32 $0xFFFFF000  }
0x194: {  	_ =	swait.ge [sflag:s13], $0x1000  }
0x195: {  	[sflag:s13] =	ssyncset.done $0x0  }
0x196: {  	[sflag:s13] =	ssyncadd.s32 $0xFFFFF000  }
0x197: {  	_ =	swait.ge [sflag:s13], $0x800  }
0x198: {  	[sflag:s13] =	ssyncset.done $0x0  }
0x199: {  	[sflag:s13] =	ssyncadd.s32 $0xFFFFF800  }
0x19a: {  	_ =	swait.ge [sflag:s13], $0x800  }
0x19b: {  	[sflag:s13] =	ssyncset.done $0x0  }
0x19c: {  	[sflag:s13] =	ssyncadd.s32 $0xFFFFF800  }
0x19d: {  	_ =	swait.ge [sflag:s13], $0x800  }
0x19e: {  	[sflag:s13] =	ssyncset.done $0x0  }
0x19f: {  	[sflag:s13] =	ssyncadd.s32 $0xFFFFF800  }
0x1a0: {  	_ =	swait.ge [sflag:s13], $0x800  }
0x1a1: {  	[sflag:s13] =	ssyncset.done $0x0  }
0x1a2: {  	[sflag:s13] =	ssyncadd.s32 $0xFFFFF800  }
0x1a3: {  	_ =	swait.ge [sflag:s13], $0x1000  }
0x1a4: {  	[sflag:s13] =	ssyncset.done $0x0  }
0x1a5: {  	[sflag:s13] =	ssyncadd.s32 $0xFFFFF000  }
0x1a6: {  	_ =	swait.ge [sflag:s13], $0x1000  }
0x1a7: {  	[sflag:s13] =	ssyncset.done $0x0  }
0x1a8: {  	s8 =	rddreg [dreg:$0xc];
	[sflag:s13] =	ssyncadd.s32 $0xFFFFF000  }
0x1a9: {  	[hbm4b:s8+s14] =	stream.strided.scatter [tilespmem:s24], [sflag:$0x3], $0x2000, s15, s14, $0x38;
	[tilespmem:$0x12400] =	vst v63  }
0x1aa: {  	s10 =	rddreg [dreg:$0xd]  }
0x1ab: {  	[hbm4b:s10+s16] =	stream.strided.scatter [tilespmem:s28], [sflag:$0x3], $0x1000, s15, s16, $0x38;
	[tilespmem:$0x12400] =	vst v63  }
0x1ac: {  	s12 =	rddreg [dreg:$0xe]  }
0x1ad: {  	[hbm4b:s12+s16] =	stream.strided.scatter [tilespmem:s1], [sflag:$0x3], $0x1000, s15, s16, $0x38;
	[tilespmem:$0x12400] =	vst v63  }
0x1ae: {  	s21 =	rddreg [dreg:$0xf]  }
0x1af: {  	[hbm4b:s21+s14] =	stream.strided.scatter [tilespmem:s31], [sflag:$0x3], $0x2000, s15, s14, $0x38;
	[tilespmem:$0x12400] =	vst v63  }
0x1b0: {  	_ =	swait.ge [sflag:s18], $0x2000  }
0x1b1: {  	[sflag:s18] =	ssyncset.done $0x0  }
0x1b2: {  	[sflag:s18] =	ssyncadd.s32 $0xFFFFE000  }
0x1b3: {  	_ =	swait.ge [sflag:s18], $0x1000  }
0x1b4: {  	[sflag:s18] =	ssyncset.done $0x0  }
0x1b5: {  	[sflag:s18] =	ssyncadd.s32 $0xFFFFF000  }
0x1b6: {  	_ =	swait.ge [sflag:s18], $0x1000  }
0x1b7: {  	[sflag:s18] =	ssyncset.done $0x0  }
0x1b8: {  	[sflag:s18] =	ssyncadd.s32 $0xFFFFF000  }
0x1b9: {  	_ =	swait.ge [sflag:s18], $0x2000  }
0x1ba: {  	s22 =	rddreg [dreg:$0x12]  }
0x1bb: {  	s25 =	rddreg [dreg:$0x10];
	s2 =	sadd.s32 $0x1, s22  }
0x1bc: {  	p0 =	sne.s32 s2, s25  }
.Ltmp1:
0x1bd: {  	_ = 	snop;
	(pc) =	sbr.rel @p0 .LBB2_1-.Ltmp1, $3  }
0x1be: {  	_ =	sdelay $0x1  }
0x1bf: {  	s8 =	simm.s32 $0xD400;
	[sflag:s18] =	ssyncset.done $0x0  }
0x1c0: {  	s10 =	simm.s32 $0xEC00;
	s12 =	simm.s32 $0xFC00;
	[sflag:s18] =	ssyncadd.s32 $0xFFFFE000  }
0x1c1: {  	_ =	sfence.sel $0x180000  }
0x1c2: {  	[bflag:$0x0] =	sbarrier.arrive $0xFFFF  }
0x1c3: {  	_ =	strace $0x90000047  }
0x1c4: {  	s0 =	stileid.u32;
	[bflag:$0x2] =	sbarrier.arrive $0xFFFF  }
0x1c5: {  	p0 =	sne.s32 s0, $0x0;
	s0 =	rddreg [dreg:$0x2]  }
0x1c6: {  	s0 =	sadd.s32 @!p0 $0x100000, s0  }
0x1c7: {  	[sflag:s0] =	ssyncadd.tile.s32 @!p0 $0x1;
	_ =	shalt  }
.Lfunc_end2:
_tile_overlayer_lowered:
.L_overlay_start_2:
0x1c8: {  	(tag) =	ssettag $0x2  }
0x1c9: {  	s0 =	rddreg [dreg:$0x0];
	s2 =	stileid.u32  }
0x1ca: {  	s1 =	rddreg [dreg:$0x1];
	p0 =	sne.s32 s2, $0x0  }
0x1cb: {  	s3 =	rddreg [dreg:$0x2];
	[bflag:$0x3] =	sbarrier.arrive $0xFFFF;
	s2 =	simm.s32 @!p0 $0x1C05  }
0x1cc: {  	[timem:s3], [sflag:s2] =	dma.local @!p0 [hbm:s0], s1  }
0x1cd: {  	s0 =	simm.s32 @!p0 $0x5  }
0x1ce: {  	_ =	swait.ge @!p0 [sflag:s0], s1  }
0x1cf: {  	s1 =	ssub.s32 @!p0 $0x0, s1;
	[sflag:s0] =	ssyncset.done @!p0 $0x0  }
0x1d0: {  	[sflag:s0] =	ssyncadd.s32 @!p0 s1  }
0x1d1: {  	[bflag:$0x3] =	sbarrier.arrive $0xFFFF  }
0x1d2: {  	_ =	shalt  }

// kernel: sparse-core-data-format-call.cloned.1.call-start
scs
called_computation_lowered:
.L_overlay_start_0:
0x0: {  	s2 =	sld [smem:$0x3FD9]  }
0x1: {  	s3 =	sld [smem:$0x3FFE];
	_ =	sdelay $0x1  }
0x2: {  	s1 =	srdreg.scid  }
0x3: {  	s0 =	sand.u32 $0x1, s1  }
0x4: {  	s18 =	sshll.u32 s0, $0xA;
	s2 =	sadd.s32 s3, s2  }
0x5: {  	s2 =	sadd.s32 s2, s18  }
0x6: {  	[smem:$0x3FC1] =	sst s2  }
0x7: {  	_ = 	snop  }
0x8: {  	s2 =	sld [smem:$0x3FD0];
	(tm) =	ssettm $0x1  }
0x9: {  	s19 =	sld [smem:$0x3FFB];
	_ =	sdelay $0x3  }
0xa: {  	_ =	strace s19  }
0xb: {  	s3 =	sld [smem:$0x3FFC];
	_ =	sdelay $0x3  }
0xc: {  	_ =	strace s3  }
0xd: {  	s3 =	sld [smem:$0x3FFD];
	_ =	sdelay $0x3  }
0xe: {  	_ =	strace s3  }
0xf: {  	_ =	strace $0x8FFFFFFF  }
0x10: {  	s20 =	sld [smem:$0x3FDB];
	_ =	sdelay $0x1  }
0x11: {  	s4 =	simm.s32 $_scs_section_size  }
0x12: {  	s5 =	simm.s32 $_size__tile_overlayer_lowered;
	s6 =	simm.s32 $_tile_overlayer_lowered  }
0x13: {  	s23 =	simm.s32 $0x1BFF;
	s22 =	sshll.u32 s6, $0x1;
	s3 =	sadd.s32 s4, s20  }
0x14: {  	s7 =	simm.s32 $0x0;
	s21 =	sshll.u32 s5, $0x1;
	s5 =	sadd.s32 s22, s3  }
0x15: {  	[timem:s7], [sflag:s23] =	dma.local [hbm:s5], s21  }
0x16: {  	_ =	swait.ge [sflag:s23], s21  }
0x17: {  	s4 =	ssub.s32 $0x0, s21;
	[sflag:s23] =	ssyncset.done $0x0  }
0x18: {  	[sflag:s23] =	ssyncadd.s32 s4;
	_ =	sdelay $0x1  }
0x19: {  	s24 =	simm.s32 $0x1B8B  }
0x1a: {  	_ =	swait.ge [sflag:s24], $0x1  }
0x1b: {  	[sflag:s24] =	ssyncset.done $0x0  }
0x1c: {  	s26 =	simm.s32 $0x1B8E;
	s25 =	sld [smem:$0x3FFE];
	[sflag:s24] =	ssyncadd.s32 $0xFFFFFFFF  }
0x1d: {  	s27 =	simm.s32 $execute0_lowered;
	[smem:$0x3FD2] =	sst s26  }
0x1e: {  	s5 =	sshll.u32 s27, $0x1;
	_ =	strace $0x80000049;
	[dreg:$0x1] =	wrdreg $0xFFFFFFFF  }
0x1f: {  	s28 =	simm.s32 $_size_execute0_lowered;
	s3 =	sadd.s32 s3, s5;
	[dreg:$0x0] =	wrdreg $0x0  }
0x20: {  	s5 =	sshll.u32 s28, $0x1;
	[dreg:$0x2] =	wrdreg s3  }
0x21: {  	[dreg:$0x3] =	wrdreg s5  }
0x22: {  	[dreg:$0x4] =	wrdreg $0xC0  }
0x23: {  	_ =	task [dreg:s7], $0x5FFFF  }
0x24: {  	[dreg:$0x1] =	wrdreg $0xFFFFFFFF  }
0x25: {  	[dreg:$0x0] =	wrdreg $0x60  }
0x26: {  	[dreg:$0x2] =	wrdreg s25  }
0x27: {  	[dreg:$0x3] =	wrdreg s2  }
0x28: {  	[dreg:$0x4] =	wrdreg $0x9  }
0x29: {  	_ =	task.clear_ibuf [dreg:s7], $0x5FFFF;
	_ =	strace $0x90000049  }
0x2a: {  	s29 =	simm.s32 $0x9;
	_ =	strace $0x8000004B  }
0x2b: {  	_ =	swait.ge [sflag:s29], $0x1  }
0x2c: {  	[sflag:s29] =	ssyncadd.s32 $0xFFFFFFFF  }
0x2d: {  	_ =	strace $0x9000004B  }
0x2e: {  	_ =	sfence  }
0x2f: {  	s30 =	sld [smem:$0x0];
	_ =	sdelay $0x2  }
0x30: {  	s31 =	sshll.u32 s1, $0xD;
	s1 =	sshrl.u32 s1, $0x2  }
0x31: {  	s3 =	sand.u32 $0x4000, s31;
	s1 =	sadd.s32 s1, s30  }
0x32: {  	s0 =	sor.u32 s3, s0;
	s1 =	sshll.u32 s1, $0x11  }
0x33: {  	s0 =	sor.u32 s1, s0  }
0x34: {  	s0 =	sadd.s32 $0x8F2B, s0  }
0x35: {  	[sflag:s0] =	ssyncadd.remote.s32 $0x1  }
0x36: {  	_ =	sfence.sel $0xFFFF  }
0x37: {  	[dreg:$0x0] =	wrdreg $0xFFFFFFFF;
	(pc) =	sbr.abs _section_cstart, $3  }
0x38: {  	[dreg:$0x1] =	wrdreg $0xFFFFFFFF  }
0x39: {  	_ =	task.clear_ibuf [dreg:s7], $0x2FFFF;
	_ =	strace $0x9FFFFFFF  }
0x3a: {  	(tm) =	ssettm $0x7FFFFFFF  }
0x3b: {  	_ =	shalt  }
tec
execute0_lowered:
.L_overlay_start_1:
0x0: {  	(tag) =	ssettag $0x1  }
0x1: {  	s0 =	srdreg.scid  }
0x2: {  	s1 =	sshll.u32 s0, $0x4  }
0x3: {  	s6 =	rddreg [dreg:$0x0];
	s0 =	stileid.u32;
	s1 =	sand.u32 $0x10, s1  }
0x4: {  	s3 =	rddreg [dreg:$0x1];
	s1 =	sor.u32 s0, s1  }
0x5: {  	s5 =	simm.s32 $0x1;
	s31 =	simm.s32 $0x2;
	s2 =	sshll.u32 s1, $0x7  }
0x6: {  	s15 =	simm.s32 $0x0;
	s8 =	simm.s32 $0x8000;
	s4 =	ssub.s32 $0x1000, s2  }
0x7: {  	s14 =	simm.s32 $0x0;
	s9 =	simm.s32 $0x0;
	s30 =	sand.u32 $0xF80, s4  }
0x8: {  	s10 =	simm.s32 $0x0;
	s11 =	simm.s32 $0x0;
	p0 =	sne.s32 s30, $0x0  }
.Ltmp0:
0x9: {  	s7 =	sshrl.u32 s4, $0xC;
	s5 =	simm.s32 @!p0 $0x0;
	(pc) =	sbr.rel .LBB1_1-.Ltmp0, $4  }
0xa: {  	s13 =	simm.s32 $0x0;
	s1 =	rddreg [dreg:$0x2];
	s5 =	sadd.s32 s5, s7  }
0xb: {  	_ =	strace $0x8000004A;
	s4 =	simm.s32 $0x1;
	s5 =	smul.u32 $0x32, s5  }
0xc: {  	s6 =	sadd.s32 $0x2C00, s6;
	s12 =	smov.u32 s2;
	[sflag:s4] =	ssyncpa.u1 $0x0  }
0xd: {  	[sflag:s31] =	ssyncpa.u1 $0x0;
	p0 =	por $0x0, $0x0;
	s7 =	sor.u32 $0x1, s5  }
.LBB1_4:
0xe: {  	s20 =	sshra.s32 s20, $0x2;
	s28 =	sshll.u32 s10, $0x3;
	p1 =	sgt.s32 s9, $0x31  }
0xf: {  	s21 =	smov.u32 s9;
	s23 =	sshra.s32 s9, $0x1F;
	s24 =	smov.u32 s10  }
0x10: {  	v5 =	vld [tilespmem:s17+$0xFFFFFFD0];
	[tilespmem:s18+$0x2040 ss:$0x81] =	vst.msk $0xffff, v4;
	s25 =	sshra.s32 s10, $0x1F;
	s26 =	sand.u32 $0x78, s10;
	s19 =	sadd.s32 s20, s19  }
0x11: {  	v58 =	vld [tilespmem:s17+$0xFFFFFFE0];
	[tilespmem:s18+$0x2850 ss:$0x81] =	vst.msk $0xffff, v3;
	s22 =	sshrl.u32 s28, $0xC;
	s21 =	simm.s32 @!p1 $0x31;
	s23 =	sand.u32 s23, s9  }
0x12: {  	v59 =	vld [tilespmem:s17+$0xFFFFFFF0];
	[tilespmem:s18+$0x3060 ss:$0x81] =	vst.msk $0xffff, v2;
	p1 =	sgt.s32 s10, $0xF80;
	s29 =	sand.u32 s25, s10;
	s20 =	sand.u32 $0xC00, s28  }
0x13: {  	v60 =	vld [tilespmem:s17+$0x0];
	[tilespmem:s18+$0x0 ss:$0x81] =	vst.msk $0xffff, v0;
	s28 =	smul.u32 $0xC000, s9;
	s21 =	ssub.s32 s21, s23;
	s24 =	simm.s32 @!p1 $0xF80  }
0x14: {  	v61 =	vld [tilespmem:s17+$0x10];
	s30 =	smulhi.u32 $0x2AAAAAB, s22;
	[tilespmem:s19+$0x3870 ss:$0x81] =	vst.msk $0xffff, v1;
	s20 =	sor.u32 s26, s20;
	s31 =	ssub.s32 $0x32, s21  }
0x15: {  	v62 =	vld [tilespmem:s17+$0x20];
	s23 =	ssub.s32 s24, s29;
	s21 =	sadd.s32 $0xFFFFFFCF, s21;
	s25 =	smul.u32 $0x60, s31;
	[tilespmem:s19+$0x810 ss:$0x81] =	vst.msk $0xffff, v5  }
0x16: {  	v63 =	vld [tilespmem:s17+$0xFFFFFFC0];
	s18 =	smul.u32 $0x60, s30;
	p1 =	sgt.s32 s21, $0x0;
	s27 =	sadd.s32 $0xFFFFF080, s23;
	[tilespmem:s19+$0x1020 ss:$0x81] =	vst.msk $0xffff, v58  }
0x17: {  	s17 =	ssub.s32 $0x1000, s23;
	[tilespmem:s19+$0x1830 ss:$0x81] =	vst.msk $0xffff, v59;
	s25 =	simm.s32 @p1 $0x0;
	p1 =	sgt.s32 s27, $0x7F  }
0x18: {  	s29 =	sand.u32 $0x7, s10;
	[tilespmem:s19+$0x2040 ss:$0x81] =	vst.msk $0xffff, v60;
	s18 =	ssub.s32 s22, s18;
	s17 =	simm.s32 @p1 $0x0  }
0x19: {  	s21 =	sadd.s32 s3, s28;
	[tilespmem:s19+$0x2850 ss:$0x81] =	vst.msk $0xffff, v61;
	s18 =	sshll.u32 s18, $0x9;
	s17 =	smul.u32 s17, s25  }
0x1a: {  	s20 =	sshrl.u32 s20, $0x3;
	s30 =	sshll.u32 s29, $0x12;
	[tilespmem:s19+$0x3060 ss:$0x81] =	vst.msk $0xffff, v62;
	s18 =	sadd.s32 s18, s21  }
0x1b: {  	[tilespmem:s19+$0x0 ss:$0x81] =	vst.msk $0xffff, v63;
	s31 =	sor.u32 $0x400, s30;
	s18 =	sadd.s32 s20, s18;
	s17 =	sand.u32 $0x3FFFFFE0, s17  }
0x1c: {  	[hbm4b:s18+s31] =	stream.strided.scatter [tilespmem:s16], [sflag:$0x2], s17, s8, s31, $0x20;
	[tilespmem:$0x10100] =	vst v63  }
.LBB1_5:
0x1d: {  	p1 =	slt.u32 s13, $0x2  }
0x1e: {  	s17 =	smov.u32 s15;
	p2 =	sgt.s32 @!p1 s15, $0x31;
	s16 =	sshra.s32 @!p1 s15, $0x1F  }
0x1f: {  	p3 =	sgt.s32 @!p1 s14, $0xF80;
	s18 =	sshra.s32 @!p1 s14, $0x1F;
	p2 =	por !p2, p1  }
0x20: {  	s15 =	sand.u32 @!p1 s16, s15;
	p3 =	por !p3, p1;
	s16 =	smov.u32 s14  }
0x21: {  	s14 =	sand.u32 @!p1 s18, s14;
	s17 =	simm.s32 @p2 $0x31;
	s16 =	simm.s32 @p3 $0xF80  }
0x22: {  	s18 =	smov.u32 s12;
	s15 =	ssub.s32 @!p1 s17, s15;
	s14 =	ssub.s32 @!p1 s16, s14  }
0x23: {  	s16 =	sadd.s32 @!p1 $0xFFFFFFCF, s15;
	s15 =	ssub.s32 @!p1 $0x32, s15;
	s17 =	sadd.s32 @!p1 $0xFFFFF080, s14  }
0x24: {  	p2 =	sgt.s32 @!p1 s16, $0x0;
	s15 =	smul.u32 @!p1 $0x60, s15;
	p3 =	sgt.s32 @!p1 s17, $0x7F  }
0x25: {  	s14 =	ssub.s32 @!p1 $0x1000, s14;
	p2 =	por !p2, p1;
	p3 =	por !p3, p1  }
0x26: {  	s16 =	sadd.s32 $0x1, s11;
	s15 =	simm.s32 @!p2 $0x0;
	s14 =	simm.s32 @!p3 $0x0  }
0x27: {  	p2 =	sgt.s32 s16, $0x31;
	s14 =	smul.u32 @!p1 s14, s15;
	s15 =	sadd.s32 $0x1000, s12  }
0x28: {  	s18 =	smov.u32 @p2 s15  }
0x29: {  	s16 =	simm.s32 @p2 $0x0;
	p2 =	sgt.s32 s18, $0xFFF  }
0x2a: {  	s18 =	smov.u32 @p2 s2;
	p2 =	sne.s32 s13, s7  }
.Ltmp1:
0x2b: {  	p0 =	por !p0, !p0;
	s17 =	simm.s32 @!p1 $0x2;
	(pc) =	sbr.rel @!p2 .LBB1_6-.Ltmp1, $4  }
0x2c: {  	s15 =	smov.u32 s9;
	s9 =	smov.u32 s11;
	s14 =	sand.u32 @!p1 $0x3FFFFFE0, s14  }
0x2d: {  	s11 =	smov.u32 s16;
	_ =	swait.ge @!p1 [sflag:s17], s14;
	s19 =	ssub.s32 @!p1 $0x0, s14  }
0x2e: {  	s14 =	smov.u32 s10;
	s13 =	sadd.s32 $0x1, s13;
	[sflag:s17] =	ssyncset.done @!p1 $0x0  }
0x2f: {  	s10 =	smov.u32 s12;
	s12 =	smov.u32 s18;
	[sflag:s17] =	ssyncadd.s32 @!p1 s19  }
.LBB1_1:
0x30: {  	p1 =	sge.u32 s13, s5  }
0x31: {  	s16 =	sand.u32 @!p1 $0x1FFFFFF, s11  }
0x32: {  	s17 =	smulhi.u32 @!p1 $0x4924925, s16;
	_ =	sdelay $0x1  }
0x33: {  	s17 =	smul.u32 @!p1 $0x38, s17  }
0x34: {  	s18 =	sxor.u32 @!p1 $0xFFFFFFFF, s13;
	s19 =	smul.u32 @!p1 $0x380, s12  }
0x35: {  	s31 =	sadd.s32 $0xFFFFFFFF, s13;
	s18 =	sshll.u32 @!p1 s18, $0xE;
	s16 =	ssub.s32 @!p1 s16, s17  }
0x36: {  	s17 =	sand.u32 @!p1 $0x4000, s18;
	s18 =	sadd.s32 @!p1 s6, s19;
	s16 =	sshll.u32 @!p1 s16, $0x4  }
0x37: {  	s19 =	simm.s32 @!p1 $0x1C00;
	s16 =	sadd.s32 @!p1 s16, s18;
	s18 =	simm.s32 @!p1 $0x80  }
0x38: {  	[tilespmem:s17], [sflag:$0x1] =	stream.strided.gather @!p1 [hbm4b:s16+s18], $0x4000, s19, s18, $0x38;
	[tilespmem:$0x10100] =	vst v63  }
0x39: {  	p1 =	sge.u32 s31, s5  }
.Ltmp2:
0x3a: {  	_ = 	snop;
	(pc) =	sbr.rel @p1 .LBB1_5-.Ltmp2, $1  }
0x3b: {  	_ =	sdelay $0x3  }
0x3c: {  	s16 =	simm.s32 $0x1  }
0x3d: {  	_ =	swait.ge [sflag:s4], $0x4000;
	s16 =	simm.s32 @!p0 $0x0  }
0x3e: {  	[sflag:s4] =	ssyncset.done $0x0;
	s17 =	sshll.u32 s16, $0xE  }
0x3f: {  	[sflag:s4] =	ssyncadd.s32 $0xFFFFC000;
	s17 =	sor.u32 $0x40, s17  }
0x40: {  	s16 =	smul.u32 $0x10200, s16;
	v0 =	vld [tilespmem:s17+$0x30]  }
0x41: {  	v1 =	vld [tilespmem:s17+$0xFFFFFFD0]  }
0x42: {  	s16 =	sshrl.u32 s16, $0x2;
	v5 =	vld [tilespmem:s17+$0xFFFFFFE0]  }
0x43: {  	v6 =	vld [tilespmem:s17+$0xFFFFFFF0];
	s19 =	sor.u32 $0x8000, s16  }
0x44: {  	s31 =	sand.u32 $0x1, s13;
	v4 =	vld [tilespmem:s17+$0x0];
	s18 =	sadd.s32 $0x0, s19  }
0x45: {  	v3 =	vld [tilespmem:s17+$0x10];
	s16 =	smul.u32 $0x10200, s31;
	[tilespmem:s18+$0x3870 ss:$0x81] =	vst.msk $0xffff, v0  }
0x46: {  	v2 =	vld [tilespmem:s17+$0x20];
	[tilespmem:s18+$0x810 ss:$0x81] =	vst.msk $0xffff, v1  }
0x47: {  	s16 =	sshrl.u32 s16, $0x2;
	v0 =	vld [tilespmem:s17+$0xFFFFFFC0];
	[tilespmem:s18+$0x1020 ss:$0x81] =	vst.msk $0xffff, v5;
	s17 =	sadd.s32 $0x80, s17  }
0x48: {  	s20 =	simm.s32 $0x4;
	s21 =	simm.s32 $0x8;
	s16 =	sor.u32 $0x8000, s16;
	[tilespmem:s18+$0x1830 ss:$0x81] =	vst.msk $0xffff, v6;
	v1 =	vld [tilespmem:s17+$0x30]  }
.LBB1_3:
0x49: {  	p1 =	sne.s32 s21, $0x1FC;
	v5 =	vld [tilespmem:s17+$0xFFFFFFD0];
	[tilespmem:s18+$0x2040 ss:$0x81] =	vst.msk $0xffff, v4  }
0x4a: {  	v6 =	vld [tilespmem:s17+$0xFFFFFFE0];
	[tilespmem:s18+$0x2850 ss:$0x81] =	vst.msk $0xffff, v3  }
0x4b: {  	s22 =	sshra.s32 s20, $0x2;
	s20 =	smov.u32 s21;
	v7 =	vld [tilespmem:s17+$0xFFFFFFF0];
	[tilespmem:s18+$0x3060 ss:$0x81] =	vst.msk $0xffff, v2  }
.Ltmp3:
0x4c: {  	v4 =	vld [tilespmem:s17+$0x0];
	[tilespmem:s18+$0x0 ss:$0x81] =	vst.msk $0xffff, v0;
	s18 =	sadd.s32 s22, s19;
	(pc) =	sbr.rel @p1 .LBB1_3-.Ltmp3, $4  }
0x4d: {  	v3 =	vld [tilespmem:s17+$0x10];
	[tilespmem:s18+$0x3870 ss:$0x81] =	vst.msk $0xffff, v1  }
0x4e: {  	[tilespmem:s18+$0x810 ss:$0x81] =	vst.msk $0xffff, v5;
	v2 =	vld [tilespmem:s17+$0x20]  }
0x4f: {  	v0 =	vld [tilespmem:s17+$0xFFFFFFC0];
	[tilespmem:s18+$0x1020 ss:$0x81] =	vst.msk $0xffff, v6;
	s17 =	sadd.s32 $0x80, s17  }
0x50: {  	s21 =	sadd.s32 $0x4, s21;
	v1 =	vld [tilespmem:s17+$0x30];
	[tilespmem:s18+$0x1830 ss:$0x81] =	vst.msk $0xffff, v7  }
.Ltmp4:
0x51: {  	_ = 	snop;
	(pc) =	sbr.rel .LBB1_4-.Ltmp4, $1  }
0x52: {  	_ =	sdelay $0x3  }
.LBB1_6:
0x53: {  	_ =	sfence.sel $0x180000  }
0x54: {  	s2 =	simm.s32 $0x1;
	[bflag:$0x0] =	sbarrier.arrive $0xFFFF  }
0x55: {  	s31 =	simm.s32 $0x2;
	[sflag:s2] =	ssyncpa.u1 $0x1  }
0x56: {  	[sflag:s31] =	ssyncpa.u1 $0x1  }
0x57: {  	p0 =	sne.s32 s0, $0x0;
	_ =	strace $0x9000004A  }
0x58: {  	s0 =	sadd.s32 @!p0 $0x100000, s1;
	[bflag:$0x2] =	sbarrier.arrive $0xFFFF  }
0x59: {  	[sflag:s0] =	ssyncadd.tile.s32 @!p0 $0x1;
	_ =	shalt  }
.Lfunc_end1:
_tile_overlayer_lowered:
.L_overlay_start_2:
0x5a: {  	(tag) =	ssettag $0x2  }
0x5b: {  	s0 =	rddreg [dreg:$0x0];
	s2 =	stileid.u32  }
0x5c: {  	s1 =	rddreg [dreg:$0x1];
	p0 =	sne.s32 s2, $0x0  }
0x5d: {  	s3 =	rddreg [dreg:$0x2];
	[bflag:$0x3] =	sbarrier.arrive $0xFFFF;
	s2 =	simm.s32 @!p0 $0x1C01  }
0x5e: {  	[timem:s3], [sflag:s2] =	dma.local @!p0 [hbm:s0], s1  }
0x5f: {  	s0 =	simm.s32 @!p0 $0x1  }
0x60: {  	_ =	swait.ge @!p0 [sflag:s0], s1  }
0x61: {  	s1 =	ssub.s32 @!p0 $0x0, s1;
	[sflag:s0] =	ssyncset.done @!p0 $0x0  }
0x62: {  	[sflag:s0] =	ssyncadd.s32 @!p0 s1  }
0x63: {  	[bflag:$0x3] =	sbarrier.arrive $0xFFFF  }
0x64: {  	_ =	shalt  }

</sc_bundles>
